<compile_context>
chip_gen: v7x
topology: tpu7x:2x2x1
jax: 0.10.2.dev20260603
libtpu: 0.0.44.dev20260713+nightly
codegen_flags: <defaults>
</compile_context>

<pallas_src>
import functools

import jax
import jax.numpy as jnp
from jax import lax
from jax.experimental import pallas as pl
from jax.experimental.pallas import tpu as pltpu
from jax.experimental.pallas import tpu_sc as plsc

N = 10000
D = 128
E = 320000
OUT = 128

NC = 2
NS = 16
LANES = 16
NW = NC * NS
CH = 128
NCH = 4 * (-(-E // (NW * CH * 4)))
HALF = NCH // 2
PAIR_PH = HALF // 2
E_PAD = NW * NCH * CH
STRIPE = 632
N_ACC = STRIPE * NS

@functools.cache
def _sc_mesh():
    return plsc.VectorSubcoreMesh(
        core_axis_name="c", subcore_axis_name="s",
        num_cores=NC, num_subcores=NS)


def _sc_agg_body(table, src_r, dst_r, zero_rows, out,
                 idx_s, idx_d, rows0, rows1, accum, sem0, sem1, ssem0, ssem1):
    c = lax.axis_index("c")
    s = lax.axis_index("s")
    w = s * NC + c
    pltpu.sync_copy(zero_rows.at[pl.ds(s * STRIPE, STRIPE)],
                    accum.at[pl.ds(s * STRIPE, STRIPE)])
    plsc.subcore_barrier()

    for half in range(2):
        base = half * HALF
        pltpu.sync_copy(src_r.at[w, pl.ds(base, HALF)], idx_s)
        pltpu.sync_copy(dst_r.at[w, pl.ds(base, HALF)], idx_d)
        pltpu.async_copy(table.at[idx_s.at[0]], rows0, sem0)
        pltpu.async_copy(table.at[idx_s.at[1]], rows1, sem1)

        def pair(i, carry):
            k0 = 2 * i
            k1 = k0 + 1
            pltpu.make_async_copy(table.at[idx_s.at[k0]], rows0, sem0).wait()
            pltpu.async_copy(rows0, accum.at[idx_d.at[k0]], ssem0, add=True)
            pltpu.make_async_copy(table.at[idx_s.at[k1]], rows1, sem1).wait()
            pltpu.async_copy(rows1, accum.at[idx_d.at[k1]], ssem1, add=True)

            @pl.when(i < PAIR_PH - 1)
            def _():
                pltpu.make_async_copy(rows0, accum.at[idx_d.at[k0]],
                                      ssem0).wait()
                pltpu.async_copy(table.at[idx_s.at[k0 + 2]], rows0, sem0)
                pltpu.make_async_copy(rows1, accum.at[idx_d.at[k1]],
                                      ssem1).wait()
                pltpu.async_copy(table.at[idx_s.at[k1 + 2]], rows1, sem1)

            return carry

        lax.fori_loop(0, PAIR_PH, pair, 0)
        pltpu.make_async_copy(rows0, accum.at[idx_d.at[HALF - 2]],
                              ssem0).wait()
        pltpu.make_async_copy(rows1, accum.at[idx_d.at[HALF - 1]],
                              ssem1).wait()
    plsc.subcore_barrier()
    pltpu.sync_copy(accum.at[pl.ds(s * STRIPE, STRIPE)],
                    out.at[c, pl.ds(s * STRIPE, STRIPE)])


DEG_G = 8


def _sc_deg_body(dst_r, zero_rows, ones_rows, out, idx_d, ones_t, accum, sem):
    c = lax.axis_index("c")
    s = lax.axis_index("s")
    w = s * NC + c
    pltpu.sync_copy(zero_rows.at[pl.ds(s * STRIPE, STRIPE)],
                    accum.at[pl.ds(s * STRIPE, STRIPE)])
    pltpu.sync_copy(ones_rows, ones_t)
    pltpu.sync_copy(dst_r.at[w], idx_d)
    plsc.subcore_barrier()

    def group(g, carry):
        base = g * DEG_G
        for j in range(DEG_G):
            pltpu.async_copy(ones_t, accum.at[idx_d.at[base + j]], sem,
                             add=True)
        for j in range(DEG_G):
            pltpu.make_async_copy(ones_t, accum.at[idx_d.at[base + j]],
                                  sem).wait()
        return carry

    lax.fori_loop(0, NCH // DEG_G, group, 0)
    plsc.subcore_barrier()
    pltpu.sync_copy(accum.at[pl.ds(s * STRIPE, STRIPE)],
                    out.at[c, pl.ds(s * STRIPE, STRIPE)])


@functools.cache
def _sc_kernels():
    mesh = _sc_mesh()
    agg = pl.kernel(
        _sc_agg_body,
        out_type=jax.ShapeDtypeStruct((NC, N_ACC, D), jnp.float32),
        mesh=mesh,
        scratch_types=[
            pltpu.VMEM((HALF, CH), jnp.int32),
            pltpu.VMEM((HALF, CH), jnp.int32),
            pltpu.VMEM((CH, D), jnp.float32),
            pltpu.VMEM((CH, D), jnp.float32),
            pltpu.VMEM_SHARED((N_ACC, D), jnp.float32),
            pltpu.SemaphoreType.DMA,
            pltpu.SemaphoreType.DMA,
            pltpu.SemaphoreType.DMA,
            pltpu.SemaphoreType.DMA,
        ],
    )
    deg = pl.kernel(
        _sc_deg_body,
        out_type=jax.ShapeDtypeStruct((NC, N_ACC, D), jnp.float32),
        mesh=mesh,
        scratch_types=[
            pltpu.VMEM((NCH, CH), jnp.int32),
            pltpu.VMEM((CH, D), jnp.float32),
            pltpu.VMEM_SHARED((N_ACC, D), jnp.float32),
            pltpu.SemaphoreType.DMA,
        ],
    )
    return deg, agg



TB = 1000


def _ln_relu(z):
    z = jnp.maximum(z, 0.0)
    mu = jnp.mean(z, axis=-1, keepdims=True)
    cen = z - mu
    var = jnp.mean(cen * cen, axis=-1, keepdims=True)
    return cen * lax.rsqrt(var + 1e-5)


def _tc_in_body(x_ref, w_ref, b_ref, o_ref):
    o_ref[...] = (jnp.dot(x_ref[...], w_ref[...],
                          preferred_element_type=jnp.float32) + b_ref[...])


def _tc_in(x, w, b):
    return pl.pallas_call(
        _tc_in_body,
        grid=(N // TB,),
        in_specs=[pl.BlockSpec((TB, D), lambda i: (i, 0)),
                  pl.BlockSpec((D, D), lambda i: (0, 0)),
                  pl.BlockSpec((1, D), lambda i: (0, 0))],
        out_specs=pl.BlockSpec((TB, D), lambda i: (i, 0)),
        out_shape=jax.ShapeDtypeStruct((N, D), jnp.float32),
    )(x, w, b)


def _layer_block(a0, a1, d0, d1, h, wn, b, ws):
    agg = a0 + a1
    deg = d0 + d1
    mean = agg / jnp.maximum(deg, 1.0)
    z = (jnp.dot(mean, wn, preferred_element_type=jnp.float32)
         + jnp.dot(h, ws, preferred_element_type=jnp.float32) + b)
    return _ln_relu(z)


def _tc_layer_body(a0_ref, a1_ref, d0_ref, d1_ref, h_ref, wn_ref, b_ref,
                   ws_ref, o_ref):
    o_ref[...] = _layer_block(a0_ref[0], a1_ref[0], d0_ref[0], d1_ref[0],
                              h_ref[...], wn_ref[...], b_ref[...], ws_ref[...])


def _agg_specs():
    return [pl.BlockSpec((1, TB, D), lambda i: (0, i, 0)),
            pl.BlockSpec((1, TB, D), lambda i: (1, i, 0)),
            pl.BlockSpec((1, TB, D), lambda i: (0, i, 0)),
            pl.BlockSpec((1, TB, D), lambda i: (1, i, 0))]


def _wspec(shape):
    return pl.BlockSpec(shape, lambda i: tuple(0 for _ in shape))


def _tc_layer(agg, deg, h, wn, b, ws):
    return pl.pallas_call(
        _tc_layer_body,
        grid=(N // TB,),
        in_specs=_agg_specs() + [
            pl.BlockSpec((TB, D), lambda i: (i, 0)),
            _wspec((D, D)), _wspec((1, D)), _wspec((D, D)),
        ],
        out_specs=pl.BlockSpec((TB, D), lambda i: (i, 0)),
        out_shape=jax.ShapeDtypeStruct((N, D), jnp.float32),
    )(agg, agg, deg, deg, h, wn, b, ws)


def _tc_final_body(a0_ref, a1_ref, d0_ref, d1_ref, h_ref, wn_ref, b_ref,
                   ws_ref, wo1_ref, bo1_ref, wo2_ref, bo2_ref, wp1_ref,
                   bp1_ref, wp2_ref, bp2_ref, wp3_ref, bp3_ref,
                   emb_ref, perf_ref):
    h3 = _layer_block(a0_ref[0], a1_ref[0], d0_ref[0], d1_ref[0], h_ref[...],
                      wn_ref[...], b_ref[...], ws_ref[...])
    t = jnp.maximum(jnp.dot(h3, wo1_ref[...],
                            preferred_element_type=jnp.float32)
                    + bo1_ref[...], 0.0)
    emb = jnp.dot(t, wo2_ref[...], preferred_element_type=jnp.float32) \
        + bo2_ref[...]
    emb_ref[...] = emb
    u = jnp.maximum(jnp.dot(emb, wp1_ref[...],
                            preferred_element_type=jnp.float32)
                    + bp1_ref[...], 0.0)
    v = jnp.maximum(jnp.dot(u, wp2_ref[...],
                            preferred_element_type=jnp.float32)
                    + bp2_ref[...], 0.0)
    perf_ref[...] = jnp.dot(v, wp3_ref[...],
                            preferred_element_type=jnp.float32) + bp3_ref[...]


def _tc_final(agg, deg, h, wn, b, ws, wo1, bo1, wo2, bo2, wp1a, bp1, wp2,
              bp2, wp3, bp3):
    return pl.pallas_call(
        _tc_final_body,
        grid=(N // TB,),
        in_specs=_agg_specs() + [
            pl.BlockSpec((TB, D), lambda i: (i, 0)),
            _wspec((D, D)), _wspec((1, D)), _wspec((D, D)),
            _wspec((D, D // 2)), _wspec((1, D // 2)),
            _wspec((D // 2, OUT)), _wspec((1, OUT)),
            _wspec((OUT, 128)), _wspec((1, 128)),
            _wspec((128, 64)), _wspec((1, 64)),
            _wspec((64, 1)), _wspec((1, 1)),
        ],
        out_specs=[pl.BlockSpec((TB, OUT), lambda i: (i, 0)),
                   pl.BlockSpec((TB, 1), lambda i: (i, 0))],
        out_shape=[jax.ShapeDtypeStruct((N, OUT), jnp.float32),
                   jax.ShapeDtypeStruct((N, 1), jnp.float32)],
    )(agg, agg, deg, deg, h, wn, b, ws, wo1, bo1, wo2, bo2, wp1a, bp1,
      wp2, bp2, wp3, bp3)


def kernel(x, params, edge_index):
    p = params
    src = edge_index[0]
    dst = edge_index[1]
    pad = E_PAD - E
    spare = N_ACC - N
    src_r = jnp.concatenate(
        [src, (jnp.arange(pad, dtype=jnp.int32) * 37) % N]).reshape(
            NW, NCH, CH)
    dst_r = jnp.concatenate(
        [dst, N + (jnp.arange(pad, dtype=jnp.int32) % spare)]).reshape(
            NW, NCH, CH)
    zero_rows = jnp.zeros((N_ACC, D), jnp.float32)
    ones_rows = jnp.ones((CH, D), jnp.float32)

    h = _tc_in(x, p['W_in'], p['b_in'].reshape(1, D))

    _sc_deg, _sc_agg = _sc_kernels()
    lp = p['layers']
    deg = _sc_deg(dst_r, zero_rows, ones_rows)
    agg = _sc_agg(h, src_r, dst_r, zero_rows)
    h = _tc_layer(agg, deg, h, lp[0]['W_neigh'], lp[0]['b'].reshape(1, D),
                  lp[0]['W_self'])
    agg = _sc_agg(h, src_r, dst_r, zero_rows)
    h = _tc_layer(agg, deg, h, lp[1]['W_neigh'], lp[1]['b'].reshape(1, D),
                  lp[1]['W_self'])
    agg = _sc_agg(h, src_r, dst_r, zero_rows)
    emb, perf = _tc_final(
        agg, deg, h, lp[2]['W_neigh'], lp[2]['b'].reshape(1, D),
        lp[2]['W_self'],
        p['W_o1'], p['b_o1'].reshape(1, D // 2),
        p['W_o2'], p['b_o2'].reshape(1, OUT),
        p['W_p1'][:OUT], p['b_p1'].reshape(1, 128),
        p['W_p2'], p['b_p2'].reshape(1, 64),
        p['W_p3'], p['b_p3'].reshape(1, 1))
    ctx = jnp.zeros((N, 64), jnp.float32)
    return emb, ctx, perf

# --- scband reference (transcript-rebuilt; emitter-appended) ---
"""Pipeline reference for scband-enhanced-cricket-gnn-41832981463312 (READ-ONLY COPY).

The authoritative reference and input builder live on the scoring server;
editing this copy changes nothing except your own understanding.
"""

import jax, jax.numpy as jnp
import numpy as np

N = 10000
E = 320000
D_IN = 128
H = 128
OUT = 128
NUM_LAYERS = 3

def _glorot(key, shape):
    fan_in = shape[0]
    return jax.random.normal(key, shape, dtype=jnp.float32) * (1.0 / np.sqrt(fan_in))

def setup_inputs(seed: int = 0):
    key = jax.random.key(seed)
    ks = jax.random.split(key, 20)
    x = jax.random.normal(ks[0], (N, D_IN), dtype=jnp.float32)
    edge_index = jax.random.randint(ks[1], (2, E), 0, N, dtype=jnp.int32)
    layers = []
    for i in range(NUM_LAYERS):
        layers.append({
            'W_neigh': _glorot(jax.random.fold_in(ks[2], 3 * i), (H, H)),
            'b': jnp.zeros((H,), jnp.float32),
            'W_self': _glorot(jax.random.fold_in(ks[2], 3 * i + 1), (H, H)),
        })
    params = {
        'W_in': _glorot(ks[3], (D_IN, H)), 'b_in': jnp.zeros((H,), jnp.float32),
        'layers': layers,
        'W_o1': _glorot(ks[4], (H, H // 2)), 'b_o1': jnp.zeros((H // 2,), jnp.float32),
        'W_o2': _glorot(ks[5], (H // 2, OUT)), 'b_o2': jnp.zeros((OUT,), jnp.float32),
        'W_p1': _glorot(ks[6], (OUT + 64, 128)), 'b_p1': jnp.zeros((128,), jnp.float32),
        'W_p2': _glorot(ks[7], (128, 64)), 'b_p2': jnp.zeros((64,), jnp.float32),
        'W_p3': _glorot(ks[8], (64, 1)), 'b_p3': jnp.zeros((1,), jnp.float32),
    }
    return {'x': x, 'params': params, 'edge_index': edge_index}

def _layer_norm(h, eps=1e-5):
    mu = jnp.mean(h, axis=-1, keepdims=True)
    var = jnp.var(h, axis=-1, keepdims=True)
    return (h - mu) / jnp.sqrt(var + eps)

def _sage_conv(h, src, dst, W_neigh, b, W_self):
    # PyG SAGEConv (mean aggr): out = lin_l(mean_j x_j) + lin_r(x_i)
    msgs = h[src]
    agg = jax.ops.segment_sum(msgs, dst, num_segments=N)
    deg = jax.ops.segment_sum(jnp.ones((src.shape[0], 1), jnp.float32), dst, num_segments=N)
    mean = agg / jnp.maximum(deg, 1.0)
    return mean @ W_neigh + b + h @ W_self

def reference(x, params, edge_index):
    src = edge_index[0]
    dst = edge_index[1]
    # input projection for node type 'player'
    h = x @ params['W_in'] + params['b_in']
    # HeteroConv with a single ('player','interacts_with','player') edge type and
    # aggr='mean' reduces to the single SAGEConv output.
    for lp in params['layers']:
        h = _sage_conv(h, src, dst, lp['W_neigh'], lp['b'], lp['W_self'])
        h = jax.nn.relu(h)
        h = _layer_norm(h)
    # output projection MLP (dropout=0.0 -> identity)
    emb = jax.nn.relu(h @ params['W_o1'] + params['b_o1']) @ params['W_o2'] + params['b_o2']
    # context is None -> zeros context embedding
    ctx = jnp.zeros((emb.shape[0], 64), jnp.float32)
    pin = jnp.concatenate([emb, ctx], axis=1)
    h1 = jax.nn.relu(pin @ params['W_p1'] + params['b_p1'])
    h2 = jax.nn.relu(h1 @ params['W_p2'] + params['b_p2'])
    perf = h2 @ params['W_p3'] + params['b_p3']
    return emb, ctx, perf

if __name__ == "__main__":
    import jax
    _d = setup_inputs()
    print(jax.jit(kernel)(*tuple(_d.values())))

</pallas_src>

<mosaic_0001>
#map = affine_map<(d0, d1) -> (0, 0)>
#map1 = affine_map<(d0, d1) -> (0, 0, 0)>
module attributes {stable_mosaic.version = 14 : i64} {
  func.func @_sc_agg_body(%arg0: i32, %arg1: i32, %arg2: memref<10000x128xf32, #tpu.memory_space<hbm>>, %arg3: memref<32x80x128xi32, #tpu.memory_space<hbm>>, %arg4: memref<32x80x128xi32, #tpu.memory_space<hbm>>, %arg5: memref<10112x128xf32, #tpu.memory_space<hbm>>, %arg6: memref<2x10112x128xf32, #tpu.memory_space<hbm>>, %arg7: memref<40x128xi32, #tpu.memory_space<vmem>>, %arg8: memref<40x128xi32, #tpu.memory_space<vmem>>, %arg9: memref<128x128xf32, #tpu.memory_space<vmem>>, %arg10: memref<128x128xf32, #tpu.memory_space<vmem>>, %arg11: memref<10112x128xf32, #tpu.memory_space<vmem_shared>>, %arg12: memref<!tpu.dma_semaphore, #tpu.memory_space<semaphore_mem>>, %arg13: memref<!tpu.dma_semaphore, #tpu.memory_space<semaphore_mem>>, %arg14: memref<!tpu.dma_semaphore, #tpu.memory_space<semaphore_mem>>, %arg15: memref<!tpu.dma_semaphore, #tpu.memory_space<semaphore_mem>>) attributes {dimension_semantics = [#tpu.dimension_semantics<core_parallel>, #tpu.dimension_semantics<subcore_parallel>], iteration_bounds = array<i64: 2, 16>, scalar_prefetch = 0 : i64, scratch_operands = 9 : i64, tpu.core_type = #tpu.core_type<sc_vector_subcore>, window_params = [{transform_indices = #map}, {transform_indices = #map1}, {transform_indices = #map1}, {transform_indices = #map}, {transform_indices = #map1}]} {
    %mul3A = arith.constant 2 : i32
    %mul3A_0 = arith.muli %arg1, %mul3A : i32
    %add3A = arith.addi %mul3A_0, %arg0 : i32
    %mul3A_1 = arith.constant 632 : i32
    %mul3A_2 = arith.muli %arg1, %mul3A_1 : i32
    %mul3A_3 = arith.constant 632 : i32
    %mul3A_4 = arith.muli %arg1, %mul3A_3 : i32
    "tpu.region"() ({
      %run_scoped3A = tpu.sem_alloc : memref<!tpu.dma_semaphore, #tpu.memory_space<semaphore_mem>>
      %dma_start3A_75 = arith.constant 0 : i32
      %dma_start3A_76 = tpu.memref_slice %arg11[%mul3A_4, %dma_start3A_75] : memref<10112x128xf32, #tpu.memory_space<vmem_shared>> -> memref<632x128xf32, #tpu.memory_space<vmem_shared>>
      %dma_start3A_77 = arith.constant 0 : i32
      %dma_start3A_78 = tpu.memref_slice %arg5[%mul3A_2, %dma_start3A_77] : memref<10112x128xf32, #tpu.memory_space<hbm>> -> memref<632x128xf32, #tpu.memory_space<hbm>>
      tpu.enqueue_dma source(%dma_start3A_78 : memref<632x128xf32, #tpu.memory_space<hbm>>) target(%dma_start3A_76 : memref<632x128xf32, #tpu.memory_space<vmem_shared>>) target_semaphore(%run_scoped3A : memref<!tpu.dma_semaphore, #tpu.memory_space<semaphore_mem>>)
      %dma_wait3A_79 = arith.constant 0 : i32
      %dma_wait3A_80 = tpu.memref_slice %arg11[%mul3A_4, %dma_wait3A_79] : memref<10112x128xf32, #tpu.memory_space<vmem_shared>> -> memref<632x128xf32, #tpu.memory_space<vmem_shared>>
      %dma_wait3A_81 = arith.constant 0 : i32
      %dma_wait3A_82 = tpu.memref_slice %arg5[%mul3A_2, %dma_wait3A_81] : memref<10112x128xf32, #tpu.memory_space<hbm>> -> memref<632x128xf32, #tpu.memory_space<hbm>>
      tpu.wait_dma2 semaphore(%run_scoped3A : memref<!tpu.dma_semaphore, #tpu.memory_space<semaphore_mem>>) src(%dma_wait3A_82 : memref<632x128xf32, #tpu.memory_space<hbm>>) dst(%dma_wait3A_80 : memref<632x128xf32, #tpu.memory_space<vmem_shared>>)
      tpu.yield
    }) : () -> ()
    %barrier3A = arith.constant 0 : index
    tpu.barrier barrier_id(%barrier3A)
    "tpu.region"() ({
      %run_scoped3A = tpu.sem_alloc : memref<!tpu.dma_semaphore, #tpu.memory_space<semaphore_mem>>
      %dma_start3A_75 = arith.constant 0 : i32
      %dma_start3A_76 = arith.constant 0 : i32
      %dma_start3A_77 = tpu.memref_slice %arg3[%add3A, %dma_start3A_75, %dma_start3A_76] : memref<32x80x128xi32, #tpu.memory_space<hbm>> -> memref<1x40x128xi32, #tpu.memory_space<hbm>>
      %dma_start3A_78 = tpu.memref_squeeze %dma_start3A_77 : memref<1x40x128xi32, #tpu.memory_space<hbm>> -> memref<40x128xi32, #tpu.memory_space<hbm>>
      %dma_start3A_79 = arith.constant 0 : i32
      %dma_start3A_80 = arith.constant 0 : i32
      %dma_start3A_81 = tpu.memref_slice %arg3[%add3A, %dma_start3A_79, %dma_start3A_80] : memref<32x80x128xi32, #tpu.memory_space<hbm>> -> memref<1x40x128xi32, #tpu.memory_space<hbm>>
      %dma_start3A_82 = tpu.memref_squeeze %dma_start3A_81 : memref<1x40x128xi32, #tpu.memory_space<hbm>> -> memref<40x128xi32, #tpu.memory_space<hbm>>
      tpu.enqueue_dma source(%dma_start3A_82 : memref<40x128xi32, #tpu.memory_space<hbm>>) target(%arg7 : memref<40x128xi32, #tpu.memory_space<vmem>>) target_semaphore(%run_scoped3A : memref<!tpu.dma_semaphore, #tpu.memory_space<semaphore_mem>>)
      %dma_wait3A_83 = arith.constant 0 : i32
      %dma_wait3A_84 = arith.constant 0 : i32
      %dma_wait3A_85 = tpu.memref_slice %arg3[%add3A, %dma_wait3A_83, %dma_wait3A_84] : memref<32x80x128xi32, #tpu.memory_space<hbm>> -> memref<1x40x128xi32, #tpu.memory_space<hbm>>
      %dma_wait3A_86 = tpu.memref_squeeze %dma_wait3A_85 : memref<1x40x128xi32, #tpu.memory_space<hbm>> -> memref<40x128xi32, #tpu.memory_space<hbm>>
      %dma_wait3A_87 = arith.constant 0 : i32
      %dma_wait3A_88 = arith.constant 0 : i32
      %dma_wait3A_89 = tpu.memref_slice %arg3[%add3A, %dma_wait3A_87, %dma_wait3A_88] : memref<32x80x128xi32, #tpu.memory_space<hbm>> -> memref<1x40x128xi32, #tpu.memory_space<hbm>>
      %dma_wait3A_90 = tpu.memref_squeeze %dma_wait3A_89 : memref<1x40x128xi32, #tpu.memory_space<hbm>> -> memref<40x128xi32, #tpu.memory_space<hbm>>
      tpu.wait_dma2 semaphore(%run_scoped3A : memref<!tpu.dma_semaphore, #tpu.memory_space<semaphore_mem>>) src(%dma_wait3A_90 : memref<40x128xi32, #tpu.memory_space<hbm>>) dst(%arg7 : memref<40x128xi32, #tpu.memory_space<vmem>>)
      tpu.yield
    }) : () -> ()
    "tpu.region"() ({
      %run_scoped3A = tpu.sem_alloc : memref<!tpu.dma_semaphore, #tpu.memory_space<semaphore_mem>>
      %dma_start3A_75 = arith.constant 0 : i32
      %dma_start3A_76 = arith.constant 0 : i32
      %dma_start3A_77 = tpu.memref_slice %arg4[%add3A, %dma_start3A_75, %dma_start3A_76] : memref<32x80x128xi32, #tpu.memory_space<hbm>> -> memref<1x40x128xi32, #tpu.memory_space<hbm>>
      %dma_start3A_78 = tpu.memref_squeeze %dma_start3A_77 : memref<1x40x128xi32, #tpu.memory_space<hbm>> -> memref<40x128xi32, #tpu.memory_space<hbm>>
      %dma_start3A_79 = arith.constant 0 : i32
      %dma_start3A_80 = arith.constant 0 : i32
      %dma_start3A_81 = tpu.memref_slice %arg4[%add3A, %dma_start3A_79, %dma_start3A_80] : memref<32x80x128xi32, #tpu.memory_space<hbm>> -> memref<1x40x128xi32, #tpu.memory_space<hbm>>
      %dma_start3A_82 = tpu.memref_squeeze %dma_start3A_81 : memref<1x40x128xi32, #tpu.memory_space<hbm>> -> memref<40x128xi32, #tpu.memory_space<hbm>>
      tpu.enqueue_dma source(%dma_start3A_82 : memref<40x128xi32, #tpu.memory_space<hbm>>) target(%arg8 : memref<40x128xi32, #tpu.memory_space<vmem>>) target_semaphore(%run_scoped3A : memref<!tpu.dma_semaphore, #tpu.memory_space<semaphore_mem>>)
      %dma_wait3A_83 = arith.constant 0 : i32
      %dma_wait3A_84 = arith.constant 0 : i32
      %dma_wait3A_85 = tpu.memref_slice %arg4[%add3A, %dma_wait3A_83, %dma_wait3A_84] : memref<32x80x128xi32, #tpu.memory_space<hbm>> -> memref<1x40x128xi32, #tpu.memory_space<hbm>>
      %dma_wait3A_86 = tpu.memref_squeeze %dma_wait3A_85 : memref<1x40x128xi32, #tpu.memory_space<hbm>> -> memref<40x128xi32, #tpu.memory_space<hbm>>
      %dma_wait3A_87 = arith.constant 0 : i32
      %dma_wait3A_88 = arith.constant 0 : i32
      %dma_wait3A_89 = tpu.memref_slice %arg4[%add3A, %dma_wait3A_87, %dma_wait3A_88] : memref<32x80x128xi32, #tpu.memory_space<hbm>> -> memref<1x40x128xi32, #tpu.memory_space<hbm>>
      %dma_wait3A_90 = tpu.memref_squeeze %dma_wait3A_89 : memref<1x40x128xi32, #tpu.memory_space<hbm>> -> memref<40x128xi32, #tpu.memory_space<hbm>>
      tpu.wait_dma2 semaphore(%run_scoped3A : memref<!tpu.dma_semaphore, #tpu.memory_space<semaphore_mem>>) src(%dma_wait3A_90 : memref<40x128xi32, #tpu.memory_space<hbm>>) dst(%arg8 : memref<40x128xi32, #tpu.memory_space<vmem>>)
      tpu.yield
    }) : () -> ()
    %dma_start3A = arith.constant 0 : i32
    %dma_start3A_5 = arith.constant 0 : i32
    %dma_start3A_6 = tpu.memref_slice %arg7[%dma_start3A, %dma_start3A_5] : memref<40x128xi32, #tpu.memory_space<vmem>> -> memref<1x128xi32, #tpu.memory_space<vmem>>
    %dma_start3A_7 = tpu.memref_squeeze %dma_start3A_6 : memref<1x128xi32, #tpu.memory_space<vmem>> -> memref<128xi32, #tpu.memory_space<vmem>>
    %dma_start3A_8 = arith.constant 0 : i32
    %dma_start3A_9 = arith.constant 0 : i32
    %dma_start3A_10 = tpu.memref_slice %arg2[%dma_start3A_8, %dma_start3A_9] : memref<10000x128xf32, #tpu.memory_space<hbm>> -> memref<10000x128xf32, #tpu.memory_space<hbm>>
    tpu.enqueue_indirect_dma source(%dma_start3A_10 : memref<10000x128xf32, #tpu.memory_space<hbm>>) target(%arg9 : memref<128x128xf32, #tpu.memory_space<vmem>>) offsets(%dma_start3A_7 : memref<128xi32, #tpu.memory_space<vmem>>) semaphore(%arg12 : memref<!tpu.dma_semaphore, #tpu.memory_space<semaphore_mem>>)
    %dma_start3A_11 = arith.constant 1 : i32
    %dma_start3A_12 = arith.constant 0 : i32
    %dma_start3A_13 = tpu.memref_slice %arg7[%dma_start3A_11, %dma_start3A_12] : memref<40x128xi32, #tpu.memory_space<vmem>> -> memref<1x128xi32, #tpu.memory_space<vmem>>
    %dma_start3A_14 = tpu.memref_squeeze %dma_start3A_13 : memref<1x128xi32, #tpu.memory_space<vmem>> -> memref<128xi32, #tpu.memory_space<vmem>>
    %dma_start3A_15 = arith.constant 0 : i32
    %dma_start3A_16 = arith.constant 0 : i32
    %dma_start3A_17 = tpu.memref_slice %arg2[%dma_start3A_15, %dma_start3A_16] : memref<10000x128xf32, #tpu.memory_space<hbm>> -> memref<10000x128xf32, #tpu.memory_space<hbm>>
    tpu.enqueue_indirect_dma source(%dma_start3A_17 : memref<10000x128xf32, #tpu.memory_space<hbm>>) target(%arg10 : memref<128x128xf32, #tpu.memory_space<vmem>>) offsets(%dma_start3A_14 : memref<128xi32, #tpu.memory_space<vmem>>) semaphore(%arg13 : memref<!tpu.dma_semaphore, #tpu.memory_space<semaphore_mem>>)
    %scan3A = arith.constant 0 : i32
    %scan3A_18 = arith.constant 0 : i32
    %scan3A_19 = arith.constant 20 : i32
    %scan3A_20 = arith.addi %scan3A_18, %scan3A_19 : i32
    %scan3A_21 = arith.constant 1 : i32
    scf.for %scan3A_75 = %scan3A_18 to %scan3A_20 step %scan3A_21  : i32 {
      %mul3A_76 = arith.constant 2 : i32
      %mul3A_77 = arith.muli %mul3A_76, %scan3A_75 : i32
      %add3A_78 = arith.constant 1 : i32
      %add3A_79 = arith.addi %mul3A_77, %add3A_78 : i32
      %dma_wait3A_80 = arith.constant 0 : i32
      %dma_wait3A_81 = tpu.memref_slice %arg7[%mul3A_77, %dma_wait3A_80] : memref<40x128xi32, #tpu.memory_space<vmem>> -> memref<1x128xi32, #tpu.memory_space<vmem>>
      %dma_wait3A_82 = tpu.memref_squeeze %dma_wait3A_81 : memref<1x128xi32, #tpu.memory_space<vmem>> -> memref<128xi32, #tpu.memory_space<vmem>>
      %dma_wait3A_83 = arith.constant 0 : i32
      %dma_wait3A_84 = arith.constant 0 : i32
      %dma_wait3A_85 = tpu.memref_slice %arg2[%dma_wait3A_83, %dma_wait3A_84] : memref<10000x128xf32, #tpu.memory_space<hbm>> -> memref<10000x128xf32, #tpu.memory_space<hbm>>
      tpu.wait_indirect_dma semaphore(%arg12 : memref<!tpu.dma_semaphore, #tpu.memory_space<semaphore_mem>>) src(%dma_wait3A_85 : memref<10000x128xf32, #tpu.memory_space<hbm>>) dst(%arg9 : memref<128x128xf32, #tpu.memory_space<vmem>>)
      %dma_start3A_86 = arith.constant 0 : i32
      %dma_start3A_87 = tpu.memref_slice %arg8[%mul3A_77, %dma_start3A_86] : memref<40x128xi32, #tpu.memory_space<vmem>> -> memref<1x128xi32, #tpu.memory_space<vmem>>
      %dma_start3A_88 = tpu.memref_squeeze %dma_start3A_87 : memref<1x128xi32, #tpu.memory_space<vmem>> -> memref<128xi32, #tpu.memory_space<vmem>>
      %dma_start3A_89 = arith.constant 0 : i32
      %dma_start3A_90 = arith.constant 0 : i32
      %dma_start3A_91 = tpu.memref_slice %arg11[%dma_start3A_89, %dma_start3A_90] : memref<10112x128xf32, #tpu.memory_space<vmem_shared>> -> memref<10112x128xf32, #tpu.memory_space<vmem_shared>>
      tpu.enqueue_indirect_dma source(%arg9 : memref<128x128xf32, #tpu.memory_space<vmem>>) target(%dma_start3A_91 : memref<10112x128xf32, #tpu.memory_space<vmem_shared>>) offsets(%dma_start3A_88 : memref<128xi32, #tpu.memory_space<vmem>>) semaphore(%arg14 : memref<!tpu.dma_semaphore, #tpu.memory_space<semaphore_mem>>) {add = true}
      %dma_wait3A_92 = arith.constant 0 : i32
      %dma_wait3A_93 = tpu.memref_slice %arg7[%add3A_79, %dma_wait3A_92] : memref<40x128xi32, #tpu.memory_space<vmem>> -> memref<1x128xi32, #tpu.memory_space<vmem>>
      %dma_wait3A_94 = tpu.memref_squeeze %dma_wait3A_93 : memref<1x128xi32, #tpu.memory_space<vmem>> -> memref<128xi32, #tpu.memory_space<vmem>>
      %dma_wait3A_95 = arith.constant 0 : i32
      %dma_wait3A_96 = arith.constant 0 : i32
      %dma_wait3A_97 = tpu.memref_slice %arg2[%dma_wait3A_95, %dma_wait3A_96] : memref<10000x128xf32, #tpu.memory_space<hbm>> -> memref<10000x128xf32, #tpu.memory_space<hbm>>
      tpu.wait_indirect_dma semaphore(%arg13 : memref<!tpu.dma_semaphore, #tpu.memory_space<semaphore_mem>>) src(%dma_wait3A_97 : memref<10000x128xf32, #tpu.memory_space<hbm>>) dst(%arg10 : memref<128x128xf32, #tpu.memory_space<vmem>>)
      %dma_start3A_98 = arith.constant 0 : i32
      %dma_start3A_99 = tpu.memref_slice %arg8[%add3A_79, %dma_start3A_98] : memref<40x128xi32, #tpu.memory_space<vmem>> -> memref<1x128xi32, #tpu.memory_space<vmem>>
      %dma_start3A_100 = tpu.memref_squeeze %dma_start3A_99 : memref<1x128xi32, #tpu.memory_space<vmem>> -> memref<128xi32, #tpu.memory_space<vmem>>
      %dma_start3A_101 = arith.constant 0 : i32
      %dma_start3A_102 = arith.constant 0 : i32
      %dma_start3A_103 = tpu.memref_slice %arg11[%dma_start3A_101, %dma_start3A_102] : memref<10112x128xf32, #tpu.memory_space<vmem_shared>> -> memref<10112x128xf32, #tpu.memory_space<vmem_shared>>
      tpu.enqueue_indirect_dma source(%arg10 : memref<128x128xf32, #tpu.memory_space<vmem>>) target(%dma_start3A_103 : memref<10112x128xf32, #tpu.memory_space<vmem_shared>>) offsets(%dma_start3A_100 : memref<128xi32, #tpu.memory_space<vmem>>) semaphore(%arg15 : memref<!tpu.dma_semaphore, #tpu.memory_space<semaphore_mem>>) {add = true}
      %lt3A = arith.constant 19 : i32
      %lt3A_104 = arith.cmpi slt, %scan3A_75, %lt3A : i32
      %convert_element_type3A = arith.extui %lt3A_104 : i1 to i32
      %cond3A = arith.constant 0 : i32
      %cond3A_105 = arith.cmpi ne, %convert_element_type3A, %cond3A : i32
      scf.if %cond3A_105 {
        %dma_wait3A_106 = arith.constant 0 : i32
        %dma_wait3A_107 = tpu.memref_slice %arg8[%mul3A_77, %dma_wait3A_106] : memref<40x128xi32, #tpu.memory_space<vmem>> -> memref<1x128xi32, #tpu.memory_space<vmem>>
        %dma_wait3A_108 = tpu.memref_squeeze %dma_wait3A_107 : memref<1x128xi32, #tpu.memory_space<vmem>> -> memref<128xi32, #tpu.memory_space<vmem>>
        %dma_wait3A_109 = arith.constant 0 : i32
        %dma_wait3A_110 = arith.constant 0 : i32
        %dma_wait3A_111 = tpu.memref_slice %arg11[%dma_wait3A_109, %dma_wait3A_110] : memref<10112x128xf32, #tpu.memory_space<vmem_shared>> -> memref<10112x128xf32, #tpu.memory_space<vmem_shared>>
        tpu.wait_indirect_dma semaphore(%arg14 : memref<!tpu.dma_semaphore, #tpu.memory_space<semaphore_mem>>) src(%arg9 : memref<128x128xf32, #tpu.memory_space<vmem>>) dst(%dma_wait3A_111 : memref<10112x128xf32, #tpu.memory_space<vmem_shared>>)
        %add3A_112 = arith.constant 2 : i32
        %add3A_113 = arith.addi %mul3A_77, %add3A_112 : i32
        %dma_start3A_114 = arith.constant 0 : i32
        %dma_start3A_115 = tpu.memref_slice %arg7[%add3A_113, %dma_start3A_114] : memref<40x128xi32, #tpu.memory_space<vmem>> -> memref<1x128xi32, #tpu.memory_space<vmem>>
        %dma_start3A_116 = tpu.memref_squeeze %dma_start3A_115 : memref<1x128xi32, #tpu.memory_space<vmem>> -> memref<128xi32, #tpu.memory_space<vmem>>
        %dma_start3A_117 = arith.constant 0 : i32
        %dma_start3A_118 = arith.constant 0 : i32
        %dma_start3A_119 = tpu.memref_slice %arg2[%dma_start3A_117, %dma_start3A_118] : memref<10000x128xf32, #tpu.memory_space<hbm>> -> memref<10000x128xf32, #tpu.memory_space<hbm>>
        tpu.enqueue_indirect_dma source(%dma_start3A_119 : memref<10000x128xf32, #tpu.memory_space<hbm>>) target(%arg9 : memref<128x128xf32, #tpu.memory_space<vmem>>) offsets(%dma_start3A_116 : memref<128xi32, #tpu.memory_space<vmem>>) semaphore(%arg12 : memref<!tpu.dma_semaphore, #tpu.memory_space<semaphore_mem>>)
        %dma_wait3A_120 = arith.constant 0 : i32
        %dma_wait3A_121 = tpu.memref_slice %arg8[%add3A_79, %dma_wait3A_120] : memref<40x128xi32, #tpu.memory_space<vmem>> -> memref<1x128xi32, #tpu.memory_space<vmem>>
        %dma_wait3A_122 = tpu.memref_squeeze %dma_wait3A_121 : memref<1x128xi32, #tpu.memory_space<vmem>> -> memref<128xi32, #tpu.memory_space<vmem>>
        %dma_wait3A_123 = arith.constant 0 : i32
        %dma_wait3A_124 = arith.constant 0 : i32
        %dma_wait3A_125 = tpu.memref_slice %arg11[%dma_wait3A_123, %dma_wait3A_124] : memref<10112x128xf32, #tpu.memory_space<vmem_shared>> -> memref<10112x128xf32, #tpu.memory_space<vmem_shared>>
        tpu.wait_indirect_dma semaphore(%arg15 : memref<!tpu.dma_semaphore, #tpu.memory_space<semaphore_mem>>) src(%arg10 : memref<128x128xf32, #tpu.memory_space<vmem>>) dst(%dma_wait3A_125 : memref<10112x128xf32, #tpu.memory_space<vmem_shared>>)
        %add3A_126 = arith.constant 2 : i32
        %add3A_127 = arith.addi %add3A_79, %add3A_126 : i32
        %dma_start3A_128 = arith.constant 0 : i32
        %dma_start3A_129 = tpu.memref_slice %arg7[%add3A_127, %dma_start3A_128] : memref<40x128xi32, #tpu.memory_space<vmem>> -> memref<1x128xi32, #tpu.memory_space<vmem>>
        %dma_start3A_130 = tpu.memref_squeeze %dma_start3A_129 : memref<1x128xi32, #tpu.memory_space<vmem>> -> memref<128xi32, #tpu.memory_space<vmem>>
        %dma_start3A_131 = arith.constant 0 : i32
        %dma_start3A_132 = arith.constant 0 : i32
        %dma_start3A_133 = tpu.memref_slice %arg2[%dma_start3A_131, %dma_start3A_132] : memref<10000x128xf32, #tpu.memory_space<hbm>> -> memref<10000x128xf32, #tpu.memory_space<hbm>>
        tpu.enqueue_indirect_dma source(%dma_start3A_133 : memref<10000x128xf32, #tpu.memory_space<hbm>>) target(%arg10 : memref<128x128xf32, #tpu.memory_space<vmem>>) offsets(%dma_start3A_130 : memref<128xi32, #tpu.memory_space<vmem>>) semaphore(%arg13 : memref<!tpu.dma_semaphore, #tpu.memory_space<semaphore_mem>>)
      } else {
      }
    }
    %scan3A_22 = arith.constant 20 : i32
    %dma_wait3A = arith.constant 38 : i32
    %dma_wait3A_23 = arith.constant 0 : i32
    %dma_wait3A_24 = tpu.memref_slice %arg8[%dma_wait3A, %dma_wait3A_23] : memref<40x128xi32, #tpu.memory_space<vmem>> -> memref<1x128xi32, #tpu.memory_space<vmem>>
    %dma_wait3A_25 = tpu.memref_squeeze %dma_wait3A_24 : memref<1x128xi32, #tpu.memory_space<vmem>> -> memref<128xi32, #tpu.memory_space<vmem>>
    %dma_wait3A_26 = arith.constant 0 : i32
    %dma_wait3A_27 = arith.constant 0 : i32
    %dma_wait3A_28 = tpu.memref_slice %arg11[%dma_wait3A_26, %dma_wait3A_27] : memref<10112x128xf32, #tpu.memory_space<vmem_shared>> -> memref<10112x128xf32, #tpu.memory_space<vmem_shared>>
    tpu.wait_indirect_dma semaphore(%arg14 : memref<!tpu.dma_semaphore, #tpu.memory_space<semaphore_mem>>) src(%arg9 : memref<128x128xf32, #tpu.memory_space<vmem>>) dst(%dma_wait3A_28 : memref<10112x128xf32, #tpu.memory_space<vmem_shared>>)
    %dma_wait3A_29 = arith.constant 39 : i32
    %dma_wait3A_30 = arith.constant 0 : i32
    %dma_wait3A_31 = tpu.memref_slice %arg8[%dma_wait3A_29, %dma_wait3A_30] : memref<40x128xi32, #tpu.memory_space<vmem>> -> memref<1x128xi32, #tpu.memory_space<vmem>>
    %dma_wait3A_32 = tpu.memref_squeeze %dma_wait3A_31 : memref<1x128xi32, #tpu.memory_space<vmem>> -> memref<128xi32, #tpu.memory_space<vmem>>
    %dma_wait3A_33 = arith.constant 0 : i32
    %dma_wait3A_34 = arith.constant 0 : i32
    %dma_wait3A_35 = tpu.memref_slice %arg11[%dma_wait3A_33, %dma_wait3A_34] : memref<10112x128xf32, #tpu.memory_space<vmem_shared>> -> memref<10112x128xf32, #tpu.memory_space<vmem_shared>>
    tpu.wait_indirect_dma semaphore(%arg15 : memref<!tpu.dma_semaphore, #tpu.memory_space<semaphore_mem>>) src(%arg10 : memref<128x128xf32, #tpu.memory_space<vmem>>) dst(%dma_wait3A_35 : memref<10112x128xf32, #tpu.memory_space<vmem_shared>>)
    "tpu.region"() ({
      %run_scoped3A = tpu.sem_alloc : memref<!tpu.dma_semaphore, #tpu.memory_space<semaphore_mem>>
      %dma_start3A_75 = arith.constant 40 : i32
      %dma_start3A_76 = arith.constant 0 : i32
      %dma_start3A_77 = tpu.memref_slice %arg3[%add3A, %dma_start3A_75, %dma_start3A_76] : memref<32x80x128xi32, #tpu.memory_space<hbm>> -> memref<1x40x128xi32, #tpu.memory_space<hbm>>
      %dma_start3A_78 = tpu.memref_squeeze %dma_start3A_77 : memref<1x40x128xi32, #tpu.memory_space<hbm>> -> memref<40x128xi32, #tpu.memory_space<hbm>>
      %dma_start3A_79 = arith.constant 40 : i32
      %dma_start3A_80 = arith.constant 0 : i32
      %dma_start3A_81 = tpu.memref_slice %arg3[%add3A, %dma_start3A_79, %dma_start3A_80] : memref<32x80x128xi32, #tpu.memory_space<hbm>> -> memref<1x40x128xi32, #tpu.memory_space<hbm>>
      %dma_start3A_82 = tpu.memref_squeeze %dma_start3A_81 : memref<1x40x128xi32, #tpu.memory_space<hbm>> -> memref<40x128xi32, #tpu.memory_space<hbm>>
      tpu.enqueue_dma source(%dma_start3A_82 : memref<40x128xi32, #tpu.memory_space<hbm>>) target(%arg7 : memref<40x128xi32, #tpu.memory_space<vmem>>) target_semaphore(%run_scoped3A : memref<!tpu.dma_semaphore, #tpu.memory_space<semaphore_mem>>)
      %dma_wait3A_83 = arith.constant 40 : i32
      %dma_wait3A_84 = arith.constant 0 : i32
      %dma_wait3A_85 = tpu.memref_slice %arg3[%add3A, %dma_wait3A_83, %dma_wait3A_84] : memref<32x80x128xi32, #tpu.memory_space<hbm>> -> memref<1x40x128xi32, #tpu.memory_space<hbm>>
      %dma_wait3A_86 = tpu.memref_squeeze %dma_wait3A_85 : memref<1x40x128xi32, #tpu.memory_space<hbm>> -> memref<40x128xi32, #tpu.memory_space<hbm>>
      %dma_wait3A_87 = arith.constant 40 : i32
      %dma_wait3A_88 = arith.constant 0 : i32
      %dma_wait3A_89 = tpu.memref_slice %arg3[%add3A, %dma_wait3A_87, %dma_wait3A_88] : memref<32x80x128xi32, #tpu.memory_space<hbm>> -> memref<1x40x128xi32, #tpu.memory_space<hbm>>
      %dma_wait3A_90 = tpu.memref_squeeze %dma_wait3A_89 : memref<1x40x128xi32, #tpu.memory_space<hbm>> -> memref<40x128xi32, #tpu.memory_space<hbm>>
      tpu.wait_dma2 semaphore(%run_scoped3A : memref<!tpu.dma_semaphore, #tpu.memory_space<semaphore_mem>>) src(%dma_wait3A_90 : memref<40x128xi32, #tpu.memory_space<hbm>>) dst(%arg7 : memref<40x128xi32, #tpu.memory_space<vmem>>)
      tpu.yield
    }) : () -> ()
    "tpu.region"() ({
      %run_scoped3A = tpu.sem_alloc : memref<!tpu.dma_semaphore, #tpu.memory_space<semaphore_mem>>
      %dma_start3A_75 = arith.constant 40 : i32
      %dma_start3A_76 = arith.constant 0 : i32
      %dma_start3A_77 = tpu.memref_slice %arg4[%add3A, %dma_start3A_75, %dma_start3A_76] : memref<32x80x128xi32, #tpu.memory_space<hbm>> -> memref<1x40x128xi32, #tpu.memory_space<hbm>>
      %dma_start3A_78 = tpu.memref_squeeze %dma_start3A_77 : memref<1x40x128xi32, #tpu.memory_space<hbm>> -> memref<40x128xi32, #tpu.memory_space<hbm>>
      %dma_start3A_79 = arith.constant 40 : i32
      %dma_start3A_80 = arith.constant 0 : i32
      %dma_start3A_81 = tpu.memref_slice %arg4[%add3A, %dma_start3A_79, %dma_start3A_80] : memref<32x80x128xi32, #tpu.memory_space<hbm>> -> memref<1x40x128xi32, #tpu.memory_space<hbm>>
      %dma_start3A_82 = tpu.memref_squeeze %dma_start3A_81 : memref<1x40x128xi32, #tpu.memory_space<hbm>> -> memref<40x128xi32, #tpu.memory_space<hbm>>
      tpu.enqueue_dma source(%dma_start3A_82 : memref<40x128xi32, #tpu.memory_space<hbm>>) target(%arg8 : memref<40x128xi32, #tpu.memory_space<vmem>>) target_semaphore(%run_scoped3A : memref<!tpu.dma_semaphore, #tpu.memory_space<semaphore_mem>>)
      %dma_wait3A_83 = arith.constant 40 : i32
      %dma_wait3A_84 = arith.constant 0 : i32
      %dma_wait3A_85 = tpu.memref_slice %arg4[%add3A, %dma_wait3A_83, %dma_wait3A_84] : memref<32x80x128xi32, #tpu.memory_space<hbm>> -> memref<1x40x128xi32, #tpu.memory_space<hbm>>
      %dma_wait3A_86 = tpu.memref_squeeze %dma_wait3A_85 : memref<1x40x128xi32, #tpu.memory_space<hbm>> -> memref<40x128xi32, #tpu.memory_space<hbm>>
      %dma_wait3A_87 = arith.constant 40 : i32
      %dma_wait3A_88 = arith.constant 0 : i32
      %dma_wait3A_89 = tpu.memref_slice %arg4[%add3A, %dma_wait3A_87, %dma_wait3A_88] : memref<32x80x128xi32, #tpu.memory_space<hbm>> -> memref<1x40x128xi32, #tpu.memory_space<hbm>>
      %dma_wait3A_90 = tpu.memref_squeeze %dma_wait3A_89 : memref<1x40x128xi32, #tpu.memory_space<hbm>> -> memref<40x128xi32, #tpu.memory_space<hbm>>
      tpu.wait_dma2 semaphore(%run_scoped3A : memref<!tpu.dma_semaphore, #tpu.memory_space<semaphore_mem>>) src(%dma_wait3A_90 : memref<40x128xi32, #tpu.memory_space<hbm>>) dst(%arg8 : memref<40x128xi32, #tpu.memory_space<vmem>>)
      tpu.yield
    }) : () -> ()
    %dma_start3A_36 = arith.constant 0 : i32
    %dma_start3A_37 = arith.constant 0 : i32
    %dma_start3A_38 = tpu.memref_slice %arg7[%dma_start3A_36, %dma_start3A_37] : memref<40x128xi32, #tpu.memory_space<vmem>> -> memref<1x128xi32, #tpu.memory_space<vmem>>
    %dma_start3A_39 = tpu.memref_squeeze %dma_start3A_38 : memref<1x128xi32, #tpu.memory_space<vmem>> -> memref<128xi32, #tpu.memory_space<vmem>>
    %dma_start3A_40 = arith.constant 0 : i32
    %dma_start3A_41 = arith.constant 0 : i32
    %dma_start3A_42 = tpu.memref_slice %arg2[%dma_start3A_40, %dma_start3A_41] : memref<10000x128xf32, #tpu.memory_space<hbm>> -> memref<10000x128xf32, #tpu.memory_space<hbm>>
    tpu.enqueue_indirect_dma source(%dma_start3A_42 : memref<10000x128xf32, #tpu.memory_space<hbm>>) target(%arg9 : memref<128x128xf32, #tpu.memory_space<vmem>>) offsets(%dma_start3A_39 : memref<128xi32, #tpu.memory_space<vmem>>) semaphore(%arg12 : memref<!tpu.dma_semaphore, #tpu.memory_space<semaphore_mem>>)
    %dma_start3A_43 = arith.constant 1 : i32
    %dma_start3A_44 = arith.constant 0 : i32
    %dma_start3A_45 = tpu.memref_slice %arg7[%dma_start3A_43, %dma_start3A_44] : memref<40x128xi32, #tpu.memory_space<vmem>> -> memref<1x128xi32, #tpu.memory_space<vmem>>
    %dma_start3A_46 = tpu.memref_squeeze %dma_start3A_45 : memref<1x128xi32, #tpu.memory_space<vmem>> -> memref<128xi32, #tpu.memory_space<vmem>>
    %dma_start3A_47 = arith.constant 0 : i32
    %dma_start3A_48 = arith.constant 0 : i32
    %dma_start3A_49 = tpu.memref_slice %arg2[%dma_start3A_47, %dma_start3A_48] : memref<10000x128xf32, #tpu.memory_space<hbm>> -> memref<10000x128xf32, #tpu.memory_space<hbm>>
    tpu.enqueue_indirect_dma source(%dma_start3A_49 : memref<10000x128xf32, #tpu.memory_space<hbm>>) target(%arg10 : memref<128x128xf32, #tpu.memory_space<vmem>>) offsets(%dma_start3A_46 : memref<128xi32, #tpu.memory_space<vmem>>) semaphore(%arg13 : memref<!tpu.dma_semaphore, #tpu.memory_space<semaphore_mem>>)
    %scan3A_50 = arith.constant 0 : i32
    %scan3A_51 = arith.constant 0 : i32
    %scan3A_52 = arith.constant 20 : i32
    %scan3A_53 = arith.addi %scan3A_51, %scan3A_52 : i32
    %scan3A_54 = arith.constant 1 : i32
    scf.for %scan3A_75 = %scan3A_51 to %scan3A_53 step %scan3A_54  : i32 {
      %mul3A_76 = arith.constant 2 : i32
      %mul3A_77 = arith.muli %mul3A_76, %scan3A_75 : i32
      %add3A_78 = arith.constant 1 : i32
      %add3A_79 = arith.addi %mul3A_77, %add3A_78 : i32
      %dma_wait3A_80 = arith.constant 0 : i32
      %dma_wait3A_81 = tpu.memref_slice %arg7[%mul3A_77, %dma_wait3A_80] : memref<40x128xi32, #tpu.memory_space<vmem>> -> memref<1x128xi32, #tpu.memory_space<vmem>>
      %dma_wait3A_82 = tpu.memref_squeeze %dma_wait3A_81 : memref<1x128xi32, #tpu.memory_space<vmem>> -> memref<128xi32, #tpu.memory_space<vmem>>
      %dma_wait3A_83 = arith.constant 0 : i32
      %dma_wait3A_84 = arith.constant 0 : i32
      %dma_wait3A_85 = tpu.memref_slice %arg2[%dma_wait3A_83, %dma_wait3A_84] : memref<10000x128xf32, #tpu.memory_space<hbm>> -> memref<10000x128xf32, #tpu.memory_space<hbm>>
      tpu.wait_indirect_dma semaphore(%arg12 : memref<!tpu.dma_semaphore, #tpu.memory_space<semaphore_mem>>) src(%dma_wait3A_85 : memref<10000x128xf32, #tpu.memory_space<hbm>>) dst(%arg9 : memref<128x128xf32, #tpu.memory_space<vmem>>)
      %dma_start3A_86 = arith.constant 0 : i32
      %dma_start3A_87 = tpu.memref_slice %arg8[%mul3A_77, %dma_start3A_86] : memref<40x128xi32, #tpu.memory_space<vmem>> -> memref<1x128xi32, #tpu.memory_space<vmem>>
      %dma_start3A_88 = tpu.memref_squeeze %dma_start3A_87 : memref<1x128xi32, #tpu.memory_space<vmem>> -> memref<128xi32, #tpu.memory_space<vmem>>
      %dma_start3A_89 = arith.constant 0 : i32
      %dma_start3A_90 = arith.constant 0 : i32
      %dma_start3A_91 = tpu.memref_slice %arg11[%dma_start3A_89, %dma_start3A_90] : memref<10112x128xf32, #tpu.memory_space<vmem_shared>> -> memref<10112x128xf32, #tpu.memory_space<vmem_shared>>
      tpu.enqueue_indirect_dma source(%arg9 : memref<128x128xf32, #tpu.memory_space<vmem>>) target(%dma_start3A_91 : memref<10112x128xf32, #tpu.memory_space<vmem_shared>>) offsets(%dma_start3A_88 : memref<128xi32, #tpu.memory_space<vmem>>) semaphore(%arg14 : memref<!tpu.dma_semaphore, #tpu.memory_space<semaphore_mem>>) {add = true}
      %dma_wait3A_92 = arith.constant 0 : i32
      %dma_wait3A_93 = tpu.memref_slice %arg7[%add3A_79, %dma_wait3A_92] : memref<40x128xi32, #tpu.memory_space<vmem>> -> memref<1x128xi32, #tpu.memory_space<vmem>>
      %dma_wait3A_94 = tpu.memref_squeeze %dma_wait3A_93 : memref<1x128xi32, #tpu.memory_space<vmem>> -> memref<128xi32, #tpu.memory_space<vmem>>
      %dma_wait3A_95 = arith.constant 0 : i32
      %dma_wait3A_96 = arith.constant 0 : i32
      %dma_wait3A_97 = tpu.memref_slice %arg2[%dma_wait3A_95, %dma_wait3A_96] : memref<10000x128xf32, #tpu.memory_space<hbm>> -> memref<10000x128xf32, #tpu.memory_space<hbm>>
      tpu.wait_indirect_dma semaphore(%arg13 : memref<!tpu.dma_semaphore, #tpu.memory_space<semaphore_mem>>) src(%dma_wait3A_97 : memref<10000x128xf32, #tpu.memory_space<hbm>>) dst(%arg10 : memref<128x128xf32, #tpu.memory_space<vmem>>)
      %dma_start3A_98 = arith.constant 0 : i32
      %dma_start3A_99 = tpu.memref_slice %arg8[%add3A_79, %dma_start3A_98] : memref<40x128xi32, #tpu.memory_space<vmem>> -> memref<1x128xi32, #tpu.memory_space<vmem>>
      %dma_start3A_100 = tpu.memref_squeeze %dma_start3A_99 : memref<1x128xi32, #tpu.memory_space<vmem>> -> memref<128xi32, #tpu.memory_space<vmem>>
      %dma_start3A_101 = arith.constant 0 : i32
      %dma_start3A_102 = arith.constant 0 : i32
      %dma_start3A_103 = tpu.memref_slice %arg11[%dma_start3A_101, %dma_start3A_102] : memref<10112x128xf32, #tpu.memory_space<vmem_shared>> -> memref<10112x128xf32, #tpu.memory_space<vmem_shared>>
      tpu.enqueue_indirect_dma source(%arg10 : memref<128x128xf32, #tpu.memory_space<vmem>>) target(%dma_start3A_103 : memref<10112x128xf32, #tpu.memory_space<vmem_shared>>) offsets(%dma_start3A_100 : memref<128xi32, #tpu.memory_space<vmem>>) semaphore(%arg15 : memref<!tpu.dma_semaphore, #tpu.memory_space<semaphore_mem>>) {add = true}
      %lt3A = arith.constant 19 : i32
      %lt3A_104 = arith.cmpi slt, %scan3A_75, %lt3A : i32
      %convert_element_type3A = arith.extui %lt3A_104 : i1 to i32
      %cond3A = arith.constant 0 : i32
      %cond3A_105 = arith.cmpi ne, %convert_element_type3A, %cond3A : i32
      scf.if %cond3A_105 {
        %dma_wait3A_106 = arith.constant 0 : i32
        %dma_wait3A_107 = tpu.memref_slice %arg8[%mul3A_77, %dma_wait3A_106] : memref<40x128xi32, #tpu.memory_space<vmem>> -> memref<1x128xi32, #tpu.memory_space<vmem>>
        %dma_wait3A_108 = tpu.memref_squeeze %dma_wait3A_107 : memref<1x128xi32, #tpu.memory_space<vmem>> -> memref<128xi32, #tpu.memory_space<vmem>>
        %dma_wait3A_109 = arith.constant 0 : i32
        %dma_wait3A_110 = arith.constant 0 : i32
        %dma_wait3A_111 = tpu.memref_slice %arg11[%dma_wait3A_109, %dma_wait3A_110] : memref<10112x128xf32, #tpu.memory_space<vmem_shared>> -> memref<10112x128xf32, #tpu.memory_space<vmem_shared>>
        tpu.wait_indirect_dma semaphore(%arg14 : memref<!tpu.dma_semaphore, #tpu.memory_space<semaphore_mem>>) src(%arg9 : memref<128x128xf32, #tpu.memory_space<vmem>>) dst(%dma_wait3A_111 : memref<10112x128xf32, #tpu.memory_space<vmem_shared>>)
        %add3A_112 = arith.constant 2 : i32
        %add3A_113 = arith.addi %mul3A_77, %add3A_112 : i32
        %dma_start3A_114 = arith.constant 0 : i32
        %dma_start3A_115 = tpu.memref_slice %arg7[%add3A_113, %dma_start3A_114] : memref<40x128xi32, #tpu.memory_space<vmem>> -> memref<1x128xi32, #tpu.memory_space<vmem>>
        %dma_start3A_116 = tpu.memref_squeeze %dma_start3A_115 : memref<1x128xi32, #tpu.memory_space<vmem>> -> memref<128xi32, #tpu.memory_space<vmem>>
        %dma_start3A_117 = arith.constant 0 : i32
        %dma_start3A_118 = arith.constant 0 : i32
        %dma_start3A_119 = tpu.memref_slice %arg2[%dma_start3A_117, %dma_start3A_118] : memref<10000x128xf32, #tpu.memory_space<hbm>> -> memref<10000x128xf32, #tpu.memory_space<hbm>>
        tpu.enqueue_indirect_dma source(%dma_start3A_119 : memref<10000x128xf32, #tpu.memory_space<hbm>>) target(%arg9 : memref<128x128xf32, #tpu.memory_space<vmem>>) offsets(%dma_start3A_116 : memref<128xi32, #tpu.memory_space<vmem>>) semaphore(%arg12 : memref<!tpu.dma_semaphore, #tpu.memory_space<semaphore_mem>>)
        %dma_wait3A_120 = arith.constant 0 : i32
        %dma_wait3A_121 = tpu.memref_slice %arg8[%add3A_79, %dma_wait3A_120] : memref<40x128xi32, #tpu.memory_space<vmem>> -> memref<1x128xi32, #tpu.memory_space<vmem>>
        %dma_wait3A_122 = tpu.memref_squeeze %dma_wait3A_121 : memref<1x128xi32, #tpu.memory_space<vmem>> -> memref<128xi32, #tpu.memory_space<vmem>>
        %dma_wait3A_123 = arith.constant 0 : i32
        %dma_wait3A_124 = arith.constant 0 : i32
        %dma_wait3A_125 = tpu.memref_slice %arg11[%dma_wait3A_123, %dma_wait3A_124] : memref<10112x128xf32, #tpu.memory_space<vmem_shared>> -> memref<10112x128xf32, #tpu.memory_space<vmem_shared>>
        tpu.wait_indirect_dma semaphore(%arg15 : memref<!tpu.dma_semaphore, #tpu.memory_space<semaphore_mem>>) src(%arg10 : memref<128x128xf32, #tpu.memory_space<vmem>>) dst(%dma_wait3A_125 : memref<10112x128xf32, #tpu.memory_space<vmem_shared>>)
        %add3A_126 = arith.constant 2 : i32
        %add3A_127 = arith.addi %add3A_79, %add3A_126 : i32
        %dma_start3A_128 = arith.constant 0 : i32
        %dma_start3A_129 = tpu.memref_slice %arg7[%add3A_127, %dma_start3A_128] : memref<40x128xi32, #tpu.memory_space<vmem>> -> memref<1x128xi32, #tpu.memory_space<vmem>>
        %dma_start3A_130 = tpu.memref_squeeze %dma_start3A_129 : memref<1x128xi32, #tpu.memory_space<vmem>> -> memref<128xi32, #tpu.memory_space<vmem>>
        %dma_start3A_131 = arith.constant 0 : i32
        %dma_start3A_132 = arith.constant 0 : i32
        %dma_start3A_133 = tpu.memref_slice %arg2[%dma_start3A_131, %dma_start3A_132] : memref<10000x128xf32, #tpu.memory_space<hbm>> -> memref<10000x128xf32, #tpu.memory_space<hbm>>
        tpu.enqueue_indirect_dma source(%dma_start3A_133 : memref<10000x128xf32, #tpu.memory_space<hbm>>) target(%arg10 : memref<128x128xf32, #tpu.memory_space<vmem>>) offsets(%dma_start3A_130 : memref<128xi32, #tpu.memory_space<vmem>>) semaphore(%arg13 : memref<!tpu.dma_semaphore, #tpu.memory_space<semaphore_mem>>)
      } else {
      }
    }
    %scan3A_55 = arith.constant 20 : i32
    %dma_wait3A_56 = arith.constant 38 : i32
    %dma_wait3A_57 = arith.constant 0 : i32
    %dma_wait3A_58 = tpu.memref_slice %arg8[%dma_wait3A_56, %dma_wait3A_57] : memref<40x128xi32, #tpu.memory_space<vmem>> -> memref<1x128xi32, #tpu.memory_space<vmem>>
    %dma_wait3A_59 = tpu.memref_squeeze %dma_wait3A_58 : memref<1x128xi32, #tpu.memory_space<vmem>> -> memref<128xi32, #tpu.memory_space<vmem>>
    %dma_wait3A_60 = arith.constant 0 : i32
    %dma_wait3A_61 = arith.constant 0 : i32
    %dma_wait3A_62 = tpu.memref_slice %arg11[%dma_wait3A_60, %dma_wait3A_61] : memref<10112x128xf32, #tpu.memory_space<vmem_shared>> -> memref<10112x128xf32, #tpu.memory_space<vmem_shared>>
    tpu.wait_indirect_dma semaphore(%arg14 : memref<!tpu.dma_semaphore, #tpu.memory_space<semaphore_mem>>) src(%arg9 : memref<128x128xf32, #tpu.memory_space<vmem>>) dst(%dma_wait3A_62 : memref<10112x128xf32, #tpu.memory_space<vmem_shared>>)
    %dma_wait3A_63 = arith.constant 39 : i32
    %dma_wait3A_64 = arith.constant 0 : i32
    %dma_wait3A_65 = tpu.memref_slice %arg8[%dma_wait3A_63, %dma_wait3A_64] : memref<40x128xi32, #tpu.memory_space<vmem>> -> memref<1x128xi32, #tpu.memory_space<vmem>>
    %dma_wait3A_66 = tpu.memref_squeeze %dma_wait3A_65 : memref<1x128xi32, #tpu.memory_space<vmem>> -> memref<128xi32, #tpu.memory_space<vmem>>
    %dma_wait3A_67 = arith.constant 0 : i32
    %dma_wait3A_68 = arith.constant 0 : i32
    %dma_wait3A_69 = tpu.memref_slice %arg11[%dma_wait3A_67, %dma_wait3A_68] : memref<10112x128xf32, #tpu.memory_space<vmem_shared>> -> memref<10112x128xf32, #tpu.memory_space<vmem_shared>>
    tpu.wait_indirect_dma semaphore(%arg15 : memref<!tpu.dma_semaphore, #tpu.memory_space<semaphore_mem>>) src(%arg10 : memref<128x128xf32, #tpu.memory_space<vmem>>) dst(%dma_wait3A_69 : memref<10112x128xf32, #tpu.memory_space<vmem_shared>>)
    %barrier3A_70 = arith.constant 0 : index
    tpu.barrier barrier_id(%barrier3A_70)
    %mul3A_71 = arith.constant 632 : i32
    %mul3A_72 = arith.muli %arg1, %mul3A_71 : i32
    %mul3A_73 = arith.constant 632 : i32
    %mul3A_74 = arith.muli %arg1, %mul3A_73 : i32
    "tpu.region"() ({
      %run_scoped3A = tpu.sem_alloc : memref<!tpu.dma_semaphore, #tpu.memory_space<semaphore_mem>>
      %dma_start3A_75 = arith.constant 0 : i32
      %dma_start3A_76 = tpu.memref_slice %arg6[%arg0, %mul3A_74, %dma_start3A_75] : memref<2x10112x128xf32, #tpu.memory_space<hbm>> -> memref<1x632x128xf32, #tpu.memory_space<hbm>>
      %dma_start3A_77 = tpu.memref_squeeze %dma_start3A_76 : memref<1x632x128xf32, #tpu.memory_space<hbm>> -> memref<632x128xf32, #tpu.memory_space<hbm>>
      %dma_start3A_78 = arith.constant 0 : i32
      %dma_start3A_79 = tpu.memref_slice %arg11[%mul3A_72, %dma_start3A_78] : memref<10112x128xf32, #tpu.memory_space<vmem_shared>> -> memref<632x128xf32, #tpu.memory_space<vmem_shared>>
      tpu.enqueue_dma source(%dma_start3A_79 : memref<632x128xf32, #tpu.memory_space<vmem_shared>>) target(%dma_start3A_77 : memref<632x128xf32, #tpu.memory_space<hbm>>) target_semaphore(%run_scoped3A : memref<!tpu.dma_semaphore, #tpu.memory_space<semaphore_mem>>)
      %dma_wait3A_80 = arith.constant 0 : i32
      %dma_wait3A_81 = tpu.memref_slice %arg6[%arg0, %mul3A_74, %dma_wait3A_80] : memref<2x10112x128xf32, #tpu.memory_space<hbm>> -> memref<1x632x128xf32, #tpu.memory_space<hbm>>
      %dma_wait3A_82 = tpu.memref_squeeze %dma_wait3A_81 : memref<1x632x128xf32, #tpu.memory_space<hbm>> -> memref<632x128xf32, #tpu.memory_space<hbm>>
      %dma_wait3A_83 = arith.constant 0 : i32
      %dma_wait3A_84 = tpu.memref_slice %arg11[%mul3A_72, %dma_wait3A_83] : memref<10112x128xf32, #tpu.memory_space<vmem_shared>> -> memref<632x128xf32, #tpu.memory_space<vmem_shared>>
      tpu.wait_dma2 semaphore(%run_scoped3A : memref<!tpu.dma_semaphore, #tpu.memory_space<semaphore_mem>>) src(%dma_wait3A_84 : memref<632x128xf32, #tpu.memory_space<vmem_shared>>) dst(%dma_wait3A_82 : memref<632x128xf32, #tpu.memory_space<hbm>>)
      tpu.yield
    }) : () -> ()
    return
  }
}

#map = affine_map<(d0, d1) -> (0, 0, 0)>
#map1 = affine_map<(d0, d1) -> (0, 0)>
module attributes {stable_mosaic.version = 14 : i64} {
  func.func @_sc_deg_body(%arg0: i32, %arg1: i32, %arg2: memref<32x80x128xi32, #tpu.memory_space<hbm>>, %arg3: memref<10112x128xf32, #tpu.memory_space<hbm>>, %arg4: memref<128x128xf32, #tpu.memory_space<hbm>>, %arg5: memref<2x10112x128xf32, #tpu.memory_space<hbm>>, %arg6: memref<80x128xi32, #tpu.memory_space<vmem>>, %arg7: memref<128x128xf32, #tpu.memory_space<vmem>>, %arg8: memref<10112x128xf32, #tpu.memory_space<vmem_shared>>, %arg9: memref<!tpu.dma_semaphore, #tpu.memory_space<semaphore_mem>>) attributes {dimension_semantics = [#tpu.dimension_semantics<core_parallel>, #tpu.dimension_semantics<subcore_parallel>], iteration_bounds = array<i64: 2, 16>, scalar_prefetch = 0 : i64, scratch_operands = 4 : i64, tpu.core_type = #tpu.core_type<sc_vector_subcore>, window_params = [{transform_indices = #map}, {transform_indices = #map1}, {transform_indices = #map1}, {transform_indices = #map}]} {
    %mul3A = arith.constant 2 : i32
    %mul3A_0 = arith.muli %arg1, %mul3A : i32
    %add3A = arith.addi %mul3A_0, %arg0 : i32
    %mul3A_1 = arith.constant 632 : i32
    %mul3A_2 = arith.muli %arg1, %mul3A_1 : i32
    %mul3A_3 = arith.constant 632 : i32
    %mul3A_4 = arith.muli %arg1, %mul3A_3 : i32
    "tpu.region"() ({
      %run_scoped3A = tpu.sem_alloc : memref<!tpu.dma_semaphore, #tpu.memory_space<semaphore_mem>>
      %dma_start3A = arith.constant 0 : i32
      %dma_start3A_15 = tpu.memref_slice %arg8[%mul3A_4, %dma_start3A] : memref<10112x128xf32, #tpu.memory_space<vmem_shared>> -> memref<632x128xf32, #tpu.memory_space<vmem_shared>>
      %dma_start3A_16 = arith.constant 0 : i32
      %dma_start3A_17 = tpu.memref_slice %arg3[%mul3A_2, %dma_start3A_16] : memref<10112x128xf32, #tpu.memory_space<hbm>> -> memref<632x128xf32, #tpu.memory_space<hbm>>
      tpu.enqueue_dma source(%dma_start3A_17 : memref<632x128xf32, #tpu.memory_space<hbm>>) target(%dma_start3A_15 : memref<632x128xf32, #tpu.memory_space<vmem_shared>>) target_semaphore(%run_scoped3A : memref<!tpu.dma_semaphore, #tpu.memory_space<semaphore_mem>>)
      %dma_wait3A = arith.constant 0 : i32
      %dma_wait3A_18 = tpu.memref_slice %arg8[%mul3A_4, %dma_wait3A] : memref<10112x128xf32, #tpu.memory_space<vmem_shared>> -> memref<632x128xf32, #tpu.memory_space<vmem_shared>>
      %dma_wait3A_19 = arith.constant 0 : i32
      %dma_wait3A_20 = tpu.memref_slice %arg3[%mul3A_2, %dma_wait3A_19] : memref<10112x128xf32, #tpu.memory_space<hbm>> -> memref<632x128xf32, #tpu.memory_space<hbm>>
      tpu.wait_dma2 semaphore(%run_scoped3A : memref<!tpu.dma_semaphore, #tpu.memory_space<semaphore_mem>>) src(%dma_wait3A_20 : memref<632x128xf32, #tpu.memory_space<hbm>>) dst(%dma_wait3A_18 : memref<632x128xf32, #tpu.memory_space<vmem_shared>>)
      tpu.yield
    }) : () -> ()
    "tpu.region"() ({
      %run_scoped3A = tpu.sem_alloc : memref<!tpu.dma_semaphore, #tpu.memory_space<semaphore_mem>>
      tpu.enqueue_dma source(%arg4 : memref<128x128xf32, #tpu.memory_space<hbm>>) target(%arg7 : memref<128x128xf32, #tpu.memory_space<vmem>>) target_semaphore(%run_scoped3A : memref<!tpu.dma_semaphore, #tpu.memory_space<semaphore_mem>>)
      tpu.wait_dma2 semaphore(%run_scoped3A : memref<!tpu.dma_semaphore, #tpu.memory_space<semaphore_mem>>) src(%arg4 : memref<128x128xf32, #tpu.memory_space<hbm>>) dst(%arg7 : memref<128x128xf32, #tpu.memory_space<vmem>>)
      tpu.yield
    }) : () -> ()
    "tpu.region"() ({
      %run_scoped3A = tpu.sem_alloc : memref<!tpu.dma_semaphore, #tpu.memory_space<semaphore_mem>>
      %dma_start3A = arith.constant 0 : i32
      %dma_start3A_15 = arith.constant 0 : i32
      %dma_start3A_16 = tpu.memref_slice %arg2[%add3A, %dma_start3A, %dma_start3A_15] : memref<32x80x128xi32, #tpu.memory_space<hbm>> -> memref<1x80x128xi32, #tpu.memory_space<hbm>>
      %dma_start3A_17 = tpu.memref_squeeze %dma_start3A_16 : memref<1x80x128xi32, #tpu.memory_space<hbm>> -> memref<80x128xi32, #tpu.memory_space<hbm>>
      %dma_start3A_18 = arith.constant 0 : i32
      %dma_start3A_19 = arith.constant 0 : i32
      %dma_start3A_20 = tpu.memref_slice %arg2[%add3A, %dma_start3A_18, %dma_start3A_19] : memref<32x80x128xi32, #tpu.memory_space<hbm>> -> memref<1x80x128xi32, #tpu.memory_space<hbm>>
      %dma_start3A_21 = tpu.memref_squeeze %dma_start3A_20 : memref<1x80x128xi32, #tpu.memory_space<hbm>> -> memref<80x128xi32, #tpu.memory_space<hbm>>
      tpu.enqueue_dma source(%dma_start3A_21 : memref<80x128xi32, #tpu.memory_space<hbm>>) target(%arg6 : memref<80x128xi32, #tpu.memory_space<vmem>>) target_semaphore(%run_scoped3A : memref<!tpu.dma_semaphore, #tpu.memory_space<semaphore_mem>>)
      %dma_wait3A = arith.constant 0 : i32
      %dma_wait3A_22 = arith.constant 0 : i32
      %dma_wait3A_23 = tpu.memref_slice %arg2[%add3A, %dma_wait3A, %dma_wait3A_22] : memref<32x80x128xi32, #tpu.memory_space<hbm>> -> memref<1x80x128xi32, #tpu.memory_space<hbm>>
      %dma_wait3A_24 = tpu.memref_squeeze %dma_wait3A_23 : memref<1x80x128xi32, #tpu.memory_space<hbm>> -> memref<80x128xi32, #tpu.memory_space<hbm>>
      %dma_wait3A_25 = arith.constant 0 : i32
      %dma_wait3A_26 = arith.constant 0 : i32
      %dma_wait3A_27 = tpu.memref_slice %arg2[%add3A, %dma_wait3A_25, %dma_wait3A_26] : memref<32x80x128xi32, #tpu.memory_space<hbm>> -> memref<1x80x128xi32, #tpu.memory_space<hbm>>
      %dma_wait3A_28 = tpu.memref_squeeze %dma_wait3A_27 : memref<1x80x128xi32, #tpu.memory_space<hbm>> -> memref<80x128xi32, #tpu.memory_space<hbm>>
      tpu.wait_dma2 semaphore(%run_scoped3A : memref<!tpu.dma_semaphore, #tpu.memory_space<semaphore_mem>>) src(%dma_wait3A_28 : memref<80x128xi32, #tpu.memory_space<hbm>>) dst(%arg6 : memref<80x128xi32, #tpu.memory_space<vmem>>)
      tpu.yield
    }) : () -> ()
    %barrier3A = arith.constant 0 : index
    tpu.barrier barrier_id(%barrier3A)
    %scan3A = arith.constant 0 : i32
    %scan3A_5 = arith.constant 0 : i32
    %scan3A_6 = arith.constant 10 : i32
    %scan3A_7 = arith.addi %scan3A_5, %scan3A_6 : i32
    %scan3A_8 = arith.constant 1 : i32
    scf.for %scan3A_15 = %scan3A_5 to %scan3A_7 step %scan3A_8  : i32 {
      %mul3A_16 = arith.constant 8 : i32
      %mul3A_17 = arith.muli %scan3A_15, %mul3A_16 : i32
      %add3A_18 = arith.constant 0 : i32
      %add3A_19 = arith.addi %mul3A_17, %add3A_18 : i32
      %dma_start3A = arith.constant 0 : i32
      %dma_start3A_20 = tpu.memref_slice %arg6[%add3A_19, %dma_start3A] : memref<80x128xi32, #tpu.memory_space<vmem>> -> memref<1x128xi32, #tpu.memory_space<vmem>>
      %dma_start3A_21 = tpu.memref_squeeze %dma_start3A_20 : memref<1x128xi32, #tpu.memory_space<vmem>> -> memref<128xi32, #tpu.memory_space<vmem>>
      %dma_start3A_22 = arith.constant 0 : i32
      %dma_start3A_23 = arith.constant 0 : i32
      %dma_start3A_24 = tpu.memref_slice %arg8[%dma_start3A_22, %dma_start3A_23] : memref<10112x128xf32, #tpu.memory_space<vmem_shared>> -> memref<10112x128xf32, #tpu.memory_space<vmem_shared>>
      tpu.enqueue_indirect_dma source(%arg7 : memref<128x128xf32, #tpu.memory_space<vmem>>) target(%dma_start3A_24 : memref<10112x128xf32, #tpu.memory_space<vmem_shared>>) offsets(%dma_start3A_21 : memref<128xi32, #tpu.memory_space<vmem>>) semaphore(%arg9 : memref<!tpu.dma_semaphore, #tpu.memory_space<semaphore_mem>>) {add = true}
      %add3A_25 = arith.constant 1 : i32
      %add3A_26 = arith.addi %mul3A_17, %add3A_25 : i32
      %dma_start3A_27 = arith.constant 0 : i32
      %dma_start3A_28 = tpu.memref_slice %arg6[%add3A_26, %dma_start3A_27] : memref<80x128xi32, #tpu.memory_space<vmem>> -> memref<1x128xi32, #tpu.memory_space<vmem>>
      %dma_start3A_29 = tpu.memref_squeeze %dma_start3A_28 : memref<1x128xi32, #tpu.memory_space<vmem>> -> memref<128xi32, #tpu.memory_space<vmem>>
      %dma_start3A_30 = arith.constant 0 : i32
      %dma_start3A_31 = arith.constant 0 : i32
      %dma_start3A_32 = tpu.memref_slice %arg8[%dma_start3A_30, %dma_start3A_31] : memref<10112x128xf32, #tpu.memory_space<vmem_shared>> -> memref<10112x128xf32, #tpu.memory_space<vmem_shared>>
      tpu.enqueue_indirect_dma source(%arg7 : memref<128x128xf32, #tpu.memory_space<vmem>>) target(%dma_start3A_32 : memref<10112x128xf32, #tpu.memory_space<vmem_shared>>) offsets(%dma_start3A_29 : memref<128xi32, #tpu.memory_space<vmem>>) semaphore(%arg9 : memref<!tpu.dma_semaphore, #tpu.memory_space<semaphore_mem>>) {add = true}
      %add3A_33 = arith.constant 2 : i32
      %add3A_34 = arith.addi %mul3A_17, %add3A_33 : i32
      %dma_start3A_35 = arith.constant 0 : i32
      %dma_start3A_36 = tpu.memref_slice %arg6[%add3A_34, %dma_start3A_35] : memref<80x128xi32, #tpu.memory_space<vmem>> -> memref<1x128xi32, #tpu.memory_space<vmem>>
      %dma_start3A_37 = tpu.memref_squeeze %dma_start3A_36 : memref<1x128xi32, #tpu.memory_space<vmem>> -> memref<128xi32, #tpu.memory_space<vmem>>
      %dma_start3A_38 = arith.constant 0 : i32
      %dma_start3A_39 = arith.constant 0 : i32
      %dma_start3A_40 = tpu.memref_slice %arg8[%dma_start3A_38, %dma_start3A_39] : memref<10112x128xf32, #tpu.memory_space<vmem_shared>> -> memref<10112x128xf32, #tpu.memory_space<vmem_shared>>
      tpu.enqueue_indirect_dma source(%arg7 : memref<128x128xf32, #tpu.memory_space<vmem>>) target(%dma_start3A_40 : memref<10112x128xf32, #tpu.memory_space<vmem_shared>>) offsets(%dma_start3A_37 : memref<128xi32, #tpu.memory_space<vmem>>) semaphore(%arg9 : memref<!tpu.dma_semaphore, #tpu.memory_space<semaphore_mem>>) {add = true}
      %add3A_41 = arith.constant 3 : i32
      %add3A_42 = arith.addi %mul3A_17, %add3A_41 : i32
      %dma_start3A_43 = arith.constant 0 : i32
      %dma_start3A_44 = tpu.memref_slice %arg6[%add3A_42, %dma_start3A_43] : memref<80x128xi32, #tpu.memory_space<vmem>> -> memref<1x128xi32, #tpu.memory_space<vmem>>
      %dma_start3A_45 = tpu.memref_squeeze %dma_start3A_44 : memref<1x128xi32, #tpu.memory_space<vmem>> -> memref<128xi32, #tpu.memory_space<vmem>>
      %dma_start3A_46 = arith.constant 0 : i32
      %dma_start3A_47 = arith.constant 0 : i32
      %dma_start3A_48 = tpu.memref_slice %arg8[%dma_start3A_46, %dma_start3A_47] : memref<10112x128xf32, #tpu.memory_space<vmem_shared>> -> memref<10112x128xf32, #tpu.memory_space<vmem_shared>>
      tpu.enqueue_indirect_dma source(%arg7 : memref<128x128xf32, #tpu.memory_space<vmem>>) target(%dma_start3A_48 : memref<10112x128xf32, #tpu.memory_space<vmem_shared>>) offsets(%dma_start3A_45 : memref<128xi32, #tpu.memory_space<vmem>>) semaphore(%arg9 : memref<!tpu.dma_semaphore, #tpu.memory_space<semaphore_mem>>) {add = true}
      %add3A_49 = arith.constant 4 : i32
      %add3A_50 = arith.addi %mul3A_17, %add3A_49 : i32
      %dma_start3A_51 = arith.constant 0 : i32
      %dma_start3A_52 = tpu.memref_slice %arg6[%add3A_50, %dma_start3A_51] : memref<80x128xi32, #tpu.memory_space<vmem>> -> memref<1x128xi32, #tpu.memory_space<vmem>>
      %dma_start3A_53 = tpu.memref_squeeze %dma_start3A_52 : memref<1x128xi32, #tpu.memory_space<vmem>> -> memref<128xi32, #tpu.memory_space<vmem>>
      %dma_start3A_54 = arith.constant 0 : i32
      %dma_start3A_55 = arith.constant 0 : i32
      %dma_start3A_56 = tpu.memref_slice %arg8[%dma_start3A_54, %dma_start3A_55] : memref<10112x128xf32, #tpu.memory_space<vmem_shared>> -> memref<10112x128xf32, #tpu.memory_space<vmem_shared>>
      tpu.enqueue_indirect_dma source(%arg7 : memref<128x128xf32, #tpu.memory_space<vmem>>) target(%dma_start3A_56 : memref<10112x128xf32, #tpu.memory_space<vmem_shared>>) offsets(%dma_start3A_53 : memref<128xi32, #tpu.memory_space<vmem>>) semaphore(%arg9 : memref<!tpu.dma_semaphore, #tpu.memory_space<semaphore_mem>>) {add = true}
      %add3A_57 = arith.constant 5 : i32
      %add3A_58 = arith.addi %mul3A_17, %add3A_57 : i32
      %dma_start3A_59 = arith.constant 0 : i32
      %dma_start3A_60 = tpu.memref_slice %arg6[%add3A_58, %dma_start3A_59] : memref<80x128xi32, #tpu.memory_space<vmem>> -> memref<1x128xi32, #tpu.memory_space<vmem>>
      %dma_start3A_61 = tpu.memref_squeeze %dma_start3A_60 : memref<1x128xi32, #tpu.memory_space<vmem>> -> memref<128xi32, #tpu.memory_space<vmem>>
      %dma_start3A_62 = arith.constant 0 : i32
      %dma_start3A_63 = arith.constant 0 : i32
      %dma_start3A_64 = tpu.memref_slice %arg8[%dma_start3A_62, %dma_start3A_63] : memref<10112x128xf32, #tpu.memory_space<vmem_shared>> -> memref<10112x128xf32, #tpu.memory_space<vmem_shared>>
      tpu.enqueue_indirect_dma source(%arg7 : memref<128x128xf32, #tpu.memory_space<vmem>>) target(%dma_start3A_64 : memref<10112x128xf32, #tpu.memory_space<vmem_shared>>) offsets(%dma_start3A_61 : memref<128xi32, #tpu.memory_space<vmem>>) semaphore(%arg9 : memref<!tpu.dma_semaphore, #tpu.memory_space<semaphore_mem>>) {add = true}
      %add3A_65 = arith.constant 6 : i32
      %add3A_66 = arith.addi %mul3A_17, %add3A_65 : i32
      %dma_start3A_67 = arith.constant 0 : i32
      %dma_start3A_68 = tpu.memref_slice %arg6[%add3A_66, %dma_start3A_67] : memref<80x128xi32, #tpu.memory_space<vmem>> -> memref<1x128xi32, #tpu.memory_space<vmem>>
      %dma_start3A_69 = tpu.memref_squeeze %dma_start3A_68 : memref<1x128xi32, #tpu.memory_space<vmem>> -> memref<128xi32, #tpu.memory_space<vmem>>
      %dma_start3A_70 = arith.constant 0 : i32
      %dma_start3A_71 = arith.constant 0 : i32
      %dma_start3A_72 = tpu.memref_slice %arg8[%dma_start3A_70, %dma_start3A_71] : memref<10112x128xf32, #tpu.memory_space<vmem_shared>> -> memref<10112x128xf32, #tpu.memory_space<vmem_shared>>
      tpu.enqueue_indirect_dma source(%arg7 : memref<128x128xf32, #tpu.memory_space<vmem>>) target(%dma_start3A_72 : memref<10112x128xf32, #tpu.memory_space<vmem_shared>>) offsets(%dma_start3A_69 : memref<128xi32, #tpu.memory_space<vmem>>) semaphore(%arg9 : memref<!tpu.dma_semaphore, #tpu.memory_space<semaphore_mem>>) {add = true}
      %add3A_73 = arith.constant 7 : i32
      %add3A_74 = arith.addi %mul3A_17, %add3A_73 : i32
      %dma_start3A_75 = arith.constant 0 : i32
      %dma_start3A_76 = tpu.memref_slice %arg6[%add3A_74, %dma_start3A_75] : memref<80x128xi32, #tpu.memory_space<vmem>> -> memref<1x128xi32, #tpu.memory_space<vmem>>
      %dma_start3A_77 = tpu.memref_squeeze %dma_start3A_76 : memref<1x128xi32, #tpu.memory_space<vmem>> -> memref<128xi32, #tpu.memory_space<vmem>>
      %dma_start3A_78 = arith.constant 0 : i32
      %dma_start3A_79 = arith.constant 0 : i32
      %dma_start3A_80 = tpu.memref_slice %arg8[%dma_start3A_78, %dma_start3A_79] : memref<10112x128xf32, #tpu.memory_space<vmem_shared>> -> memref<10112x128xf32, #tpu.memory_space<vmem_shared>>
      tpu.enqueue_indirect_dma source(%arg7 : memref<128x128xf32, #tpu.memory_space<vmem>>) target(%dma_start3A_80 : memref<10112x128xf32, #tpu.memory_space<vmem_shared>>) offsets(%dma_start3A_77 : memref<128xi32, #tpu.memory_space<vmem>>) semaphore(%arg9 : memref<!tpu.dma_semaphore, #tpu.memory_space<semaphore_mem>>) {add = true}
      %add3A_81 = arith.constant 0 : i32
      %add3A_82 = arith.addi %mul3A_17, %add3A_81 : i32
      %dma_wait3A = arith.constant 0 : i32
      %dma_wait3A_83 = tpu.memref_slice %arg6[%add3A_82, %dma_wait3A] : memref<80x128xi32, #tpu.memory_space<vmem>> -> memref<1x128xi32, #tpu.memory_space<vmem>>
      %dma_wait3A_84 = tpu.memref_squeeze %dma_wait3A_83 : memref<1x128xi32, #tpu.memory_space<vmem>> -> memref<128xi32, #tpu.memory_space<vmem>>
      %dma_wait3A_85 = arith.constant 0 : i32
      %dma_wait3A_86 = arith.constant 0 : i32
      %dma_wait3A_87 = tpu.memref_slice %arg8[%dma_wait3A_85, %dma_wait3A_86] : memref<10112x128xf32, #tpu.memory_space<vmem_shared>> -> memref<10112x128xf32, #tpu.memory_space<vmem_shared>>
      tpu.wait_indirect_dma semaphore(%arg9 : memref<!tpu.dma_semaphore, #tpu.memory_space<semaphore_mem>>) src(%arg7 : memref<128x128xf32, #tpu.memory_space<vmem>>) dst(%dma_wait3A_87 : memref<10112x128xf32, #tpu.memory_space<vmem_shared>>)
      %add3A_88 = arith.constant 1 : i32
      %add3A_89 = arith.addi %mul3A_17, %add3A_88 : i32
      %dma_wait3A_90 = arith.constant 0 : i32
      %dma_wait3A_91 = tpu.memref_slice %arg6[%add3A_89, %dma_wait3A_90] : memref<80x128xi32, #tpu.memory_space<vmem>> -> memref<1x128xi32, #tpu.memory_space<vmem>>
      %dma_wait3A_92 = tpu.memref_squeeze %dma_wait3A_91 : memref<1x128xi32, #tpu.memory_space<vmem>> -> memref<128xi32, #tpu.memory_space<vmem>>
      %dma_wait3A_93 = arith.constant 0 : i32
      %dma_wait3A_94 = arith.constant 0 : i32
      %dma_wait3A_95 = tpu.memref_slice %arg8[%dma_wait3A_93, %dma_wait3A_94] : memref<10112x128xf32, #tpu.memory_space<vmem_shared>> -> memref<10112x128xf32, #tpu.memory_space<vmem_shared>>
      tpu.wait_indirect_dma semaphore(%arg9 : memref<!tpu.dma_semaphore, #tpu.memory_space<semaphore_mem>>) src(%arg7 : memref<128x128xf32, #tpu.memory_space<vmem>>) dst(%dma_wait3A_95 : memref<10112x128xf32, #tpu.memory_space<vmem_shared>>)
      %add3A_96 = arith.constant 2 : i32
      %add3A_97 = arith.addi %mul3A_17, %add3A_96 : i32
      %dma_wait3A_98 = arith.constant 0 : i32
      %dma_wait3A_99 = tpu.memref_slice %arg6[%add3A_97, %dma_wait3A_98] : memref<80x128xi32, #tpu.memory_space<vmem>> -> memref<1x128xi32, #tpu.memory_space<vmem>>
      %dma_wait3A_100 = tpu.memref_squeeze %dma_wait3A_99 : memref<1x128xi32, #tpu.memory_space<vmem>> -> memref<128xi32, #tpu.memory_space<vmem>>
      %dma_wait3A_101 = arith.constant 0 : i32
      %dma_wait3A_102 = arith.constant 0 : i32
      %dma_wait3A_103 = tpu.memref_slice %arg8[%dma_wait3A_101, %dma_wait3A_102] : memref<10112x128xf32, #tpu.memory_space<vmem_shared>> -> memref<10112x128xf32, #tpu.memory_space<vmem_shared>>
      tpu.wait_indirect_dma semaphore(%arg9 : memref<!tpu.dma_semaphore, #tpu.memory_space<semaphore_mem>>) src(%arg7 : memref<128x128xf32, #tpu.memory_space<vmem>>) dst(%dma_wait3A_103 : memref<10112x128xf32, #tpu.memory_space<vmem_shared>>)
      %add3A_104 = arith.constant 3 : i32
      %add3A_105 = arith.addi %mul3A_17, %add3A_104 : i32
      %dma_wait3A_106 = arith.constant 0 : i32
      %dma_wait3A_107 = tpu.memref_slice %arg6[%add3A_105, %dma_wait3A_106] : memref<80x128xi32, #tpu.memory_space<vmem>> -> memref<1x128xi32, #tpu.memory_space<vmem>>
      %dma_wait3A_108 = tpu.memref_squeeze %dma_wait3A_107 : memref<1x128xi32, #tpu.memory_space<vmem>> -> memref<128xi32, #tpu.memory_space<vmem>>
      %dma_wait3A_109 = arith.constant 0 : i32
      %dma_wait3A_110 = arith.constant 0 : i32
      %dma_wait3A_111 = tpu.memref_slice %arg8[%dma_wait3A_109, %dma_wait3A_110] : memref<10112x128xf32, #tpu.memory_space<vmem_shared>> -> memref<10112x128xf32, #tpu.memory_space<vmem_shared>>
      tpu.wait_indirect_dma semaphore(%arg9 : memref<!tpu.dma_semaphore, #tpu.memory_space<semaphore_mem>>) src(%arg7 : memref<128x128xf32, #tpu.memory_space<vmem>>) dst(%dma_wait3A_111 : memref<10112x128xf32, #tpu.memory_space<vmem_shared>>)
      %add3A_112 = arith.constant 4 : i32
      %add3A_113 = arith.addi %mul3A_17, %add3A_112 : i32
      %dma_wait3A_114 = arith.constant 0 : i32
      %dma_wait3A_115 = tpu.memref_slice %arg6[%add3A_113, %dma_wait3A_114] : memref<80x128xi32, #tpu.memory_space<vmem>> -> memref<1x128xi32, #tpu.memory_space<vmem>>
      %dma_wait3A_116 = tpu.memref_squeeze %dma_wait3A_115 : memref<1x128xi32, #tpu.memory_space<vmem>> -> memref<128xi32, #tpu.memory_space<vmem>>
      %dma_wait3A_117 = arith.constant 0 : i32
      %dma_wait3A_118 = arith.constant 0 : i32
      %dma_wait3A_119 = tpu.memref_slice %arg8[%dma_wait3A_117, %dma_wait3A_118] : memref<10112x128xf32, #tpu.memory_space<vmem_shared>> -> memref<10112x128xf32, #tpu.memory_space<vmem_shared>>
      tpu.wait_indirect_dma semaphore(%arg9 : memref<!tpu.dma_semaphore, #tpu.memory_space<semaphore_mem>>) src(%arg7 : memref<128x128xf32, #tpu.memory_space<vmem>>) dst(%dma_wait3A_119 : memref<10112x128xf32, #tpu.memory_space<vmem_shared>>)
      %add3A_120 = arith.constant 5 : i32
      %add3A_121 = arith.addi %mul3A_17, %add3A_120 : i32
      %dma_wait3A_122 = arith.constant 0 : i32
      %dma_wait3A_123 = tpu.memref_slice %arg6[%add3A_121, %dma_wait3A_122] : memref<80x128xi32, #tpu.memory_space<vmem>> -> memref<1x128xi32, #tpu.memory_space<vmem>>
      %dma_wait3A_124 = tpu.memref_squeeze %dma_wait3A_123 : memref<1x128xi32, #tpu.memory_space<vmem>> -> memref<128xi32, #tpu.memory_space<vmem>>
      %dma_wait3A_125 = arith.constant 0 : i32
      %dma_wait3A_126 = arith.constant 0 : i32
      %dma_wait3A_127 = tpu.memref_slice %arg8[%dma_wait3A_125, %dma_wait3A_126] : memref<10112x128xf32, #tpu.memory_space<vmem_shared>> -> memref<10112x128xf32, #tpu.memory_space<vmem_shared>>
      tpu.wait_indirect_dma semaphore(%arg9 : memref<!tpu.dma_semaphore, #tpu.memory_space<semaphore_mem>>) src(%arg7 : memref<128x128xf32, #tpu.memory_space<vmem>>) dst(%dma_wait3A_127 : memref<10112x128xf32, #tpu.memory_space<vmem_shared>>)
      %add3A_128 = arith.constant 6 : i32
      %add3A_129 = arith.addi %mul3A_17, %add3A_128 : i32
      %dma_wait3A_130 = arith.constant 0 : i32
      %dma_wait3A_131 = tpu.memref_slice %arg6[%add3A_129, %dma_wait3A_130] : memref<80x128xi32, #tpu.memory_space<vmem>> -> memref<1x128xi32, #tpu.memory_space<vmem>>
      %dma_wait3A_132 = tpu.memref_squeeze %dma_wait3A_131 : memref<1x128xi32, #tpu.memory_space<vmem>> -> memref<128xi32, #tpu.memory_space<vmem>>
      %dma_wait3A_133 = arith.constant 0 : i32
      %dma_wait3A_134 = arith.constant 0 : i32
      %dma_wait3A_135 = tpu.memref_slice %arg8[%dma_wait3A_133, %dma_wait3A_134] : memref<10112x128xf32, #tpu.memory_space<vmem_shared>> -> memref<10112x128xf32, #tpu.memory_space<vmem_shared>>
      tpu.wait_indirect_dma semaphore(%arg9 : memref<!tpu.dma_semaphore, #tpu.memory_space<semaphore_mem>>) src(%arg7 : memref<128x128xf32, #tpu.memory_space<vmem>>) dst(%dma_wait3A_135 : memref<10112x128xf32, #tpu.memory_space<vmem_shared>>)
      %add3A_136 = arith.constant 7 : i32
      %add3A_137 = arith.addi %mul3A_17, %add3A_136 : i32
      %dma_wait3A_138 = arith.constant 0 : i32
      %dma_wait3A_139 = tpu.memref_slice %arg6[%add3A_137, %dma_wait3A_138] : memref<80x128xi32, #tpu.memory_space<vmem>> -> memref<1x128xi32, #tpu.memory_space<vmem>>
      %dma_wait3A_140 = tpu.memref_squeeze %dma_wait3A_139 : memref<1x128xi32, #tpu.memory_space<vmem>> -> memref<128xi32, #tpu.memory_space<vmem>>
      %dma_wait3A_141 = arith.constant 0 : i32
      %dma_wait3A_142 = arith.constant 0 : i32
      %dma_wait3A_143 = tpu.memref_slice %arg8[%dma_wait3A_141, %dma_wait3A_142] : memref<10112x128xf32, #tpu.memory_space<vmem_shared>> -> memref<10112x128xf32, #tpu.memory_space<vmem_shared>>
      tpu.wait_indirect_dma semaphore(%arg9 : memref<!tpu.dma_semaphore, #tpu.memory_space<semaphore_mem>>) src(%arg7 : memref<128x128xf32, #tpu.memory_space<vmem>>) dst(%dma_wait3A_143 : memref<10112x128xf32, #tpu.memory_space<vmem_shared>>)
    }
    %scan3A_9 = arith.constant 10 : i32
    %barrier3A_10 = arith.constant 0 : index
    tpu.barrier barrier_id(%barrier3A_10)
    %mul3A_11 = arith.constant 632 : i32
    %mul3A_12 = arith.muli %arg1, %mul3A_11 : i32
    %mul3A_13 = arith.constant 632 : i32
    %mul3A_14 = arith.muli %arg1, %mul3A_13 : i32
    "tpu.region"() ({
      %run_scoped3A = tpu.sem_alloc : memref<!tpu.dma_semaphore, #tpu.memory_space<semaphore_mem>>
      %dma_start3A = arith.constant 0 : i32
      %dma_start3A_15 = tpu.memref_slice %arg5[%arg0, %mul3A_14, %dma_start3A] : memref<2x10112x128xf32, #tpu.memory_space<hbm>> -> memref<1x632x128xf32, #tpu.memory_space<hbm>>
      %dma_start3A_16 = tpu.memref_squeeze %dma_start3A_15 : memref<1x632x128xf32, #tpu.memory_space<hbm>> -> memref<632x128xf32, #tpu.memory_space<hbm>>
      %dma_start3A_17 = arith.constant 0 : i32
      %dma_start3A_18 = tpu.memref_slice %arg8[%mul3A_12, %dma_start3A_17] : memref<10112x128xf32, #tpu.memory_space<vmem_shared>> -> memref<632x128xf32, #tpu.memory_space<vmem_shared>>
      tpu.enqueue_dma source(%dma_start3A_18 : memref<632x128xf32, #tpu.memory_space<vmem_shared>>) target(%dma_start3A_16 : memref<632x128xf32, #tpu.memory_space<hbm>>) target_semaphore(%run_scoped3A : memref<!tpu.dma_semaphore, #tpu.memory_space<semaphore_mem>>)
      %dma_wait3A = arith.constant 0 : i32
      %dma_wait3A_19 = tpu.memref_slice %arg5[%arg0, %mul3A_14, %dma_wait3A] : memref<2x10112x128xf32, #tpu.memory_space<hbm>> -> memref<1x632x128xf32, #tpu.memory_space<hbm>>
      %dma_wait3A_20 = tpu.memref_squeeze %dma_wait3A_19 : memref<1x632x128xf32, #tpu.memory_space<hbm>> -> memref<632x128xf32, #tpu.memory_space<hbm>>
      %dma_wait3A_21 = arith.constant 0 : i32
      %dma_wait3A_22 = tpu.memref_slice %arg8[%mul3A_12, %dma_wait3A_21] : memref<10112x128xf32, #tpu.memory_space<vmem_shared>> -> memref<632x128xf32, #tpu.memory_space<vmem_shared>>
      tpu.wait_dma2 semaphore(%run_scoped3A : memref<!tpu.dma_semaphore, #tpu.memory_space<semaphore_mem>>) src(%dma_wait3A_22 : memref<632x128xf32, #tpu.memory_space<vmem_shared>>) dst(%dma_wait3A_20 : memref<632x128xf32, #tpu.memory_space<hbm>>)
      tpu.yield
    }) : () -> ()
    return
  }
}

#map = affine_map<(d0, d1) -> (0, 0)>
#map1 = affine_map<(d0, d1) -> (0, 0, 0)>
module attributes {stable_mosaic.version = 14 : i64} {
  func.func @_sc_agg_body(%arg0: i32, %arg1: i32, %arg2: memref<10000x128xf32, #tpu.memory_space<hbm>>, %arg3: memref<32x80x128xi32, #tpu.memory_space<hbm>>, %arg4: memref<32x80x128xi32, #tpu.memory_space<hbm>>, %arg5: memref<10112x128xf32, #tpu.memory_space<hbm>>, %arg6: memref<2x10112x128xf32, #tpu.memory_space<hbm>>, %arg7: memref<40x128xi32, #tpu.memory_space<vmem>>, %arg8: memref<40x128xi32, #tpu.memory_space<vmem>>, %arg9: memref<128x128xf32, #tpu.memory_space<vmem>>, %arg10: memref<128x128xf32, #tpu.memory_space<vmem>>, %arg11: memref<10112x128xf32, #tpu.memory_space<vmem_shared>>, %arg12: memref<!tpu.dma_semaphore, #tpu.memory_space<semaphore_mem>>, %arg13: memref<!tpu.dma_semaphore, #tpu.memory_space<semaphore_mem>>, %arg14: memref<!tpu.dma_semaphore, #tpu.memory_space<semaphore_mem>>, %arg15: memref<!tpu.dma_semaphore, #tpu.memory_space<semaphore_mem>>) attributes {dimension_semantics = [#tpu.dimension_semantics<core_parallel>, #tpu.dimension_semantics<subcore_parallel>], iteration_bounds = array<i64: 2, 16>, scalar_prefetch = 0 : i64, scratch_operands = 9 : i64, tpu.core_type = #tpu.core_type<sc_vector_subcore>, window_params = [{transform_indices = #map}, {transform_indices = #map1}, {transform_indices = #map1}, {transform_indices = #map}, {transform_indices = #map1}]} {
    %mul3A = arith.constant 2 : i32
    %mul3A_0 = arith.muli %arg1, %mul3A : i32
    %add3A = arith.addi %mul3A_0, %arg0 : i32
    %mul3A_1 = arith.constant 632 : i32
    %mul3A_2 = arith.muli %arg1, %mul3A_1 : i32
    %mul3A_3 = arith.constant 632 : i32
    %mul3A_4 = arith.muli %arg1, %mul3A_3 : i32
    "tpu.region"() ({
      %run_scoped3A = tpu.sem_alloc : memref<!tpu.dma_semaphore, #tpu.memory_space<semaphore_mem>>
      %dma_start3A_75 = arith.constant 0 : i32
      %dma_start3A_76 = tpu.memref_slice %arg11[%mul3A_4, %dma_start3A_75] : memref<10112x128xf32, #tpu.memory_space<vmem_shared>> -> memref<632x128xf32, #tpu.memory_space<vmem_shared>>
      %dma_start3A_77 = arith.constant 0 : i32
      %dma_start3A_78 = tpu.memref_slice %arg5[%mul3A_2, %dma_start3A_77] : memref<10112x128xf32, #tpu.memory_space<hbm>> -> memref<632x128xf32, #tpu.memory_space<hbm>>
      tpu.enqueue_dma source(%dma_start3A_78 : memref<632x128xf32, #tpu.memory_space<hbm>>) target(%dma_start3A_76 : memref<632x128xf32, #tpu.memory_space<vmem_shared>>) target_semaphore(%run_scoped3A : memref<!tpu.dma_semaphore, #tpu.memory_space<semaphore_mem>>)
      %dma_wait3A_79 = arith.constant 0 : i32
      %dma_wait3A_80 = tpu.memref_slice %arg11[%mul3A_4, %dma_wait3A_79] : memref<10112x128xf32, #tpu.memory_space<vmem_shared>> -> memref<632x128xf32, #tpu.memory_space<vmem_shared>>
      %dma_wait3A_81 = arith.constant 0 : i32
      %dma_wait3A_82 = tpu.memref_slice %arg5[%mul3A_2, %dma_wait3A_81] : memref<10112x128xf32, #tpu.memory_space<hbm>> -> memref<632x128xf32, #tpu.memory_space<hbm>>
      tpu.wait_dma2 semaphore(%run_scoped3A : memref<!tpu.dma_semaphore, #tpu.memory_space<semaphore_mem>>) src(%dma_wait3A_82 : memref<632x128xf32, #tpu.memory_space<hbm>>) dst(%dma_wait3A_80 : memref<632x128xf32, #tpu.memory_space<vmem_shared>>)
      tpu.yield
    }) : () -> ()
    %barrier3A = arith.constant 0 : index
    tpu.barrier barrier_id(%barrier3A)
    "tpu.region"() ({
      %run_scoped3A = tpu.sem_alloc : memref<!tpu.dma_semaphore, #tpu.memory_space<semaphore_mem>>
      %dma_start3A_75 = arith.constant 0 : i32
      %dma_start3A_76 = arith.constant 0 : i32
      %dma_start3A_77 = tpu.memref_slice %arg3[%add3A, %dma_start3A_75, %dma_start3A_76] : memref<32x80x128xi32, #tpu.memory_space<hbm>> -> memref<1x40x128xi32, #tpu.memory_space<hbm>>
      %dma_start3A_78 = tpu.memref_squeeze %dma_start3A_77 : memref<1x40x128xi32, #tpu.memory_space<hbm>> -> memref<40x128xi32, #tpu.memory_space<hbm>>
      %dma_start3A_79 = arith.constant 0 : i32
      %dma_start3A_80 = arith.constant 0 : i32
      %dma_start3A_81 = tpu.memref_slice %arg3[%add3A, %dma_start3A_79, %dma_start3A_80] : memref<32x80x128xi32, #tpu.memory_space<hbm>> -> memref<1x40x128xi32, #tpu.memory_space<hbm>>
      %dma_start3A_82 = tpu.memref_squeeze %dma_start3A_81 : memref<1x40x128xi32, #tpu.memory_space<hbm>> -> memref<40x128xi32, #tpu.memory_space<hbm>>
      tpu.enqueue_dma source(%dma_start3A_82 : memref<40x128xi32, #tpu.memory_space<hbm>>) target(%arg7 : memref<40x128xi32, #tpu.memory_space<vmem>>) target_semaphore(%run_scoped3A : memref<!tpu.dma_semaphore, #tpu.memory_space<semaphore_mem>>)
      %dma_wait3A_83 = arith.constant 0 : i32
      %dma_wait3A_84 = arith.constant 0 : i32
      %dma_wait3A_85 = tpu.memref_slice %arg3[%add3A, %dma_wait3A_83, %dma_wait3A_84] : memref<32x80x128xi32, #tpu.memory_space<hbm>> -> memref<1x40x128xi32, #tpu.memory_space<hbm>>
      %dma_wait3A_86 = tpu.memref_squeeze %dma_wait3A_85 : memref<1x40x128xi32, #tpu.memory_space<hbm>> -> memref<40x128xi32, #tpu.memory_space<hbm>>
      %dma_wait3A_87 = arith.constant 0 : i32
      %dma_wait3A_88 = arith.constant 0 : i32
      %dma_wait3A_89 = tpu.memref_slice %arg3[%add3A, %dma_wait3A_87, %dma_wait3A_88] : memref<32x80x128xi32, #tpu.memory_space<hbm>> -> memref<1x40x128xi32, #tpu.memory_space<hbm>>
      %dma_wait3A_90 = tpu.memref_squeeze %dma_wait3A_89 : memref<1x40x128xi32, #tpu.memory_space<hbm>> -> memref<40x128xi32, #tpu.memory_space<hbm>>
      tpu.wait_dma2 semaphore(%run_scoped3A : memref<!tpu.dma_semaphore, #tpu.memory_space<semaphore_mem>>) src(%dma_wait3A_90 : memref<40x128xi32, #tpu.memory_space<hbm>>) dst(%arg7 : memref<40x128xi32, #tpu.memory_space<vmem>>)
      tpu.yield
    }) : () -> ()
    "tpu.region"() ({
      %run_scoped3A = tpu.sem_alloc : memref<!tpu.dma_semaphore, #tpu.memory_space<semaphore_mem>>
      %dma_start3A_75 = arith.constant 0 : i32
      %dma_start3A_76 = arith.constant 0 : i32
      %dma_start3A_77 = tpu.memref_slice %arg4[%add3A, %dma_start3A_75, %dma_start3A_76] : memref<32x80x128xi32, #tpu.memory_space<hbm>> -> memref<1x40x128xi32, #tpu.memory_space<hbm>>
      %dma_start3A_78 = tpu.memref_squeeze %dma_start3A_77 : memref<1x40x128xi32, #tpu.memory_space<hbm>> -> memref<40x128xi32, #tpu.memory_space<hbm>>
      %dma_start3A_79 = arith.constant 0 : i32
      %dma_start3A_80 = arith.constant 0 : i32
      %dma_start3A_81 = tpu.memref_slice %arg4[%add3A, %dma_start3A_79, %dma_start3A_80] : memref<32x80x128xi32, #tpu.memory_space<hbm>> -> memref<1x40x128xi32, #tpu.memory_space<hbm>>
      %dma_start3A_82 = tpu.memref_squeeze %dma_start3A_81 : memref<1x40x128xi32, #tpu.memory_space<hbm>> -> memref<40x128xi32, #tpu.memory_space<hbm>>
      tpu.enqueue_dma source(%dma_start3A_82 : memref<40x128xi32, #tpu.memory_space<hbm>>) target(%arg8 : memref<40x128xi32, #tpu.memory_space<vmem>>) target_semaphore(%run_scoped3A : memref<!tpu.dma_semaphore, #tpu.memory_space<semaphore_mem>>)
      %dma_wait3A_83 = arith.constant 0 : i32
      %dma_wait3A_84 = arith.constant 0 : i32
      %dma_wait3A_85 = tpu.memref_slice %arg4[%add3A, %dma_wait3A_83, %dma_wait3A_84] : memref<32x80x128xi32, #tpu.memory_space<hbm>> -> memref<1x40x128xi32, #tpu.memory_space<hbm>>
      %dma_wait3A_86 = tpu.memref_squeeze %dma_wait3A_85 : memref<1x40x128xi32, #tpu.memory_space<hbm>> -> memref<40x128xi32, #tpu.memory_space<hbm>>
      %dma_wait3A_87 = arith.constant 0 : i32
      %dma_wait3A_88 = arith.constant 0 : i32
      %dma_wait3A_89 = tpu.memref_slice %arg4[%add3A, %dma_wait3A_87, %dma_wait3A_88] : memref<32x80x128xi32, #tpu.memory_space<hbm>> -> memref<1x40x128xi32, #tpu.memory_space<hbm>>
      %dma_wait3A_90 = tpu.memref_squeeze %dma_wait3A_89 : memref<1x40x128xi32, #tpu.memory_space<hbm>> -> memref<40x128xi32, #tpu.memory_space<hbm>>
      tpu.wait_dma2 semaphore(%run_scoped3A : memref<!tpu.dma_semaphore, #tpu.memory_space<semaphore_mem>>) src(%dma_wait3A_90 : memref<40x128xi32, #tpu.memory_space<hbm>>) dst(%arg8 : memref<40x128xi32, #tpu.memory_space<vmem>>)
      tpu.yield
    }) : () -> ()
    %dma_start3A = arith.constant 0 : i32
    %dma_start3A_5 = arith.constant 0 : i32
    %dma_start3A_6 = tpu.memref_slice %arg7[%dma_start3A, %dma_start3A_5] : memref<40x128xi32, #tpu.memory_space<vmem>> -> memref<1x128xi32, #tpu.memory_space<vmem>>
    %dma_start3A_7 = tpu.memref_squeeze %dma_start3A_6 : memref<1x128xi32, #tpu.memory_space<vmem>> -> memref<128xi32, #tpu.memory_space<vmem>>
    %dma_start3A_8 = arith.constant 0 : i32
    %dma_start3A_9 = arith.constant 0 : i32
    %dma_start3A_10 = tpu.memref_slice %arg2[%dma_start3A_8, %dma_start3A_9] : memref<10000x128xf32, #tpu.memory_space<hbm>> -> memref<10000x128xf32, #tpu.memory_space<hbm>>
    tpu.enqueue_indirect_dma source(%dma_start3A_10 : memref<10000x128xf32, #tpu.memory_space<hbm>>) target(%arg9 : memref<128x128xf32, #tpu.memory_space<vmem>>) offsets(%dma_start3A_7 : memref<128xi32, #tpu.memory_space<vmem>>) semaphore(%arg12 : memref<!tpu.dma_semaphore, #tpu.memory_space<semaphore_mem>>)
    %dma_start3A_11 = arith.constant 1 : i32
    %dma_start3A_12 = arith.constant 0 : i32
    %dma_start3A_13 = tpu.memref_slice %arg7[%dma_start3A_11, %dma_start3A_12] : memref<40x128xi32, #tpu.memory_space<vmem>> -> memref<1x128xi32, #tpu.memory_space<vmem>>
    %dma_start3A_14 = tpu.memref_squeeze %dma_start3A_13 : memref<1x128xi32, #tpu.memory_space<vmem>> -> memref<128xi32, #tpu.memory_space<vmem>>
    %dma_start3A_15 = arith.constant 0 : i32
    %dma_start3A_16 = arith.constant 0 : i32
    %dma_start3A_17 = tpu.memref_slice %arg2[%dma_start3A_15, %dma_start3A_16] : memref<10000x128xf32, #tpu.memory_space<hbm>> -> memref<10000x128xf32, #tpu.memory_space<hbm>>
    tpu.enqueue_indirect_dma source(%dma_start3A_17 : memref<10000x128xf32, #tpu.memory_space<hbm>>) target(%arg10 : memref<128x128xf32, #tpu.memory_space<vmem>>) offsets(%dma_start3A_14 : memref<128xi32, #tpu.memory_space<vmem>>) semaphore(%arg13 : memref<!tpu.dma_semaphore, #tpu.memory_space<semaphore_mem>>)
    %scan3A = arith.constant 0 : i32
    %scan3A_18 = arith.constant 0 : i32
    %scan3A_19 = arith.constant 20 : i32
    %scan3A_20 = arith.addi %scan3A_18, %scan3A_19 : i32
    %scan3A_21 = arith.constant 1 : i32
    scf.for %scan3A_75 = %scan3A_18 to %scan3A_20 step %scan3A_21  : i32 {
      %mul3A_76 = arith.constant 2 : i32
      %mul3A_77 = arith.muli %mul3A_76, %scan3A_75 : i32
      %add3A_78 = arith.constant 1 : i32
      %add3A_79 = arith.addi %mul3A_77, %add3A_78 : i32
      %dma_wait3A_80 = arith.constant 0 : i32
      %dma_wait3A_81 = tpu.memref_slice %arg7[%mul3A_77, %dma_wait3A_80] : memref<40x128xi32, #tpu.memory_space<vmem>> -> memref<1x128xi32, #tpu.memory_space<vmem>>
      %dma_wait3A_82 = tpu.memref_squeeze %dma_wait3A_81 : memref<1x128xi32, #tpu.memory_space<vmem>> -> memref<128xi32, #tpu.memory_space<vmem>>
      %dma_wait3A_83 = arith.constant 0 : i32
      %dma_wait3A_84 = arith.constant 0 : i32
      %dma_wait3A_85 = tpu.memref_slice %arg2[%dma_wait3A_83, %dma_wait3A_84] : memref<10000x128xf32, #tpu.memory_space<hbm>> -> memref<10000x128xf32, #tpu.memory_space<hbm>>
      tpu.wait_indirect_dma semaphore(%arg12 : memref<!tpu.dma_semaphore, #tpu.memory_space<semaphore_mem>>) src(%dma_wait3A_85 : memref<10000x128xf32, #tpu.memory_space<hbm>>) dst(%arg9 : memref<128x128xf32, #tpu.memory_space<vmem>>)
      %dma_start3A_86 = arith.constant 0 : i32
      %dma_start3A_87 = tpu.memref_slice %arg8[%mul3A_77, %dma_start3A_86] : memref<40x128xi32, #tpu.memory_space<vmem>> -> memref<1x128xi32, #tpu.memory_space<vmem>>
      %dma_start3A_88 = tpu.memref_squeeze %dma_start3A_87 : memref<1x128xi32, #tpu.memory_space<vmem>> -> memref<128xi32, #tpu.memory_space<vmem>>
      %dma_start3A_89 = arith.constant 0 : i32
      %dma_start3A_90 = arith.constant 0 : i32
      %dma_start3A_91 = tpu.memref_slice %arg11[%dma_start3A_89, %dma_start3A_90] : memref<10112x128xf32, #tpu.memory_space<vmem_shared>> -> memref<10112x128xf32, #tpu.memory_space<vmem_shared>>
      tpu.enqueue_indirect_dma source(%arg9 : memref<128x128xf32, #tpu.memory_space<vmem>>) target(%dma_start3A_91 : memref<10112x128xf32, #tpu.memory_space<vmem_shared>>) offsets(%dma_start3A_88 : memref<128xi32, #tpu.memory_space<vmem>>) semaphore(%arg14 : memref<!tpu.dma_semaphore, #tpu.memory_space<semaphore_mem>>) {add = true}
      %dma_wait3A_92 = arith.constant 0 : i32
      %dma_wait3A_93 = tpu.memref_slice %arg7[%add3A_79, %dma_wait3A_92] : memref<40x128xi32, #tpu.memory_space<vmem>> -> memref<1x128xi32, #tpu.memory_space<vmem>>
      %dma_wait3A_94 = tpu.memref_squeeze %dma_wait3A_93 : memref<1x128xi32, #tpu.memory_space<vmem>> -> memref<128xi32, #tpu.memory_space<vmem>>
      %dma_wait3A_95 = arith.constant 0 : i32
      %dma_wait3A_96 = arith.constant 0 : i32
      %dma_wait3A_97 = tpu.memref_slice %arg2[%dma_wait3A_95, %dma_wait3A_96] : memref<10000x128xf32, #tpu.memory_space<hbm>> -> memref<10000x128xf32, #tpu.memory_space<hbm>>
      tpu.wait_indirect_dma semaphore(%arg13 : memref<!tpu.dma_semaphore, #tpu.memory_space<semaphore_mem>>) src(%dma_wait3A_97 : memref<10000x128xf32, #tpu.memory_space<hbm>>) dst(%arg10 : memref<128x128xf32, #tpu.memory_space<vmem>>)
      %dma_start3A_98 = arith.constant 0 : i32
      %dma_start3A_99 = tpu.memref_slice %arg8[%add3A_79, %dma_start3A_98] : memref<40x128xi32, #tpu.memory_space<vmem>> -> memref<1x128xi32, #tpu.memory_space<vmem>>
      %dma_start3A_100 = tpu.memref_squeeze %dma_start3A_99 : memref<1x128xi32, #tpu.memory_space<vmem>> -> memref<128xi32, #tpu.memory_space<vmem>>
      %dma_start3A_101 = arith.constant 0 : i32
      %dma_start3A_102 = arith.constant 0 : i32
      %dma_start3A_103 = tpu.memref_slice %arg11[%dma_start3A_101, %dma_start3A_102] : memref<10112x128xf32, #tpu.memory_space<vmem_shared>> -> memref<10112x128xf32, #tpu.memory_space<vmem_shared>>
      tpu.enqueue_indirect_dma source(%arg10 : memref<128x128xf32, #tpu.memory_space<vmem>>) target(%dma_start3A_103 : memref<10112x128xf32, #tpu.memory_space<vmem_shared>>) offsets(%dma_start3A_100 : memref<128xi32, #tpu.memory_space<vmem>>) semaphore(%arg15 : memref<!tpu.dma_semaphore, #tpu.memory_space<semaphore_mem>>) {add = true}
      %lt3A = arith.constant 19 : i32
      %lt3A_104 = arith.cmpi slt, %scan3A_75, %lt3A : i32
      %convert_element_type3A = arith.extui %lt3A_104 : i1 to i32
      %cond3A = arith.constant 0 : i32
      %cond3A_105 = arith.cmpi ne, %convert_element_type3A, %cond3A : i32
      scf.if %cond3A_105 {
        %dma_wait3A_106 = arith.constant 0 : i32
        %dma_wait3A_107 = tpu.memref_slice %arg8[%mul3A_77, %dma_wait3A_106] : memref<40x128xi32, #tpu.memory_space<vmem>> -> memref<1x128xi32, #tpu.memory_space<vmem>>
        %dma_wait3A_108 = tpu.memref_squeeze %dma_wait3A_107 : memref<1x128xi32, #tpu.memory_space<vmem>> -> memref<128xi32, #tpu.memory_space<vmem>>
        %dma_wait3A_109 = arith.constant 0 : i32
        %dma_wait3A_110 = arith.constant 0 : i32
        %dma_wait3A_111 = tpu.memref_slice %arg11[%dma_wait3A_109, %dma_wait3A_110] : memref<10112x128xf32, #tpu.memory_space<vmem_shared>> -> memref<10112x128xf32, #tpu.memory_space<vmem_shared>>
        tpu.wait_indirect_dma semaphore(%arg14 : memref<!tpu.dma_semaphore, #tpu.memory_space<semaphore_mem>>) src(%arg9 : memref<128x128xf32, #tpu.memory_space<vmem>>) dst(%dma_wait3A_111 : memref<10112x128xf32, #tpu.memory_space<vmem_shared>>)
        %add3A_112 = arith.constant 2 : i32
        %add3A_113 = arith.addi %mul3A_77, %add3A_112 : i32
        %dma_start3A_114 = arith.constant 0 : i32
        %dma_start3A_115 = tpu.memref_slice %arg7[%add3A_113, %dma_start3A_114] : memref<40x128xi32, #tpu.memory_space<vmem>> -> memref<1x128xi32, #tpu.memory_space<vmem>>
        %dma_start3A_116 = tpu.memref_squeeze %dma_start3A_115 : memref<1x128xi32, #tpu.memory_space<vmem>> -> memref<128xi32, #tpu.memory_space<vmem>>
        %dma_start3A_117 = arith.constant 0 : i32
        %dma_start3A_118 = arith.constant 0 : i32
        %dma_start3A_119 = tpu.memref_slice %arg2[%dma_start3A_117, %dma_start3A_118] : memref<10000x128xf32, #tpu.memory_space<hbm>> -> memref<10000x128xf32, #tpu.memory_space<hbm>>
        tpu.enqueue_indirect_dma source(%dma_start3A_119 : memref<10000x128xf32, #tpu.memory_space<hbm>>) target(%arg9 : memref<128x128xf32, #tpu.memory_space<vmem>>) offsets(%dma_start3A_116 : memref<128xi32, #tpu.memory_space<vmem>>) semaphore(%arg12 : memref<!tpu.dma_semaphore, #tpu.memory_space<semaphore_mem>>)
        %dma_wait3A_120 = arith.constant 0 : i32
        %dma_wait3A_121 = tpu.memref_slice %arg8[%add3A_79, %dma_wait3A_120] : memref<40x128xi32, #tpu.memory_space<vmem>> -> memref<1x128xi32, #tpu.memory_space<vmem>>
        %dma_wait3A_122 = tpu.memref_squeeze %dma_wait3A_121 : memref<1x128xi32, #tpu.memory_space<vmem>> -> memref<128xi32, #tpu.memory_space<vmem>>
        %dma_wait3A_123 = arith.constant 0 : i32
        %dma_wait3A_124 = arith.constant 0 : i32
        %dma_wait3A_125 = tpu.memref_slice %arg11[%dma_wait3A_123, %dma_wait3A_124] : memref<10112x128xf32, #tpu.memory_space<vmem_shared>> -> memref<10112x128xf32, #tpu.memory_space<vmem_shared>>
        tpu.wait_indirect_dma semaphore(%arg15 : memref<!tpu.dma_semaphore, #tpu.memory_space<semaphore_mem>>) src(%arg10 : memref<128x128xf32, #tpu.memory_space<vmem>>) dst(%dma_wait3A_125 : memref<10112x128xf32, #tpu.memory_space<vmem_shared>>)
        %add3A_126 = arith.constant 2 : i32
        %add3A_127 = arith.addi %add3A_79, %add3A_126 : i32
        %dma_start3A_128 = arith.constant 0 : i32
        %dma_start3A_129 = tpu.memref_slice %arg7[%add3A_127, %dma_start3A_128] : memref<40x128xi32, #tpu.memory_space<vmem>> -> memref<1x128xi32, #tpu.memory_space<vmem>>
        %dma_start3A_130 = tpu.memref_squeeze %dma_start3A_129 : memref<1x128xi32, #tpu.memory_space<vmem>> -> memref<128xi32, #tpu.memory_space<vmem>>
        %dma_start3A_131 = arith.constant 0 : i32
        %dma_start3A_132 = arith.constant 0 : i32
        %dma_start3A_133 = tpu.memref_slice %arg2[%dma_start3A_131, %dma_start3A_132] : memref<10000x128xf32, #tpu.memory_space<hbm>> -> memref<10000x128xf32, #tpu.memory_space<hbm>>
        tpu.enqueue_indirect_dma source(%dma_start3A_133 : memref<10000x128xf32, #tpu.memory_space<hbm>>) target(%arg10 : memref<128x128xf32, #tpu.memory_space<vmem>>) offsets(%dma_start3A_130 : memref<128xi32, #tpu.memory_space<vmem>>) semaphore(%arg13 : memref<!tpu.dma_semaphore, #tpu.memory_space<semaphore_mem>>)
      } else {
      }
    }
    %scan3A_22 = arith.constant 20 : i32
    %dma_wait3A = arith.constant 38 : i32
    %dma_wait3A_23 = arith.constant 0 : i32
    %dma_wait3A_24 = tpu.memref_slice %arg8[%dma_wait3A, %dma_wait3A_23] : memref<40x128xi32, #tpu.memory_space<vmem>> -> memref<1x128xi32, #tpu.memory_space<vmem>>
    %dma_wait3A_25 = tpu.memref_squeeze %dma_wait3A_24 : memref<1x128xi32, #tpu.memory_space<vmem>> -> memref<128xi32, #tpu.memory_space<vmem>>
    %dma_wait3A_26 = arith.constant 0 : i32
    %dma_wait3A_27 = arith.constant 0 : i32
    %dma_wait3A_28 = tpu.memref_slice %arg11[%dma_wait3A_26, %dma_wait3A_27] : memref<10112x128xf32, #tpu.memory_space<vmem_shared>> -> memref<10112x128xf32, #tpu.memory_space<vmem_shared>>
    tpu.wait_indirect_dma semaphore(%arg14 : memref<!tpu.dma_semaphore, #tpu.memory_space<semaphore_mem>>) src(%arg9 : memref<128x128xf32, #tpu.memory_space<vmem>>) dst(%dma_wait3A_28 : memref<10112x128xf32, #tpu.memory_space<vmem_shared>>)
    %dma_wait3A_29 = arith.constant 39 : i32
    %dma_wait3A_30 = arith.constant 0 : i32
    %dma_wait3A_31 = tpu.memref_slice %arg8[%dma_wait3A_29, %dma_wait3A_30] : memref<40x128xi32, #tpu.memory_space<vmem>> -> memref<1x128xi32, #tpu.memory_space<vmem>>
    %dma_wait3A_32 = tpu.memref_squeeze %dma_wait3A_31 : memref<1x128xi32, #tpu.memory_space<vmem>> -> memref<128xi32, #tpu.memory_space<vmem>>
    %dma_wait3A_33 = arith.constant 0 : i32
    %dma_wait3A_34 = arith.constant 0 : i32
    %dma_wait3A_35 = tpu.memref_slice %arg11[%dma_wait3A_33, %dma_wait3A_34] : memref<10112x128xf32, #tpu.memory_space<vmem_shared>> -> memref<10112x128xf32, #tpu.memory_space<vmem_shared>>
    tpu.wait_indirect_dma semaphore(%arg15 : memref<!tpu.dma_semaphore, #tpu.memory_space<semaphore_mem>>) src(%arg10 : memref<128x128xf32, #tpu.memory_space<vmem>>) dst(%dma_wait3A_35 : memref<10112x128xf32, #tpu.memory_space<vmem_shared>>)
    "tpu.region"() ({
      %run_scoped3A = tpu.sem_alloc : memref<!tpu.dma_semaphore, #tpu.memory_space<semaphore_mem>>
      %dma_start3A_75 = arith.constant 40 : i32
      %dma_start3A_76 = arith.constant 0 : i32
      %dma_start3A_77 = tpu.memref_slice %arg3[%add3A, %dma_start3A_75, %dma_start3A_76] : memref<32x80x128xi32, #tpu.memory_space<hbm>> -> memref<1x40x128xi32, #tpu.memory_space<hbm>>
      %dma_start3A_78 = tpu.memref_squeeze %dma_start3A_77 : memref<1x40x128xi32, #tpu.memory_space<hbm>> -> memref<40x128xi32, #tpu.memory_space<hbm>>
      %dma_start3A_79 = arith.constant 40 : i32
      %dma_start3A_80 = arith.constant 0 : i32
      %dma_start3A_81 = tpu.memref_slice %arg3[%add3A, %dma_start3A_79, %dma_start3A_80] : memref<32x80x128xi32, #tpu.memory_space<hbm>> -> memref<1x40x128xi32, #tpu.memory_space<hbm>>
      %dma_start3A_82 = tpu.memref_squeeze %dma_start3A_81 : memref<1x40x128xi32, #tpu.memory_space<hbm>> -> memref<40x128xi32, #tpu.memory_space<hbm>>
      tpu.enqueue_dma source(%dma_start3A_82 : memref<40x128xi32, #tpu.memory_space<hbm>>) target(%arg7 : memref<40x128xi32, #tpu.memory_space<vmem>>) target_semaphore(%run_scoped3A : memref<!tpu.dma_semaphore, #tpu.memory_space<semaphore_mem>>)
      %dma_wait3A_83 = arith.constant 40 : i32
      %dma_wait3A_84 = arith.constant 0 : i32
      %dma_wait3A_85 = tpu.memref_slice %arg3[%add3A, %dma_wait3A_83, %dma_wait3A_84] : memref<32x80x128xi32, #tpu.memory_space<hbm>> -> memref<1x40x128xi32, #tpu.memory_space<hbm>>
      %dma_wait3A_86 = tpu.memref_squeeze %dma_wait3A_85 : memref<1x40x128xi32, #tpu.memory_space<hbm>> -> memref<40x128xi32, #tpu.memory_space<hbm>>
      %dma_wait3A_87 = arith.constant 40 : i32
      %dma_wait3A_88 = arith.constant 0 : i32
      %dma_wait3A_89 = tpu.memref_slice %arg3[%add3A, %dma_wait3A_87, %dma_wait3A_88] : memref<32x80x128xi32, #tpu.memory_space<hbm>> -> memref<1x40x128xi32, #tpu.memory_space<hbm>>
      %dma_wait3A_90 = tpu.memref_squeeze %dma_wait3A_89 : memref<1x40x128xi32, #tpu.memory_space<hbm>> -> memref<40x128xi32, #tpu.memory_space<hbm>>
      tpu.wait_dma2 semaphore(%run_scoped3A : memref<!tpu.dma_semaphore, #tpu.memory_space<semaphore_mem>>) src(%dma_wait3A_90 : memref<40x128xi32, #tpu.memory_space<hbm>>) dst(%arg7 : memref<40x128xi32, #tpu.memory_space<vmem>>)
      tpu.yield
    }) : () -> ()
    "tpu.region"() ({
      %run_scoped3A = tpu.sem_alloc : memref<!tpu.dma_semaphore, #tpu.memory_space<semaphore_mem>>
      %dma_start3A_75 = arith.constant 40 : i32
      %dma_start3A_76 = arith.constant 0 : i32
      %dma_start3A_77 = tpu.memref_slice %arg4[%add3A, %dma_start3A_75, %dma_start3A_76] : memref<32x80x128xi32, #tpu.memory_space<hbm>> -> memref<1x40x128xi32, #tpu.memory_space<hbm>>
      %dma_start3A_78 = tpu.memref_squeeze %dma_start3A_77 : memref<1x40x128xi32, #tpu.memory_space<hbm>> -> memref<40x128xi32, #tpu.memory_space<hbm>>
      %dma_start3A_79 = arith.constant 40 : i32
      %dma_start3A_80 = arith.constant 0 : i32
      %dma_start3A_81 = tpu.memref_slice %arg4[%add3A, %dma_start3A_79, %dma_start3A_80] : memref<32x80x128xi32, #tpu.memory_space<hbm>> -> memref<1x40x128xi32, #tpu.memory_space<hbm>>
      %dma_start3A_82 = tpu.memref_squeeze %dma_start3A_81 : memref<1x40x128xi32, #tpu.memory_space<hbm>> -> memref<40x128xi32, #tpu.memory_space<hbm>>
      tpu.enqueue_dma source(%dma_start3A_82 : memref<40x128xi32, #tpu.memory_space<hbm>>) target(%arg8 : memref<40x128xi32, #tpu.memory_space<vmem>>) target_semaphore(%run_scoped3A : memref<!tpu.dma_semaphore, #tpu.memory_space<semaphore_mem>>)
      %dma_wait3A_83 = arith.constant 40 : i32
      %dma_wait3A_84 = arith.constant 0 : i32
      %dma_wait3A_85 = tpu.memref_slice %arg4[%add3A, %dma_wait3A_83, %dma_wait3A_84] : memref<32x80x128xi32, #tpu.memory_space<hbm>> -> memref<1x40x128xi32, #tpu.memory_space<hbm>>
      %dma_wait3A_86 = tpu.memref_squeeze %dma_wait3A_85 : memref<1x40x128xi32, #tpu.memory_space<hbm>> -> memref<40x128xi32, #tpu.memory_space<hbm>>
      %dma_wait3A_87 = arith.constant 40 : i32
      %dma_wait3A_88 = arith.constant 0 : i32
      %dma_wait3A_89 = tpu.memref_slice %arg4[%add3A, %dma_wait3A_87, %dma_wait3A_88] : memref<32x80x128xi32, #tpu.memory_space<hbm>> -> memref<1x40x128xi32, #tpu.memory_space<hbm>>
      %dma_wait3A_90 = tpu.memref_squeeze %dma_wait3A_89 : memref<1x40x128xi32, #tpu.memory_space<hbm>> -> memref<40x128xi32, #tpu.memory_space<hbm>>
      tpu.wait_dma2 semaphore(%run_scoped3A : memref<!tpu.dma_semaphore, #tpu.memory_space<semaphore_mem>>) src(%dma_wait3A_90 : memref<40x128xi32, #tpu.memory_space<hbm>>) dst(%arg8 : memref<40x128xi32, #tpu.memory_space<vmem>>)
      tpu.yield
    }) : () -> ()
    %dma_start3A_36 = arith.constant 0 : i32
    %dma_start3A_37 = arith.constant 0 : i32
    %dma_start3A_38 = tpu.memref_slice %arg7[%dma_start3A_36, %dma_start3A_37] : memref<40x128xi32, #tpu.memory_space<vmem>> -> memref<1x128xi32, #tpu.memory_space<vmem>>
    %dma_start3A_39 = tpu.memref_squeeze %dma_start3A_38 : memref<1x128xi32, #tpu.memory_space<vmem>> -> memref<128xi32, #tpu.memory_space<vmem>>
    %dma_start3A_40 = arith.constant 0 : i32
    %dma_start3A_41 = arith.constant 0 : i32
    %dma_start3A_42 = tpu.memref_slice %arg2[%dma_start3A_40, %dma_start3A_41] : memref<10000x128xf32, #tpu.memory_space<hbm>> -> memref<10000x128xf32, #tpu.memory_space<hbm>>
    tpu.enqueue_indirect_dma source(%dma_start3A_42 : memref<10000x128xf32, #tpu.memory_space<hbm>>) target(%arg9 : memref<128x128xf32, #tpu.memory_space<vmem>>) offsets(%dma_start3A_39 : memref<128xi32, #tpu.memory_space<vmem>>) semaphore(%arg12 : memref<!tpu.dma_semaphore, #tpu.memory_space<semaphore_mem>>)
    %dma_start3A_43 = arith.constant 1 : i32
    %dma_start3A_44 = arith.constant 0 : i32
    %dma_start3A_45 = tpu.memref_slice %arg7[%dma_start3A_43, %dma_start3A_44] : memref<40x128xi32, #tpu.memory_space<vmem>> -> memref<1x128xi32, #tpu.memory_space<vmem>>
    %dma_start3A_46 = tpu.memref_squeeze %dma_start3A_45 : memref<1x128xi32, #tpu.memory_space<vmem>> -> memref<128xi32, #tpu.memory_space<vmem>>
    %dma_start3A_47 = arith.constant 0 : i32
    %dma_start3A_48 = arith.constant 0 : i32
    %dma_start3A_49 = tpu.memref_slice %arg2[%dma_start3A_47, %dma_start3A_48] : memref<10000x128xf32, #tpu.memory_space<hbm>> -> memref<10000x128xf32, #tpu.memory_space<hbm>>
    tpu.enqueue_indirect_dma source(%dma_start3A_49 : memref<10000x128xf32, #tpu.memory_space<hbm>>) target(%arg10 : memref<128x128xf32, #tpu.memory_space<vmem>>) offsets(%dma_start3A_46 : memref<128xi32, #tpu.memory_space<vmem>>) semaphore(%arg13 : memref<!tpu.dma_semaphore, #tpu.memory_space<semaphore_mem>>)
    %scan3A_50 = arith.constant 0 : i32
    %scan3A_51 = arith.constant 0 : i32
    %scan3A_52 = arith.constant 20 : i32
    %scan3A_53 = arith.addi %scan3A_51, %scan3A_52 : i32
    %scan3A_54 = arith.constant 1 : i32
    scf.for %scan3A_75 = %scan3A_51 to %scan3A_53 step %scan3A_54  : i32 {
      %mul3A_76 = arith.constant 2 : i32
      %mul3A_77 = arith.muli %mul3A_76, %scan3A_75 : i32
      %add3A_78 = arith.constant 1 : i32
      %add3A_79 = arith.addi %mul3A_77, %add3A_78 : i32
      %dma_wait3A_80 = arith.constant 0 : i32
      %dma_wait3A_81 = tpu.memref_slice %arg7[%mul3A_77, %dma_wait3A_80] : memref<40x128xi32, #tpu.memory_space<vmem>> -> memref<1x128xi32, #tpu.memory_space<vmem>>
      %dma_wait3A_82 = tpu.memref_squeeze %dma_wait3A_81 : memref<1x128xi32, #tpu.memory_space<vmem>> -> memref<128xi32, #tpu.memory_space<vmem>>
      %dma_wait3A_83 = arith.constant 0 : i32
      %dma_wait3A_84 = arith.constant 0 : i32
      %dma_wait3A_85 = tpu.memref_slice %arg2[%dma_wait3A_83, %dma_wait3A_84] : memref<10000x128xf32, #tpu.memory_space<hbm>> -> memref<10000x128xf32, #tpu.memory_space<hbm>>
      tpu.wait_indirect_dma semaphore(%arg12 : memref<!tpu.dma_semaphore, #tpu.memory_space<semaphore_mem>>) src(%dma_wait3A_85 : memref<10000x128xf32, #tpu.memory_space<hbm>>) dst(%arg9 : memref<128x128xf32, #tpu.memory_space<vmem>>)
      %dma_start3A_86 = arith.constant 0 : i32
      %dma_start3A_87 = tpu.memref_slice %arg8[%mul3A_77, %dma_start3A_86] : memref<40x128xi32, #tpu.memory_space<vmem>> -> memref<1x128xi32, #tpu.memory_space<vmem>>
      %dma_start3A_88 = tpu.memref_squeeze %dma_start3A_87 : memref<1x128xi32, #tpu.memory_space<vmem>> -> memref<128xi32, #tpu.memory_space<vmem>>
      %dma_start3A_89 = arith.constant 0 : i32
      %dma_start3A_90 = arith.constant 0 : i32
      %dma_start3A_91 = tpu.memref_slice %arg11[%dma_start3A_89, %dma_start3A_90] : memref<10112x128xf32, #tpu.memory_space<vmem_shared>> -> memref<10112x128xf32, #tpu.memory_space<vmem_shared>>
      tpu.enqueue_indirect_dma source(%arg9 : memref<128x128xf32, #tpu.memory_space<vmem>>) target(%dma_start3A_91 : memref<10112x128xf32, #tpu.memory_space<vmem_shared>>) offsets(%dma_start3A_88 : memref<128xi32, #tpu.memory_space<vmem>>) semaphore(%arg14 : memref<!tpu.dma_semaphore, #tpu.memory_space<semaphore_mem>>) {add = true}
      %dma_wait3A_92 = arith.constant 0 : i32
      %dma_wait3A_93 = tpu.memref_slice %arg7[%add3A_79, %dma_wait3A_92] : memref<40x128xi32, #tpu.memory_space<vmem>> -> memref<1x128xi32, #tpu.memory_space<vmem>>
      %dma_wait3A_94 = tpu.memref_squeeze %dma_wait3A_93 : memref<1x128xi32, #tpu.memory_space<vmem>> -> memref<128xi32, #tpu.memory_space<vmem>>
      %dma_wait3A_95 = arith.constant 0 : i32
      %dma_wait3A_96 = arith.constant 0 : i32
      %dma_wait3A_97 = tpu.memref_slice %arg2[%dma_wait3A_95, %dma_wait3A_96] : memref<10000x128xf32, #tpu.memory_space<hbm>> -> memref<10000x128xf32, #tpu.memory_space<hbm>>
      tpu.wait_indirect_dma semaphore(%arg13 : memref<!tpu.dma_semaphore, #tpu.memory_space<semaphore_mem>>) src(%dma_wait3A_97 : memref<10000x128xf32, #tpu.memory_space<hbm>>) dst(%arg10 : memref<128x128xf32, #tpu.memory_space<vmem>>)
      %dma_start3A_98 = arith.constant 0 : i32
      %dma_start3A_99 = tpu.memref_slice %arg8[%add3A_79, %dma_start3A_98] : memref<40x128xi32, #tpu.memory_space<vmem>> -> memref<1x128xi32, #tpu.memory_space<vmem>>
      %dma_start3A_100 = tpu.memref_squeeze %dma_start3A_99 : memref<1x128xi32, #tpu.memory_space<vmem>> -> memref<128xi32, #tpu.memory_space<vmem>>
      %dma_start3A_101 = arith.constant 0 : i32
      %dma_start3A_102 = arith.constant 0 : i32
      %dma_start3A_103 = tpu.memref_slice %arg11[%dma_start3A_101, %dma_start3A_102] : memref<10112x128xf32, #tpu.memory_space<vmem_shared>> -> memref<10112x128xf32, #tpu.memory_space<vmem_shared>>
      tpu.enqueue_indirect_dma source(%arg10 : memref<128x128xf32, #tpu.memory_space<vmem>>) target(%dma_start3A_103 : memref<10112x128xf32, #tpu.memory_space<vmem_shared>>) offsets(%dma_start3A_100 : memref<128xi32, #tpu.memory_space<vmem>>) semaphore(%arg15 : memref<!tpu.dma_semaphore, #tpu.memory_space<semaphore_mem>>) {add = true}
      %lt3A = arith.constant 19 : i32
      %lt3A_104 = arith.cmpi slt, %scan3A_75, %lt3A : i32
      %convert_element_type3A = arith.extui %lt3A_104 : i1 to i32
      %cond3A = arith.constant 0 : i32
      %cond3A_105 = arith.cmpi ne, %convert_element_type3A, %cond3A : i32
      scf.if %cond3A_105 {
        %dma_wait3A_106 = arith.constant 0 : i32
        %dma_wait3A_107 = tpu.memref_slice %arg8[%mul3A_77, %dma_wait3A_106] : memref<40x128xi32, #tpu.memory_space<vmem>> -> memref<1x128xi32, #tpu.memory_space<vmem>>
        %dma_wait3A_108 = tpu.memref_squeeze %dma_wait3A_107 : memref<1x128xi32, #tpu.memory_space<vmem>> -> memref<128xi32, #tpu.memory_space<vmem>>
        %dma_wait3A_109 = arith.constant 0 : i32
        %dma_wait3A_110 = arith.constant 0 : i32
        %dma_wait3A_111 = tpu.memref_slice %arg11[%dma_wait3A_109, %dma_wait3A_110] : memref<10112x128xf32, #tpu.memory_space<vmem_shared>> -> memref<10112x128xf32, #tpu.memory_space<vmem_shared>>
        tpu.wait_indirect_dma semaphore(%arg14 : memref<!tpu.dma_semaphore, #tpu.memory_space<semaphore_mem>>) src(%arg9 : memref<128x128xf32, #tpu.memory_space<vmem>>) dst(%dma_wait3A_111 : memref<10112x128xf32, #tpu.memory_space<vmem_shared>>)
        %add3A_112 = arith.constant 2 : i32
        %add3A_113 = arith.addi %mul3A_77, %add3A_112 : i32
        %dma_start3A_114 = arith.constant 0 : i32
        %dma_start3A_115 = tpu.memref_slice %arg7[%add3A_113, %dma_start3A_114] : memref<40x128xi32, #tpu.memory_space<vmem>> -> memref<1x128xi32, #tpu.memory_space<vmem>>
        %dma_start3A_116 = tpu.memref_squeeze %dma_start3A_115 : memref<1x128xi32, #tpu.memory_space<vmem>> -> memref<128xi32, #tpu.memory_space<vmem>>
        %dma_start3A_117 = arith.constant 0 : i32
        %dma_start3A_118 = arith.constant 0 : i32
        %dma_start3A_119 = tpu.memref_slice %arg2[%dma_start3A_117, %dma_start3A_118] : memref<10000x128xf32, #tpu.memory_space<hbm>> -> memref<10000x128xf32, #tpu.memory_space<hbm>>
        tpu.enqueue_indirect_dma source(%dma_start3A_119 : memref<10000x128xf32, #tpu.memory_space<hbm>>) target(%arg9 : memref<128x128xf32, #tpu.memory_space<vmem>>) offsets(%dma_start3A_116 : memref<128xi32, #tpu.memory_space<vmem>>) semaphore(%arg12 : memref<!tpu.dma_semaphore, #tpu.memory_space<semaphore_mem>>)
        %dma_wait3A_120 = arith.constant 0 : i32
        %dma_wait3A_121 = tpu.memref_slice %arg8[%add3A_79, %dma_wait3A_120] : memref<40x128xi32, #tpu.memory_space<vmem>> -> memref<1x128xi32, #tpu.memory_space<vmem>>
        %dma_wait3A_122 = tpu.memref_squeeze %dma_wait3A_121 : memref<1x128xi32, #tpu.memory_space<vmem>> -> memref<128xi32, #tpu.memory_space<vmem>>
        %dma_wait3A_123 = arith.constant 0 : i32
        %dma_wait3A_124 = arith.constant 0 : i32
        %dma_wait3A_125 = tpu.memref_slice %arg11[%dma_wait3A_123, %dma_wait3A_124] : memref<10112x128xf32, #tpu.memory_space<vmem_shared>> -> memref<10112x128xf32, #tpu.memory_space<vmem_shared>>
        tpu.wait_indirect_dma semaphore(%arg15 : memref<!tpu.dma_semaphore, #tpu.memory_space<semaphore_mem>>) src(%arg10 : memref<128x128xf32, #tpu.memory_space<vmem>>) dst(%dma_wait3A_125 : memref<10112x128xf32, #tpu.memory_space<vmem_shared>>)
        %add3A_126 = arith.constant 2 : i32
        %add3A_127 = arith.addi %add3A_79, %add3A_126 : i32
        %dma_start3A_128 = arith.constant 0 : i32
        %dma_start3A_129 = tpu.memref_slice %arg7[%add3A_127, %dma_start3A_128] : memref<40x128xi32, #tpu.memory_space<vmem>> -> memref<1x128xi32, #tpu.memory_space<vmem>>
        %dma_start3A_130 = tpu.memref_squeeze %dma_start3A_129 : memref<1x128xi32, #tpu.memory_space<vmem>> -> memref<128xi32, #tpu.memory_space<vmem>>
        %dma_start3A_131 = arith.constant 0 : i32
        %dma_start3A_132 = arith.constant 0 : i32
        %dma_start3A_133 = tpu.memref_slice %arg2[%dma_start3A_131, %dma_start3A_132] : memref<10000x128xf32, #tpu.memory_space<hbm>> -> memref<10000x128xf32, #tpu.memory_space<hbm>>
        tpu.enqueue_indirect_dma source(%dma_start3A_133 : memref<10000x128xf32, #tpu.memory_space<hbm>>) target(%arg10 : memref<128x128xf32, #tpu.memory_space<vmem>>) offsets(%dma_start3A_130 : memref<128xi32, #tpu.memory_space<vmem>>) semaphore(%arg13 : memref<!tpu.dma_semaphore, #tpu.memory_space<semaphore_mem>>)
      } else {
      }
    }
    %scan3A_55 = arith.constant 20 : i32
    %dma_wait3A_56 = arith.constant 38 : i32
    %dma_wait3A_57 = arith.constant 0 : i32
    %dma_wait3A_58 = tpu.memref_slice %arg8[%dma_wait3A_56, %dma_wait3A_57] : memref<40x128xi32, #tpu.memory_space<vmem>> -> memref<1x128xi32, #tpu.memory_space<vmem>>
    %dma_wait3A_59 = tpu.memref_squeeze %dma_wait3A_58 : memref<1x128xi32, #tpu.memory_space<vmem>> -> memref<128xi32, #tpu.memory_space<vmem>>
    %dma_wait3A_60 = arith.constant 0 : i32
    %dma_wait3A_61 = arith.constant 0 : i32
    %dma_wait3A_62 = tpu.memref_slice %arg11[%dma_wait3A_60, %dma_wait3A_61] : memref<10112x128xf32, #tpu.memory_space<vmem_shared>> -> memref<10112x128xf32, #tpu.memory_space<vmem_shared>>
    tpu.wait_indirect_dma semaphore(%arg14 : memref<!tpu.dma_semaphore, #tpu.memory_space<semaphore_mem>>) src(%arg9 : memref<128x128xf32, #tpu.memory_space<vmem>>) dst(%dma_wait3A_62 : memref<10112x128xf32, #tpu.memory_space<vmem_shared>>)
    %dma_wait3A_63 = arith.constant 39 : i32
    %dma_wait3A_64 = arith.constant 0 : i32
    %dma_wait3A_65 = tpu.memref_slice %arg8[%dma_wait3A_63, %dma_wait3A_64] : memref<40x128xi32, #tpu.memory_space<vmem>> -> memref<1x128xi32, #tpu.memory_space<vmem>>
    %dma_wait3A_66 = tpu.memref_squeeze %dma_wait3A_65 : memref<1x128xi32, #tpu.memory_space<vmem>> -> memref<128xi32, #tpu.memory_space<vmem>>
    %dma_wait3A_67 = arith.constant 0 : i32
    %dma_wait3A_68 = arith.constant 0 : i32
    %dma_wait3A_69 = tpu.memref_slice %arg11[%dma_wait3A_67, %dma_wait3A_68] : memref<10112x128xf32, #tpu.memory_space<vmem_shared>> -> memref<10112x128xf32, #tpu.memory_space<vmem_shared>>
    tpu.wait_indirect_dma semaphore(%arg15 : memref<!tpu.dma_semaphore, #tpu.memory_space<semaphore_mem>>) src(%arg10 : memref<128x128xf32, #tpu.memory_space<vmem>>) dst(%dma_wait3A_69 : memref<10112x128xf32, #tpu.memory_space<vmem_shared>>)
    %barrier3A_70 = arith.constant 0 : index
    tpu.barrier barrier_id(%barrier3A_70)
    %mul3A_71 = arith.constant 632 : i32
    %mul3A_72 = arith.muli %arg1, %mul3A_71 : i32
    %mul3A_73 = arith.constant 632 : i32
    %mul3A_74 = arith.muli %arg1, %mul3A_73 : i32
    "tpu.region"() ({
      %run_scoped3A = tpu.sem_alloc : memref<!tpu.dma_semaphore, #tpu.memory_space<semaphore_mem>>
      %dma_start3A_75 = arith.constant 0 : i32
      %dma_start3A_76 = tpu.memref_slice %arg6[%arg0, %mul3A_74, %dma_start3A_75] : memref<2x10112x128xf32, #tpu.memory_space<hbm>> -> memref<1x632x128xf32, #tpu.memory_space<hbm>>
      %dma_start3A_77 = tpu.memref_squeeze %dma_start3A_76 : memref<1x632x128xf32, #tpu.memory_space<hbm>> -> memref<632x128xf32, #tpu.memory_space<hbm>>
      %dma_start3A_78 = arith.constant 0 : i32
      %dma_start3A_79 = tpu.memref_slice %arg11[%mul3A_72, %dma_start3A_78] : memref<10112x128xf32, #tpu.memory_space<vmem_shared>> -> memref<632x128xf32, #tpu.memory_space<vmem_shared>>
      tpu.enqueue_dma source(%dma_start3A_79 : memref<632x128xf32, #tpu.memory_space<vmem_shared>>) target(%dma_start3A_77 : memref<632x128xf32, #tpu.memory_space<hbm>>) target_semaphore(%run_scoped3A : memref<!tpu.dma_semaphore, #tpu.memory_space<semaphore_mem>>)
      %dma_wait3A_80 = arith.constant 0 : i32
      %dma_wait3A_81 = tpu.memref_slice %arg6[%arg0, %mul3A_74, %dma_wait3A_80] : memref<2x10112x128xf32, #tpu.memory_space<hbm>> -> memref<1x632x128xf32, #tpu.memory_space<hbm>>
      %dma_wait3A_82 = tpu.memref_squeeze %dma_wait3A_81 : memref<1x632x128xf32, #tpu.memory_space<hbm>> -> memref<632x128xf32, #tpu.memory_space<hbm>>
      %dma_wait3A_83 = arith.constant 0 : i32
      %dma_wait3A_84 = tpu.memref_slice %arg11[%mul3A_72, %dma_wait3A_83] : memref<10112x128xf32, #tpu.memory_space<vmem_shared>> -> memref<632x128xf32, #tpu.memory_space<vmem_shared>>
      tpu.wait_dma2 semaphore(%run_scoped3A : memref<!tpu.dma_semaphore, #tpu.memory_space<semaphore_mem>>) src(%dma_wait3A_84 : memref<632x128xf32, #tpu.memory_space<vmem_shared>>) dst(%dma_wait3A_82 : memref<632x128xf32, #tpu.memory_space<hbm>>)
      tpu.yield
    }) : () -> ()
    return
  }
}

#map = affine_map<(d0, d1) -> (0, 0)>
#map1 = affine_map<(d0, d1) -> (0, 0, 0)>
module attributes {stable_mosaic.version = 14 : i64} {
  func.func @_sc_agg_body(%arg0: i32, %arg1: i32, %arg2: memref<10000x128xf32, #tpu.memory_space<hbm>>, %arg3: memref<32x80x128xi32, #tpu.memory_space<hbm>>, %arg4: memref<32x80x128xi32, #tpu.memory_space<hbm>>, %arg5: memref<10112x128xf32, #tpu.memory_space<hbm>>, %arg6: memref<2x10112x128xf32, #tpu.memory_space<hbm>>, %arg7: memref<40x128xi32, #tpu.memory_space<vmem>>, %arg8: memref<40x128xi32, #tpu.memory_space<vmem>>, %arg9: memref<128x128xf32, #tpu.memory_space<vmem>>, %arg10: memref<128x128xf32, #tpu.memory_space<vmem>>, %arg11: memref<10112x128xf32, #tpu.memory_space<vmem_shared>>, %arg12: memref<!tpu.dma_semaphore, #tpu.memory_space<semaphore_mem>>, %arg13: memref<!tpu.dma_semaphore, #tpu.memory_space<semaphore_mem>>, %arg14: memref<!tpu.dma_semaphore, #tpu.memory_space<semaphore_mem>>, %arg15: memref<!tpu.dma_semaphore, #tpu.memory_space<semaphore_mem>>) attributes {dimension_semantics = [#tpu.dimension_semantics<core_parallel>, #tpu.dimension_semantics<subcore_parallel>], iteration_bounds = array<i64: 2, 16>, scalar_prefetch = 0 : i64, scratch_operands = 9 : i64, tpu.core_type = #tpu.core_type<sc_vector_subcore>, window_params = [{transform_indices = #map}, {transform_indices = #map1}, {transform_indices = #map1}, {transform_indices = #map}, {transform_indices = #map1}]} {
    %mul3A = arith.constant 2 : i32
    %mul3A_0 = arith.muli %arg1, %mul3A : i32
    %add3A = arith.addi %mul3A_0, %arg0 : i32
    %mul3A_1 = arith.constant 632 : i32
    %mul3A_2 = arith.muli %arg1, %mul3A_1 : i32
    %mul3A_3 = arith.constant 632 : i32
    %mul3A_4 = arith.muli %arg1, %mul3A_3 : i32
    "tpu.region"() ({
      %run_scoped3A = tpu.sem_alloc : memref<!tpu.dma_semaphore, #tpu.memory_space<semaphore_mem>>
      %dma_start3A_75 = arith.constant 0 : i32
      %dma_start3A_76 = tpu.memref_slice %arg11[%mul3A_4, %dma_start3A_75] : memref<10112x128xf32, #tpu.memory_space<vmem_shared>> -> memref<632x128xf32, #tpu.memory_space<vmem_shared>>
      %dma_start3A_77 = arith.constant 0 : i32
      %dma_start3A_78 = tpu.memref_slice %arg5[%mul3A_2, %dma_start3A_77] : memref<10112x128xf32, #tpu.memory_space<hbm>> -> memref<632x128xf32, #tpu.memory_space<hbm>>
      tpu.enqueue_dma source(%dma_start3A_78 : memref<632x128xf32, #tpu.memory_space<hbm>>) target(%dma_start3A_76 : memref<632x128xf32, #tpu.memory_space<vmem_shared>>) target_semaphore(%run_scoped3A : memref<!tpu.dma_semaphore, #tpu.memory_space<semaphore_mem>>)
      %dma_wait3A_79 = arith.constant 0 : i32
      %dma_wait3A_80 = tpu.memref_slice %arg11[%mul3A_4, %dma_wait3A_79] : memref<10112x128xf32, #tpu.memory_space<vmem_shared>> -> memref<632x128xf32, #tpu.memory_space<vmem_shared>>
      %dma_wait3A_81 = arith.constant 0 : i32
      %dma_wait3A_82 = tpu.memref_slice %arg5[%mul3A_2, %dma_wait3A_81] : memref<10112x128xf32, #tpu.memory_space<hbm>> -> memref<632x128xf32, #tpu.memory_space<hbm>>
      tpu.wait_dma2 semaphore(%run_scoped3A : memref<!tpu.dma_semaphore, #tpu.memory_space<semaphore_mem>>) src(%dma_wait3A_82 : memref<632x128xf32, #tpu.memory_space<hbm>>) dst(%dma_wait3A_80 : memref<632x128xf32, #tpu.memory_space<vmem_shared>>)
      tpu.yield
    }) : () -> ()
    %barrier3A = arith.constant 0 : index
    tpu.barrier barrier_id(%barrier3A)
    "tpu.region"() ({
      %run_scoped3A = tpu.sem_alloc : memref<!tpu.dma_semaphore, #tpu.memory_space<semaphore_mem>>
      %dma_start3A_75 = arith.constant 0 : i32
      %dma_start3A_76 = arith.constant 0 : i32
      %dma_start3A_77 = tpu.memref_slice %arg3[%add3A, %dma_start3A_75, %dma_start3A_76] : memref<32x80x128xi32, #tpu.memory_space<hbm>> -> memref<1x40x128xi32, #tpu.memory_space<hbm>>
      %dma_start3A_78 = tpu.memref_squeeze %dma_start3A_77 : memref<1x40x128xi32, #tpu.memory_space<hbm>> -> memref<40x128xi32, #tpu.memory_space<hbm>>
      %dma_start3A_79 = arith.constant 0 : i32
      %dma_start3A_80 = arith.constant 0 : i32
      %dma_start3A_81 = tpu.memref_slice %arg3[%add3A, %dma_start3A_79, %dma_start3A_80] : memref<32x80x128xi32, #tpu.memory_space<hbm>> -> memref<1x40x128xi32, #tpu.memory_space<hbm>>
      %dma_start3A_82 = tpu.memref_squeeze %dma_start3A_81 : memref<1x40x128xi32, #tpu.memory_space<hbm>> -> memref<40x128xi32, #tpu.memory_space<hbm>>
      tpu.enqueue_dma source(%dma_start3A_82 : memref<40x128xi32, #tpu.memory_space<hbm>>) target(%arg7 : memref<40x128xi32, #tpu.memory_space<vmem>>) target_semaphore(%run_scoped3A : memref<!tpu.dma_semaphore, #tpu.memory_space<semaphore_mem>>)
      %dma_wait3A_83 = arith.constant 0 : i32
      %dma_wait3A_84 = arith.constant 0 : i32
      %dma_wait3A_85 = tpu.memref_slice %arg3[%add3A, %dma_wait3A_83, %dma_wait3A_84] : memref<32x80x128xi32, #tpu.memory_space<hbm>> -> memref<1x40x128xi32, #tpu.memory_space<hbm>>
      %dma_wait3A_86 = tpu.memref_squeeze %dma_wait3A_85 : memref<1x40x128xi32, #tpu.memory_space<hbm>> -> memref<40x128xi32, #tpu.memory_space<hbm>>
      %dma_wait3A_87 = arith.constant 0 : i32
      %dma_wait3A_88 = arith.constant 0 : i32
      %dma_wait3A_89 = tpu.memref_slice %arg3[%add3A, %dma_wait3A_87, %dma_wait3A_88] : memref<32x80x128xi32, #tpu.memory_space<hbm>> -> memref<1x40x128xi32, #tpu.memory_space<hbm>>
      %dma_wait3A_90 = tpu.memref_squeeze %dma_wait3A_89 : memref<1x40x128xi32, #tpu.memory_space<hbm>> -> memref<40x128xi32, #tpu.memory_space<hbm>>
      tpu.wait_dma2 semaphore(%run_scoped3A : memref<!tpu.dma_semaphore, #tpu.memory_space<semaphore_mem>>) src(%dma_wait3A_90 : memref<40x128xi32, #tpu.memory_space<hbm>>) dst(%arg7 : memref<40x128xi32, #tpu.memory_space<vmem>>)
      tpu.yield
    }) : () -> ()
    "tpu.region"() ({
      %run_scoped3A = tpu.sem_alloc : memref<!tpu.dma_semaphore, #tpu.memory_space<semaphore_mem>>
      %dma_start3A_75 = arith.constant 0 : i32
      %dma_start3A_76 = arith.constant 0 : i32
      %dma_start3A_77 = tpu.memref_slice %arg4[%add3A, %dma_start3A_75, %dma_start3A_76] : memref<32x80x128xi32, #tpu.memory_space<hbm>> -> memref<1x40x128xi32, #tpu.memory_space<hbm>>
      %dma_start3A_78 = tpu.memref_squeeze %dma_start3A_77 : memref<1x40x128xi32, #tpu.memory_space<hbm>> -> memref<40x128xi32, #tpu.memory_space<hbm>>
      %dma_start3A_79 = arith.constant 0 : i32
      %dma_start3A_80 = arith.constant 0 : i32
      %dma_start3A_81 = tpu.memref_slice %arg4[%add3A, %dma_start3A_79, %dma_start3A_80] : memref<32x80x128xi32, #tpu.memory_space<hbm>> -> memref<1x40x128xi32, #tpu.memory_space<hbm>>
      %dma_start3A_82 = tpu.memref_squeeze %dma_start3A_81 : memref<1x40x128xi32, #tpu.memory_space<hbm>> -> memref<40x128xi32, #tpu.memory_space<hbm>>
      tpu.enqueue_dma source(%dma_start3A_82 : memref<40x128xi32, #tpu.memory_space<hbm>>) target(%arg8 : memref<40x128xi32, #tpu.memory_space<vmem>>) target_semaphore(%run_scoped3A : memref<!tpu.dma_semaphore, #tpu.memory_space<semaphore_mem>>)
      %dma_wait3A_83 = arith.constant 0 : i32
      %dma_wait3A_84 = arith.constant 0 : i32
      %dma_wait3A_85 = tpu.memref_slice %arg4[%add3A, %dma_wait3A_83, %dma_wait3A_84] : memref<32x80x128xi32, #tpu.memory_space<hbm>> -> memref<1x40x128xi32, #tpu.memory_space<hbm>>
      %dma_wait3A_86 = tpu.memref_squeeze %dma_wait3A_85 : memref<1x40x128xi32, #tpu.memory_space<hbm>> -> memref<40x128xi32, #tpu.memory_space<hbm>>
      %dma_wait3A_87 = arith.constant 0 : i32
      %dma_wait3A_88 = arith.constant 0 : i32
      %dma_wait3A_89 = tpu.memref_slice %arg4[%add3A, %dma_wait3A_87, %dma_wait3A_88] : memref<32x80x128xi32, #tpu.memory_space<hbm>> -> memref<1x40x128xi32, #tpu.memory_space<hbm>>
      %dma_wait3A_90 = tpu.memref_squeeze %dma_wait3A_89 : memref<1x40x128xi32, #tpu.memory_space<hbm>> -> memref<40x128xi32, #tpu.memory_space<hbm>>
      tpu.wait_dma2 semaphore(%run_scoped3A : memref<!tpu.dma_semaphore, #tpu.memory_space<semaphore_mem>>) src(%dma_wait3A_90 : memref<40x128xi32, #tpu.memory_space<hbm>>) dst(%arg8 : memref<40x128xi32, #tpu.memory_space<vmem>>)
      tpu.yield
    }) : () -> ()
    %dma_start3A = arith.constant 0 : i32
    %dma_start3A_5 = arith.constant 0 : i32
    %dma_start3A_6 = tpu.memref_slice %arg7[%dma_start3A, %dma_start3A_5] : memref<40x128xi32, #tpu.memory_space<vmem>> -> memref<1x128xi32, #tpu.memory_space<vmem>>
    %dma_start3A_7 = tpu.memref_squeeze %dma_start3A_6 : memref<1x128xi32, #tpu.memory_space<vmem>> -> memref<128xi32, #tpu.memory_space<vmem>>
    %dma_start3A_8 = arith.constant 0 : i32
    %dma_start3A_9 = arith.constant 0 : i32
    %dma_start3A_10 = tpu.memref_slice %arg2[%dma_start3A_8, %dma_start3A_9] : memref<10000x128xf32, #tpu.memory_space<hbm>> -> memref<10000x128xf32, #tpu.memory_space<hbm>>
    tpu.enqueue_indirect_dma source(%dma_start3A_10 : memref<10000x128xf32, #tpu.memory_space<hbm>>) target(%arg9 : memref<128x128xf32, #tpu.memory_space<vmem>>) offsets(%dma_start3A_7 : memref<128xi32, #tpu.memory_space<vmem>>) semaphore(%arg12 : memref<!tpu.dma_semaphore, #tpu.memory_space<semaphore_mem>>)
    %dma_start3A_11 = arith.constant 1 : i32
    %dma_start3A_12 = arith.constant 0 : i32
    %dma_start3A_13 = tpu.memref_slice %arg7[%dma_start3A_11, %dma_start3A_12] : memref<40x128xi32, #tpu.memory_space<vmem>> -> memref<1x128xi32, #tpu.memory_space<vmem>>
    %dma_start3A_14 = tpu.memref_squeeze %dma_start3A_13 : memref<1x128xi32, #tpu.memory_space<vmem>> -> memref<128xi32, #tpu.memory_space<vmem>>
    %dma_start3A_15 = arith.constant 0 : i32
    %dma_start3A_16 = arith.constant 0 : i32
    %dma_start3A_17 = tpu.memref_slice %arg2[%dma_start3A_15, %dma_start3A_16] : memref<10000x128xf32, #tpu.memory_space<hbm>> -> memref<10000x128xf32, #tpu.memory_space<hbm>>
    tpu.enqueue_indirect_dma source(%dma_start3A_17 : memref<10000x128xf32, #tpu.memory_space<hbm>>) target(%arg10 : memref<128x128xf32, #tpu.memory_space<vmem>>) offsets(%dma_start3A_14 : memref<128xi32, #tpu.memory_space<vmem>>) semaphore(%arg13 : memref<!tpu.dma_semaphore, #tpu.memory_space<semaphore_mem>>)
    %scan3A = arith.constant 0 : i32
    %scan3A_18 = arith.constant 0 : i32
    %scan3A_19 = arith.constant 20 : i32
    %scan3A_20 = arith.addi %scan3A_18, %scan3A_19 : i32
    %scan3A_21 = arith.constant 1 : i32
    scf.for %scan3A_75 = %scan3A_18 to %scan3A_20 step %scan3A_21  : i32 {
      %mul3A_76 = arith.constant 2 : i32
      %mul3A_77 = arith.muli %mul3A_76, %scan3A_75 : i32
      %add3A_78 = arith.constant 1 : i32
      %add3A_79 = arith.addi %mul3A_77, %add3A_78 : i32
      %dma_wait3A_80 = arith.constant 0 : i32
      %dma_wait3A_81 = tpu.memref_slice %arg7[%mul3A_77, %dma_wait3A_80] : memref<40x128xi32, #tpu.memory_space<vmem>> -> memref<1x128xi32, #tpu.memory_space<vmem>>
      %dma_wait3A_82 = tpu.memref_squeeze %dma_wait3A_81 : memref<1x128xi32, #tpu.memory_space<vmem>> -> memref<128xi32, #tpu.memory_space<vmem>>
      %dma_wait3A_83 = arith.constant 0 : i32
      %dma_wait3A_84 = arith.constant 0 : i32
      %dma_wait3A_85 = tpu.memref_slice %arg2[%dma_wait3A_83, %dma_wait3A_84] : memref<10000x128xf32, #tpu.memory_space<hbm>> -> memref<10000x128xf32, #tpu.memory_space<hbm>>
      tpu.wait_indirect_dma semaphore(%arg12 : memref<!tpu.dma_semaphore, #tpu.memory_space<semaphore_mem>>) src(%dma_wait3A_85 : memref<10000x128xf32, #tpu.memory_space<hbm>>) dst(%arg9 : memref<128x128xf32, #tpu.memory_space<vmem>>)
      %dma_start3A_86 = arith.constant 0 : i32
      %dma_start3A_87 = tpu.memref_slice %arg8[%mul3A_77, %dma_start3A_86] : memref<40x128xi32, #tpu.memory_space<vmem>> -> memref<1x128xi32, #tpu.memory_space<vmem>>
      %dma_start3A_88 = tpu.memref_squeeze %dma_start3A_87 : memref<1x128xi32, #tpu.memory_space<vmem>> -> memref<128xi32, #tpu.memory_space<vmem>>
      %dma_start3A_89 = arith.constant 0 : i32
      %dma_start3A_90 = arith.constant 0 : i32
      %dma_start3A_91 = tpu.memref_slice %arg11[%dma_start3A_89, %dma_start3A_90] : memref<10112x128xf32, #tpu.memory_space<vmem_shared>> -> memref<10112x128xf32, #tpu.memory_space<vmem_shared>>
      tpu.enqueue_indirect_dma source(%arg9 : memref<128x128xf32, #tpu.memory_space<vmem>>) target(%dma_start3A_91 : memref<10112x128xf32, #tpu.memory_space<vmem_shared>>) offsets(%dma_start3A_88 : memref<128xi32, #tpu.memory_space<vmem>>) semaphore(%arg14 : memref<!tpu.dma_semaphore, #tpu.memory_space<semaphore_mem>>) {add = true}
      %dma_wait3A_92 = arith.constant 0 : i32
      %dma_wait3A_93 = tpu.memref_slice %arg7[%add3A_79, %dma_wait3A_92] : memref<40x128xi32, #tpu.memory_space<vmem>> -> memref<1x128xi32, #tpu.memory_space<vmem>>
      %dma_wait3A_94 = tpu.memref_squeeze %dma_wait3A_93 : memref<1x128xi32, #tpu.memory_space<vmem>> -> memref<128xi32, #tpu.memory_space<vmem>>
      %dma_wait3A_95 = arith.constant 0 : i32
      %dma_wait3A_96 = arith.constant 0 : i32
      %dma_wait3A_97 = tpu.memref_slice %arg2[%dma_wait3A_95, %dma_wait3A_96] : memref<10000x128xf32, #tpu.memory_space<hbm>> -> memref<10000x128xf32, #tpu.memory_space<hbm>>
      tpu.wait_indirect_dma semaphore(%arg13 : memref<!tpu.dma_semaphore, #tpu.memory_space<semaphore_mem>>) src(%dma_wait3A_97 : memref<10000x128xf32, #tpu.memory_space<hbm>>) dst(%arg10 : memref<128x128xf32, #tpu.memory_space<vmem>>)
      %dma_start3A_98 = arith.constant 0 : i32
      %dma_start3A_99 = tpu.memref_slice %arg8[%add3A_79, %dma_start3A_98] : memref<40x128xi32, #tpu.memory_space<vmem>> -> memref<1x128xi32, #tpu.memory_space<vmem>>
      %dma_start3A_100 = tpu.memref_squeeze %dma_start3A_99 : memref<1x128xi32, #tpu.memory_space<vmem>> -> memref<128xi32, #tpu.memory_space<vmem>>
      %dma_start3A_101 = arith.constant 0 : i32
      %dma_start3A_102 = arith.constant 0 : i32
      %dma_start3A_103 = tpu.memref_slice %arg11[%dma_start3A_101, %dma_start3A_102] : memref<10112x128xf32, #tpu.memory_space<vmem_shared>> -> memref<10112x128xf32, #tpu.memory_space<vmem_shared>>
      tpu.enqueue_indirect_dma source(%arg10 : memref<128x128xf32, #tpu.memory_space<vmem>>) target(%dma_start3A_103 : memref<10112x128xf32, #tpu.memory_space<vmem_shared>>) offsets(%dma_start3A_100 : memref<128xi32, #tpu.memory_space<vmem>>) semaphore(%arg15 : memref<!tpu.dma_semaphore, #tpu.memory_space<semaphore_mem>>) {add = true}
      %lt3A = arith.constant 19 : i32
      %lt3A_104 = arith.cmpi slt, %scan3A_75, %lt3A : i32
      %convert_element_type3A = arith.extui %lt3A_104 : i1 to i32
      %cond3A = arith.constant 0 : i32
      %cond3A_105 = arith.cmpi ne, %convert_element_type3A, %cond3A : i32
      scf.if %cond3A_105 {
        %dma_wait3A_106 = arith.constant 0 : i32
        %dma_wait3A_107 = tpu.memref_slice %arg8[%mul3A_77, %dma_wait3A_106] : memref<40x128xi32, #tpu.memory_space<vmem>> -> memref<1x128xi32, #tpu.memory_space<vmem>>
        %dma_wait3A_108 = tpu.memref_squeeze %dma_wait3A_107 : memref<1x128xi32, #tpu.memory_space<vmem>> -> memref<128xi32, #tpu.memory_space<vmem>>
        %dma_wait3A_109 = arith.constant 0 : i32
        %dma_wait3A_110 = arith.constant 0 : i32
        %dma_wait3A_111 = tpu.memref_slice %arg11[%dma_wait3A_109, %dma_wait3A_110] : memref<10112x128xf32, #tpu.memory_space<vmem_shared>> -> memref<10112x128xf32, #tpu.memory_space<vmem_shared>>
        tpu.wait_indirect_dma semaphore(%arg14 : memref<!tpu.dma_semaphore, #tpu.memory_space<semaphore_mem>>) src(%arg9 : memref<128x128xf32, #tpu.memory_space<vmem>>) dst(%dma_wait3A_111 : memref<10112x128xf32, #tpu.memory_space<vmem_shared>>)
        %add3A_112 = arith.constant 2 : i32
        %add3A_113 = arith.addi %mul3A_77, %add3A_112 : i32
        %dma_start3A_114 = arith.constant 0 : i32
        %dma_start3A_115 = tpu.memref_slice %arg7[%add3A_113, %dma_start3A_114] : memref<40x128xi32, #tpu.memory_space<vmem>> -> memref<1x128xi32, #tpu.memory_space<vmem>>
        %dma_start3A_116 = tpu.memref_squeeze %dma_start3A_115 : memref<1x128xi32, #tpu.memory_space<vmem>> -> memref<128xi32, #tpu.memory_space<vmem>>
        %dma_start3A_117 = arith.constant 0 : i32
        %dma_start3A_118 = arith.constant 0 : i32
        %dma_start3A_119 = tpu.memref_slice %arg2[%dma_start3A_117, %dma_start3A_118] : memref<10000x128xf32, #tpu.memory_space<hbm>> -> memref<10000x128xf32, #tpu.memory_space<hbm>>
        tpu.enqueue_indirect_dma source(%dma_start3A_119 : memref<10000x128xf32, #tpu.memory_space<hbm>>) target(%arg9 : memref<128x128xf32, #tpu.memory_space<vmem>>) offsets(%dma_start3A_116 : memref<128xi32, #tpu.memory_space<vmem>>) semaphore(%arg12 : memref<!tpu.dma_semaphore, #tpu.memory_space<semaphore_mem>>)
        %dma_wait3A_120 = arith.constant 0 : i32
        %dma_wait3A_121 = tpu.memref_slice %arg8[%add3A_79, %dma_wait3A_120] : memref<40x128xi32, #tpu.memory_space<vmem>> -> memref<1x128xi32, #tpu.memory_space<vmem>>
        %dma_wait3A_122 = tpu.memref_squeeze %dma_wait3A_121 : memref<1x128xi32, #tpu.memory_space<vmem>> -> memref<128xi32, #tpu.memory_space<vmem>>
        %dma_wait3A_123 = arith.constant 0 : i32
        %dma_wait3A_124 = arith.constant 0 : i32
        %dma_wait3A_125 = tpu.memref_slice %arg11[%dma_wait3A_123, %dma_wait3A_124] : memref<10112x128xf32, #tpu.memory_space<vmem_shared>> -> memref<10112x128xf32, #tpu.memory_space<vmem_shared>>
        tpu.wait_indirect_dma semaphore(%arg15 : memref<!tpu.dma_semaphore, #tpu.memory_space<semaphore_mem>>) src(%arg10 : memref<128x128xf32, #tpu.memory_space<vmem>>) dst(%dma_wait3A_125 : memref<10112x128xf32, #tpu.memory_space<vmem_shared>>)
        %add3A_126 = arith.constant 2 : i32
        %add3A_127 = arith.addi %add3A_79, %add3A_126 : i32
        %dma_start3A_128 = arith.constant 0 : i32
        %dma_start3A_129 = tpu.memref_slice %arg7[%add3A_127, %dma_start3A_128] : memref<40x128xi32, #tpu.memory_space<vmem>> -> memref<1x128xi32, #tpu.memory_space<vmem>>
        %dma_start3A_130 = tpu.memref_squeeze %dma_start3A_129 : memref<1x128xi32, #tpu.memory_space<vmem>> -> memref<128xi32, #tpu.memory_space<vmem>>
        %dma_start3A_131 = arith.constant 0 : i32
        %dma_start3A_132 = arith.constant 0 : i32
        %dma_start3A_133 = tpu.memref_slice %arg2[%dma_start3A_131, %dma_start3A_132] : memref<10000x128xf32, #tpu.memory_space<hbm>> -> memref<10000x128xf32, #tpu.memory_space<hbm>>
        tpu.enqueue_indirect_dma source(%dma_start3A_133 : memref<10000x128xf32, #tpu.memory_space<hbm>>) target(%arg10 : memref<128x128xf32, #tpu.memory_space<vmem>>) offsets(%dma_start3A_130 : memref<128xi32, #tpu.memory_space<vmem>>) semaphore(%arg13 : memref<!tpu.dma_semaphore, #tpu.memory_space<semaphore_mem>>)
      } else {
      }
    }
    %scan3A_22 = arith.constant 20 : i32
    %dma_wait3A = arith.constant 38 : i32
    %dma_wait3A_23 = arith.constant 0 : i32
    %dma_wait3A_24 = tpu.memref_slice %arg8[%dma_wait3A, %dma_wait3A_23] : memref<40x128xi32, #tpu.memory_space<vmem>> -> memref<1x128xi32, #tpu.memory_space<vmem>>
    %dma_wait3A_25 = tpu.memref_squeeze %dma_wait3A_24 : memref<1x128xi32, #tpu.memory_space<vmem>> -> memref<128xi32, #tpu.memory_space<vmem>>
    %dma_wait3A_26 = arith.constant 0 : i32
    %dma_wait3A_27 = arith.constant 0 : i32
    %dma_wait3A_28 = tpu.memref_slice %arg11[%dma_wait3A_26, %dma_wait3A_27] : memref<10112x128xf32, #tpu.memory_space<vmem_shared>> -> memref<10112x128xf32, #tpu.memory_space<vmem_shared>>
    tpu.wait_indirect_dma semaphore(%arg14 : memref<!tpu.dma_semaphore, #tpu.memory_space<semaphore_mem>>) src(%arg9 : memref<128x128xf32, #tpu.memory_space<vmem>>) dst(%dma_wait3A_28 : memref<10112x128xf32, #tpu.memory_space<vmem_shared>>)
    %dma_wait3A_29 = arith.constant 39 : i32
    %dma_wait3A_30 = arith.constant 0 : i32
    %dma_wait3A_31 = tpu.memref_slice %arg8[%dma_wait3A_29, %dma_wait3A_30] : memref<40x128xi32, #tpu.memory_space<vmem>> -> memref<1x128xi32, #tpu.memory_space<vmem>>
    %dma_wait3A_32 = tpu.memref_squeeze %dma_wait3A_31 : memref<1x128xi32, #tpu.memory_space<vmem>> -> memref<128xi32, #tpu.memory_space<vmem>>
    %dma_wait3A_33 = arith.constant 0 : i32
    %dma_wait3A_34 = arith.constant 0 : i32
    %dma_wait3A_35 = tpu.memref_slice %arg11[%dma_wait3A_33, %dma_wait3A_34] : memref<10112x128xf32, #tpu.memory_space<vmem_shared>> -> memref<10112x128xf32, #tpu.memory_space<vmem_shared>>
    tpu.wait_indirect_dma semaphore(%arg15 : memref<!tpu.dma_semaphore, #tpu.memory_space<semaphore_mem>>) src(%arg10 : memref<128x128xf32, #tpu.memory_space<vmem>>) dst(%dma_wait3A_35 : memref<10112x128xf32, #tpu.memory_space<vmem_shared>>)
    "tpu.region"() ({
      %run_scoped3A = tpu.sem_alloc : memref<!tpu.dma_semaphore, #tpu.memory_space<semaphore_mem>>
      %dma_start3A_75 = arith.constant 40 : i32
      %dma_start3A_76 = arith.constant 0 : i32
      %dma_start3A_77 = tpu.memref_slice %arg3[%add3A, %dma_start3A_75, %dma_start3A_76] : memref<32x80x128xi32, #tpu.memory_space<hbm>> -> memref<1x40x128xi32, #tpu.memory_space<hbm>>
      %dma_start3A_78 = tpu.memref_squeeze %dma_start3A_77 : memref<1x40x128xi32, #tpu.memory_space<hbm>> -> memref<40x128xi32, #tpu.memory_space<hbm>>
      %dma_start3A_79 = arith.constant 40 : i32
      %dma_start3A_80 = arith.constant 0 : i32
      %dma_start3A_81 = tpu.memref_slice %arg3[%add3A, %dma_start3A_79, %dma_start3A_80] : memref<32x80x128xi32, #tpu.memory_space<hbm>> -> memref<1x40x128xi32, #tpu.memory_space<hbm>>
      %dma_start3A_82 = tpu.memref_squeeze %dma_start3A_81 : memref<1x40x128xi32, #tpu.memory_space<hbm>> -> memref<40x128xi32, #tpu.memory_space<hbm>>
      tpu.enqueue_dma source(%dma_start3A_82 : memref<40x128xi32, #tpu.memory_space<hbm>>) target(%arg7 : memref<40x128xi32, #tpu.memory_space<vmem>>) target_semaphore(%run_scoped3A : memref<!tpu.dma_semaphore, #tpu.memory_space<semaphore_mem>>)
      %dma_wait3A_83 = arith.constant 40 : i32
      %dma_wait3A_84 = arith.constant 0 : i32
      %dma_wait3A_85 = tpu.memref_slice %arg3[%add3A, %dma_wait3A_83, %dma_wait3A_84] : memref<32x80x128xi32, #tpu.memory_space<hbm>> -> memref<1x40x128xi32, #tpu.memory_space<hbm>>
      %dma_wait3A_86 = tpu.memref_squeeze %dma_wait3A_85 : memref<1x40x128xi32, #tpu.memory_space<hbm>> -> memref<40x128xi32, #tpu.memory_space<hbm>>
      %dma_wait3A_87 = arith.constant 40 : i32
      %dma_wait3A_88 = arith.constant 0 : i32
      %dma_wait3A_89 = tpu.memref_slice %arg3[%add3A, %dma_wait3A_87, %dma_wait3A_88] : memref<32x80x128xi32, #tpu.memory_space<hbm>> -> memref<1x40x128xi32, #tpu.memory_space<hbm>>
      %dma_wait3A_90 = tpu.memref_squeeze %dma_wait3A_89 : memref<1x40x128xi32, #tpu.memory_space<hbm>> -> memref<40x128xi32, #tpu.memory_space<hbm>>
      tpu.wait_dma2 semaphore(%run_scoped3A : memref<!tpu.dma_semaphore, #tpu.memory_space<semaphore_mem>>) src(%dma_wait3A_90 : memref<40x128xi32, #tpu.memory_space<hbm>>) dst(%arg7 : memref<40x128xi32, #tpu.memory_space<vmem>>)
      tpu.yield
    }) : () -> ()
    "tpu.region"() ({
      %run_scoped3A = tpu.sem_alloc : memref<!tpu.dma_semaphore, #tpu.memory_space<semaphore_mem>>
      %dma_start3A_75 = arith.constant 40 : i32
      %dma_start3A_76 = arith.constant 0 : i32
      %dma_start3A_77 = tpu.memref_slice %arg4[%add3A, %dma_start3A_75, %dma_start3A_76] : memref<32x80x128xi32, #tpu.memory_space<hbm>> -> memref<1x40x128xi32, #tpu.memory_space<hbm>>
      %dma_start3A_78 = tpu.memref_squeeze %dma_start3A_77 : memref<1x40x128xi32, #tpu.memory_space<hbm>> -> memref<40x128xi32, #tpu.memory_space<hbm>>
      %dma_start3A_79 = arith.constant 40 : i32
      %dma_start3A_80 = arith.constant 0 : i32
      %dma_start3A_81 = tpu.memref_slice %arg4[%add3A, %dma_start3A_79, %dma_start3A_80] : memref<32x80x128xi32, #tpu.memory_space<hbm>> -> memref<1x40x128xi32, #tpu.memory_space<hbm>>
      %dma_start3A_82 = tpu.memref_squeeze %dma_start3A_81 : memref<1x40x128xi32, #tpu.memory_space<hbm>> -> memref<40x128xi32, #tpu.memory_space<hbm>>
      tpu.enqueue_dma source(%dma_start3A_82 : memref<40x128xi32, #tpu.memory_space<hbm>>) target(%arg8 : memref<40x128xi32, #tpu.memory_space<vmem>>) target_semaphore(%run_scoped3A : memref<!tpu.dma_semaphore, #tpu.memory_space<semaphore_mem>>)
      %dma_wait3A_83 = arith.constant 40 : i32
      %dma_wait3A_84 = arith.constant 0 : i32
      %dma_wait3A_85 = tpu.memref_slice %arg4[%add3A, %dma_wait3A_83, %dma_wait3A_84] : memref<32x80x128xi32, #tpu.memory_space<hbm>> -> memref<1x40x128xi32, #tpu.memory_space<hbm>>
      %dma_wait3A_86 = tpu.memref_squeeze %dma_wait3A_85 : memref<1x40x128xi32, #tpu.memory_space<hbm>> -> memref<40x128xi32, #tpu.memory_space<hbm>>
      %dma_wait3A_87 = arith.constant 40 : i32
      %dma_wait3A_88 = arith.constant 0 : i32
      %dma_wait3A_89 = tpu.memref_slice %arg4[%add3A, %dma_wait3A_87, %dma_wait3A_88] : memref<32x80x128xi32, #tpu.memory_space<hbm>> -> memref<1x40x128xi32, #tpu.memory_space<hbm>>
      %dma_wait3A_90 = tpu.memref_squeeze %dma_wait3A_89 : memref<1x40x128xi32, #tpu.memory_space<hbm>> -> memref<40x128xi32, #tpu.memory_space<hbm>>
      tpu.wait_dma2 semaphore(%run_scoped3A : memref<!tpu.dma_semaphore, #tpu.memory_space<semaphore_mem>>) src(%dma_wait3A_90 : memref<40x128xi32, #tpu.memory_space<hbm>>) dst(%arg8 : memref<40x128xi32, #tpu.memory_space<vmem>>)
      tpu.yield
    }) : () -> ()
    %dma_start3A_36 = arith.constant 0 : i32
    %dma_start3A_37 = arith.constant 0 : i32
    %dma_start3A_38 = tpu.memref_slice %arg7[%dma_start3A_36, %dma_start3A_37] : memref<40x128xi32, #tpu.memory_space<vmem>> -> memref<1x128xi32, #tpu.memory_space<vmem>>
    %dma_start3A_39 = tpu.memref_squeeze %dma_start3A_38 : memref<1x128xi32, #tpu.memory_space<vmem>> -> memref<128xi32, #tpu.memory_space<vmem>>
    %dma_start3A_40 = arith.constant 0 : i32
    %dma_start3A_41 = arith.constant 0 : i32
    %dma_start3A_42 = tpu.memref_slice %arg2[%dma_start3A_40, %dma_start3A_41] : memref<10000x128xf32, #tpu.memory_space<hbm>> -> memref<10000x128xf32, #tpu.memory_space<hbm>>
    tpu.enqueue_indirect_dma source(%dma_start3A_42 : memref<10000x128xf32, #tpu.memory_space<hbm>>) target(%arg9 : memref<128x128xf32, #tpu.memory_space<vmem>>) offsets(%dma_start3A_39 : memref<128xi32, #tpu.memory_space<vmem>>) semaphore(%arg12 : memref<!tpu.dma_semaphore, #tpu.memory_space<semaphore_mem>>)
    %dma_start3A_43 = arith.constant 1 : i32
    %dma_start3A_44 = arith.constant 0 : i32
    %dma_start3A_45 = tpu.memref_slice %arg7[%dma_start3A_43, %dma_start3A_44] : memref<40x128xi32, #tpu.memory_space<vmem>> -> memref<1x128xi32, #tpu.memory_space<vmem>>
    %dma_start3A_46 = tpu.memref_squeeze %dma_start3A_45 : memref<1x128xi32, #tpu.memory_space<vmem>> -> memref<128xi32, #tpu.memory_space<vmem>>
    %dma_start3A_47 = arith.constant 0 : i32
    %dma_start3A_48 = arith.constant 0 : i32
    %dma_start3A_49 = tpu.memref_slice %arg2[%dma_start3A_47, %dma_start3A_48] : memref<10000x128xf32, #tpu.memory_space<hbm>> -> memref<10000x128xf32, #tpu.memory_space<hbm>>
    tpu.enqueue_indirect_dma source(%dma_start3A_49 : memref<10000x128xf32, #tpu.memory_space<hbm>>) target(%arg10 : memref<128x128xf32, #tpu.memory_space<vmem>>) offsets(%dma_start3A_46 : memref<128xi32, #tpu.memory_space<vmem>>) semaphore(%arg13 : memref<!tpu.dma_semaphore, #tpu.memory_space<semaphore_mem>>)
    %scan3A_50 = arith.constant 0 : i32
    %scan3A_51 = arith.constant 0 : i32
    %scan3A_52 = arith.constant 20 : i32
    %scan3A_53 = arith.addi %scan3A_51, %scan3A_52 : i32
    %scan3A_54 = arith.constant 1 : i32
    scf.for %scan3A_75 = %scan3A_51 to %scan3A_53 step %scan3A_54  : i32 {
      %mul3A_76 = arith.constant 2 : i32
      %mul3A_77 = arith.muli %mul3A_76, %scan3A_75 : i32
      %add3A_78 = arith.constant 1 : i32
      %add3A_79 = arith.addi %mul3A_77, %add3A_78 : i32
      %dma_wait3A_80 = arith.constant 0 : i32
      %dma_wait3A_81 = tpu.memref_slice %arg7[%mul3A_77, %dma_wait3A_80] : memref<40x128xi32, #tpu.memory_space<vmem>> -> memref<1x128xi32, #tpu.memory_space<vmem>>
      %dma_wait3A_82 = tpu.memref_squeeze %dma_wait3A_81 : memref<1x128xi32, #tpu.memory_space<vmem>> -> memref<128xi32, #tpu.memory_space<vmem>>
      %dma_wait3A_83 = arith.constant 0 : i32
      %dma_wait3A_84 = arith.constant 0 : i32
      %dma_wait3A_85 = tpu.memref_slice %arg2[%dma_wait3A_83, %dma_wait3A_84] : memref<10000x128xf32, #tpu.memory_space<hbm>> -> memref<10000x128xf32, #tpu.memory_space<hbm>>
      tpu.wait_indirect_dma semaphore(%arg12 : memref<!tpu.dma_semaphore, #tpu.memory_space<semaphore_mem>>) src(%dma_wait3A_85 : memref<10000x128xf32, #tpu.memory_space<hbm>>) dst(%arg9 : memref<128x128xf32, #tpu.memory_space<vmem>>)
      %dma_start3A_86 = arith.constant 0 : i32
      %dma_start3A_87 = tpu.memref_slice %arg8[%mul3A_77, %dma_start3A_86] : memref<40x128xi32, #tpu.memory_space<vmem>> -> memref<1x128xi32, #tpu.memory_space<vmem>>
      %dma_start3A_88 = tpu.memref_squeeze %dma_start3A_87 : memref<1x128xi32, #tpu.memory_space<vmem>> -> memref<128xi32, #tpu.memory_space<vmem>>
      %dma_start3A_89 = arith.constant 0 : i32
      %dma_start3A_90 = arith.constant 0 : i32
      %dma_start3A_91 = tpu.memref_slice %arg11[%dma_start3A_89, %dma_start3A_90] : memref<10112x128xf32, #tpu.memory_space<vmem_shared>> -> memref<10112x128xf32, #tpu.memory_space<vmem_shared>>
      tpu.enqueue_indirect_dma source(%arg9 : memref<128x128xf32, #tpu.memory_space<vmem>>) target(%dma_start3A_91 : memref<10112x128xf32, #tpu.memory_space<vmem_shared>>) offsets(%dma_start3A_88 : memref<128xi32, #tpu.memory_space<vmem>>) semaphore(%arg14 : memref<!tpu.dma_semaphore, #tpu.memory_space<semaphore_mem>>) {add = true}
      %dma_wait3A_92 = arith.constant 0 : i32
      %dma_wait3A_93 = tpu.memref_slice %arg7[%add3A_79, %dma_wait3A_92] : memref<40x128xi32, #tpu.memory_space<vmem>> -> memref<1x128xi32, #tpu.memory_space<vmem>>
      %dma_wait3A_94 = tpu.memref_squeeze %dma_wait3A_93 : memref<1x128xi32, #tpu.memory_space<vmem>> -> memref<128xi32, #tpu.memory_space<vmem>>
      %dma_wait3A_95 = arith.constant 0 : i32
      %dma_wait3A_96 = arith.constant 0 : i32
      %dma_wait3A_97 = tpu.memref_slice %arg2[%dma_wait3A_95, %dma_wait3A_96] : memref<10000x128xf32, #tpu.memory_space<hbm>> -> memref<10000x128xf32, #tpu.memory_space<hbm>>
      tpu.wait_indirect_dma semaphore(%arg13 : memref<!tpu.dma_semaphore, #tpu.memory_space<semaphore_mem>>) src(%dma_wait3A_97 : memref<10000x128xf32, #tpu.memory_space<hbm>>) dst(%arg10 : memref<128x128xf32, #tpu.memory_space<vmem>>)
      %dma_start3A_98 = arith.constant 0 : i32
      %dma_start3A_99 = tpu.memref_slice %arg8[%add3A_79, %dma_start3A_98] : memref<40x128xi32, #tpu.memory_space<vmem>> -> memref<1x128xi32, #tpu.memory_space<vmem>>
      %dma_start3A_100 = tpu.memref_squeeze %dma_start3A_99 : memref<1x128xi32, #tpu.memory_space<vmem>> -> memref<128xi32, #tpu.memory_space<vmem>>
      %dma_start3A_101 = arith.constant 0 : i32
      %dma_start3A_102 = arith.constant 0 : i32
      %dma_start3A_103 = tpu.memref_slice %arg11[%dma_start3A_101, %dma_start3A_102] : memref<10112x128xf32, #tpu.memory_space<vmem_shared>> -> memref<10112x128xf32, #tpu.memory_space<vmem_shared>>
      tpu.enqueue_indirect_dma source(%arg10 : memref<128x128xf32, #tpu.memory_space<vmem>>) target(%dma_start3A_103 : memref<10112x128xf32, #tpu.memory_space<vmem_shared>>) offsets(%dma_start3A_100 : memref<128xi32, #tpu.memory_space<vmem>>) semaphore(%arg15 : memref<!tpu.dma_semaphore, #tpu.memory_space<semaphore_mem>>) {add = true}
      %lt3A = arith.constant 19 : i32
      %lt3A_104 = arith.cmpi slt, %scan3A_75, %lt3A : i32
      %convert_element_type3A = arith.extui %lt3A_104 : i1 to i32
      %cond3A = arith.constant 0 : i32
      %cond3A_105 = arith.cmpi ne, %convert_element_type3A, %cond3A : i32
      scf.if %cond3A_105 {
        %dma_wait3A_106 = arith.constant 0 : i32
        %dma_wait3A_107 = tpu.memref_slice %arg8[%mul3A_77, %dma_wait3A_106] : memref<40x128xi32, #tpu.memory_space<vmem>> -> memref<1x128xi32, #tpu.memory_space<vmem>>
        %dma_wait3A_108 = tpu.memref_squeeze %dma_wait3A_107 : memref<1x128xi32, #tpu.memory_space<vmem>> -> memref<128xi32, #tpu.memory_space<vmem>>
        %dma_wait3A_109 = arith.constant 0 : i32
        %dma_wait3A_110 = arith.constant 0 : i32
        %dma_wait3A_111 = tpu.memref_slice %arg11[%dma_wait3A_109, %dma_wait3A_110] : memref<10112x128xf32, #tpu.memory_space<vmem_shared>> -> memref<10112x128xf32, #tpu.memory_space<vmem_shared>>
        tpu.wait_indirect_dma semaphore(%arg14 : memref<!tpu.dma_semaphore, #tpu.memory_space<semaphore_mem>>) src(%arg9 : memref<128x128xf32, #tpu.memory_space<vmem>>) dst(%dma_wait3A_111 : memref<10112x128xf32, #tpu.memory_space<vmem_shared>>)
        %add3A_112 = arith.constant 2 : i32
        %add3A_113 = arith.addi %mul3A_77, %add3A_112 : i32
        %dma_start3A_114 = arith.constant 0 : i32
        %dma_start3A_115 = tpu.memref_slice %arg7[%add3A_113, %dma_start3A_114] : memref<40x128xi32, #tpu.memory_space<vmem>> -> memref<1x128xi32, #tpu.memory_space<vmem>>
        %dma_start3A_116 = tpu.memref_squeeze %dma_start3A_115 : memref<1x128xi32, #tpu.memory_space<vmem>> -> memref<128xi32, #tpu.memory_space<vmem>>
        %dma_start3A_117 = arith.constant 0 : i32
        %dma_start3A_118 = arith.constant 0 : i32
        %dma_start3A_119 = tpu.memref_slice %arg2[%dma_start3A_117, %dma_start3A_118] : memref<10000x128xf32, #tpu.memory_space<hbm>> -> memref<10000x128xf32, #tpu.memory_space<hbm>>
        tpu.enqueue_indirect_dma source(%dma_start3A_119 : memref<10000x128xf32, #tpu.memory_space<hbm>>) target(%arg9 : memref<128x128xf32, #tpu.memory_space<vmem>>) offsets(%dma_start3A_116 : memref<128xi32, #tpu.memory_space<vmem>>) semaphore(%arg12 : memref<!tpu.dma_semaphore, #tpu.memory_space<semaphore_mem>>)
        %dma_wait3A_120 = arith.constant 0 : i32
        %dma_wait3A_121 = tpu.memref_slice %arg8[%add3A_79, %dma_wait3A_120] : memref<40x128xi32, #tpu.memory_space<vmem>> -> memref<1x128xi32, #tpu.memory_space<vmem>>
        %dma_wait3A_122 = tpu.memref_squeeze %dma_wait3A_121 : memref<1x128xi32, #tpu.memory_space<vmem>> -> memref<128xi32, #tpu.memory_space<vmem>>
        %dma_wait3A_123 = arith.constant 0 : i32
        %dma_wait3A_124 = arith.constant 0 : i32
        %dma_wait3A_125 = tpu.memref_slice %arg11[%dma_wait3A_123, %dma_wait3A_124] : memref<10112x128xf32, #tpu.memory_space<vmem_shared>> -> memref<10112x128xf32, #tpu.memory_space<vmem_shared>>
        tpu.wait_indirect_dma semaphore(%arg15 : memref<!tpu.dma_semaphore, #tpu.memory_space<semaphore_mem>>) src(%arg10 : memref<128x128xf32, #tpu.memory_space<vmem>>) dst(%dma_wait3A_125 : memref<10112x128xf32, #tpu.memory_space<vmem_shared>>)
        %add3A_126 = arith.constant 2 : i32
        %add3A_127 = arith.addi %add3A_79, %add3A_126 : i32
        %dma_start3A_128 = arith.constant 0 : i32
        %dma_start3A_129 = tpu.memref_slice %arg7[%add3A_127, %dma_start3A_128] : memref<40x128xi32, #tpu.memory_space<vmem>> -> memref<1x128xi32, #tpu.memory_space<vmem>>
        %dma_start3A_130 = tpu.memref_squeeze %dma_start3A_129 : memref<1x128xi32, #tpu.memory_space<vmem>> -> memref<128xi32, #tpu.memory_space<vmem>>
        %dma_start3A_131 = arith.constant 0 : i32
        %dma_start3A_132 = arith.constant 0 : i32
        %dma_start3A_133 = tpu.memref_slice %arg2[%dma_start3A_131, %dma_start3A_132] : memref<10000x128xf32, #tpu.memory_space<hbm>> -> memref<10000x128xf32, #tpu.memory_space<hbm>>
        tpu.enqueue_indirect_dma source(%dma_start3A_133 : memref<10000x128xf32, #tpu.memory_space<hbm>>) target(%arg10 : memref<128x128xf32, #tpu.memory_space<vmem>>) offsets(%dma_start3A_130 : memref<128xi32, #tpu.memory_space<vmem>>) semaphore(%arg13 : memref<!tpu.dma_semaphore, #tpu.memory_space<semaphore_mem>>)
      } else {
      }
    }
    %scan3A_55 = arith.constant 20 : i32
    %dma_wait3A_56 = arith.constant 38 : i32
    %dma_wait3A_57 = arith.constant 0 : i32
    %dma_wait3A_58 = tpu.memref_slice %arg8[%dma_wait3A_56, %dma_wait3A_57] : memref<40x128xi32, #tpu.memory_space<vmem>> -> memref<1x128xi32, #tpu.memory_space<vmem>>
    %dma_wait3A_59 = tpu.memref_squeeze %dma_wait3A_58 : memref<1x128xi32, #tpu.memory_space<vmem>> -> memref<128xi32, #tpu.memory_space<vmem>>
    %dma_wait3A_60 = arith.constant 0 : i32
    %dma_wait3A_61 = arith.constant 0 : i32
    %dma_wait3A_62 = tpu.memref_slice %arg11[%dma_wait3A_60, %dma_wait3A_61] : memref<10112x128xf32, #tpu.memory_space<vmem_shared>> -> memref<10112x128xf32, #tpu.memory_space<vmem_shared>>
    tpu.wait_indirect_dma semaphore(%arg14 : memref<!tpu.dma_semaphore, #tpu.memory_space<semaphore_mem>>) src(%arg9 : memref<128x128xf32, #tpu.memory_space<vmem>>) dst(%dma_wait3A_62 : memref<10112x128xf32, #tpu.memory_space<vmem_shared>>)
    %dma_wait3A_63 = arith.constant 39 : i32
    %dma_wait3A_64 = arith.constant 0 : i32
    %dma_wait3A_65 = tpu.memref_slice %arg8[%dma_wait3A_63, %dma_wait3A_64] : memref<40x128xi32, #tpu.memory_space<vmem>> -> memref<1x128xi32, #tpu.memory_space<vmem>>
    %dma_wait3A_66 = tpu.memref_squeeze %dma_wait3A_65 : memref<1x128xi32, #tpu.memory_space<vmem>> -> memref<128xi32, #tpu.memory_space<vmem>>
    %dma_wait3A_67 = arith.constant 0 : i32
    %dma_wait3A_68 = arith.constant 0 : i32
    %dma_wait3A_69 = tpu.memref_slice %arg11[%dma_wait3A_67, %dma_wait3A_68] : memref<10112x128xf32, #tpu.memory_space<vmem_shared>> -> memref<10112x128xf32, #tpu.memory_space<vmem_shared>>
    tpu.wait_indirect_dma semaphore(%arg15 : memref<!tpu.dma_semaphore, #tpu.memory_space<semaphore_mem>>) src(%arg10 : memref<128x128xf32, #tpu.memory_space<vmem>>) dst(%dma_wait3A_69 : memref<10112x128xf32, #tpu.memory_space<vmem_shared>>)
    %barrier3A_70 = arith.constant 0 : index
    tpu.barrier barrier_id(%barrier3A_70)
    %mul3A_71 = arith.constant 632 : i32
    %mul3A_72 = arith.muli %arg1, %mul3A_71 : i32
    %mul3A_73 = arith.constant 632 : i32
    %mul3A_74 = arith.muli %arg1, %mul3A_73 : i32
    "tpu.region"() ({
      %run_scoped3A = tpu.sem_alloc : memref<!tpu.dma_semaphore, #tpu.memory_space<semaphore_mem>>
      %dma_start3A_75 = arith.constant 0 : i32
      %dma_start3A_76 = tpu.memref_slice %arg6[%arg0, %mul3A_74, %dma_start3A_75] : memref<2x10112x128xf32, #tpu.memory_space<hbm>> -> memref<1x632x128xf32, #tpu.memory_space<hbm>>
      %dma_start3A_77 = tpu.memref_squeeze %dma_start3A_76 : memref<1x632x128xf32, #tpu.memory_space<hbm>> -> memref<632x128xf32, #tpu.memory_space<hbm>>
      %dma_start3A_78 = arith.constant 0 : i32
      %dma_start3A_79 = tpu.memref_slice %arg11[%mul3A_72, %dma_start3A_78] : memref<10112x128xf32, #tpu.memory_space<vmem_shared>> -> memref<632x128xf32, #tpu.memory_space<vmem_shared>>
      tpu.enqueue_dma source(%dma_start3A_79 : memref<632x128xf32, #tpu.memory_space<vmem_shared>>) target(%dma_start3A_77 : memref<632x128xf32, #tpu.memory_space<hbm>>) target_semaphore(%run_scoped3A : memref<!tpu.dma_semaphore, #tpu.memory_space<semaphore_mem>>)
      %dma_wait3A_80 = arith.constant 0 : i32
      %dma_wait3A_81 = tpu.memref_slice %arg6[%arg0, %mul3A_74, %dma_wait3A_80] : memref<2x10112x128xf32, #tpu.memory_space<hbm>> -> memref<1x632x128xf32, #tpu.memory_space<hbm>>
      %dma_wait3A_82 = tpu.memref_squeeze %dma_wait3A_81 : memref<1x632x128xf32, #tpu.memory_space<hbm>> -> memref<632x128xf32, #tpu.memory_space<hbm>>
      %dma_wait3A_83 = arith.constant 0 : i32
      %dma_wait3A_84 = tpu.memref_slice %arg11[%mul3A_72, %dma_wait3A_83] : memref<10112x128xf32, #tpu.memory_space<vmem_shared>> -> memref<632x128xf32, #tpu.memory_space<vmem_shared>>
      tpu.wait_dma2 semaphore(%run_scoped3A : memref<!tpu.dma_semaphore, #tpu.memory_space<semaphore_mem>>) src(%dma_wait3A_84 : memref<632x128xf32, #tpu.memory_space<vmem_shared>>) dst(%dma_wait3A_82 : memref<632x128xf32, #tpu.memory_space<hbm>>)
      tpu.yield
    }) : () -> ()
    return
  }
}

module attributes {stable_mosaic.version = 14 : i64} {
  func.func @_tc_in_body(%arg0: i32, %arg1: memref<1000x128xf32, #tpu.memory_space<vmem>>, %arg2: memref<128x128xf32, #tpu.memory_space<vmem>>, %arg3: memref<1x128xf32, #tpu.memory_space<vmem>>, %arg4: memref<1000x128xf32, #tpu.memory_space<vmem>>) attributes {dimension_semantics = [#tpu.dimension_semantics<arbitrary>], iteration_bounds = array<i64: 10>, scalar_prefetch = 0 : i64, scratch_operands = 0 : i64, tpu.core_type = #tpu.core_type<tc>, window_params = [{transform_indices = @transform_0, window_bounds = array<i64: 1000, 128>}, {pipeline_mode = #tpu.pipeline_mode<synchronous>, transform_indices = @transform_1, window_bounds = array<i64: 128, 128>}, {pipeline_mode = #tpu.pipeline_mode<synchronous>, transform_indices = @transform_2, window_bounds = array<i64: 1, 128>}, {transform_indices = @transform_3, window_bounds = array<i64: 1000, 128>}]} {
    %get3A = arith.constant 0 : index
    %get3A_0 = arith.constant 0 : index
    %get3A_1 = vector.load %arg1[%get3A, %get3A_0] : memref<1000x128xf32, #tpu.memory_space<vmem>>, vector<1000x128xf32>
    %get3A_2 = arith.constant 0 : index
    %get3A_3 = arith.constant 0 : index
    %get3A_4 = vector.load %arg2[%get3A_2, %get3A_3] : memref<128x128xf32, #tpu.memory_space<vmem>>, vector<128x128xf32>
    %dot_general3A = arith.constant dense<0.000000e+00> : vector<1000x128xf32>
    %dot_general3A_5 = tpu.matmul %get3A_1, %get3A_4, %dot_general3A {dimension_numbers = #tpu.dot_dimension_numbers<[1], [0], [0], [1], [0, 0, 1, 1], [], []>, transpose_lhs_hint = false} : vector<1000x128xf32>, vector<128x128xf32>, vector<1000x128xf32> -> vector<1000x128xf32>
    %get3A_6 = arith.constant 0 : index
    %get3A_7 = arith.constant 0 : index
    %get3A_8 = vector.load %arg3[%get3A_6, %get3A_7] : memref<1x128xf32, #tpu.memory_space<vmem>>, vector<1x128xf32>
    %add3A = vector.broadcast %get3A_8 : vector<1x128xf32> to vector<1000x128xf32>
    %add3A_9 = arith.addf %dot_general3A_5, %add3A : vector<1000x128xf32>
    %swap3A = arith.constant 0 : index
    %swap3A_10 = arith.constant 0 : index
    %swap3A_11 = vector.load %arg4[%swap3A, %swap3A_10] : memref<1000x128xf32, #tpu.memory_space<vmem>>, vector<1000x128xf32>
    tpu.vector_store %arg4[%swap3A, %swap3A_10], %add3A_9 {strides = array<i32>} : memref<1000x128xf32, #tpu.memory_space<vmem>>, vector<1000x128xf32>,
    return
  }
  func.func @transform_0(%arg0: i32) -> (i32, i32) {
    %c0_i32 = arith.constant 0 : i32
    %c0_i32_0 = arith.constant 0 : i32
    return %arg0, %c0_i32 : i32, i32
  }
  func.func @transform_1(%arg0: i32) -> (i32, i32) {
    %c0_i32 = arith.constant 0 : i32
    %c0_i32_0 = arith.constant 0 : i32
    %c0_i32_1 = arith.constant 0 : i32
    return %c0_i32, %c0_i32_0 : i32, i32
  }
  func.func @transform_2(%arg0: i32) -> (i32, i32) {
    %c0_i32 = arith.constant 0 : i32
    %c0_i32_0 = arith.constant 0 : i32
    %c0_i32_1 = arith.constant 0 : i32
    return %c0_i32, %c0_i32_0 : i32, i32
  }
  func.func @transform_3(%arg0: i32) -> (i32, i32) {
    %c0_i32 = arith.constant 0 : i32
    %c0_i32_0 = arith.constant 0 : i32
    return %arg0, %c0_i32 : i32, i32
  }
}

module attributes {stable_mosaic.version = 14 : i64} {
  func.func @_tc_layer_body(%arg0: i32, %arg1: memref<1x1000x128xf32, #tpu.memory_space<vmem>>, %arg2: memref<1x1000x128xf32, #tpu.memory_space<vmem>>, %arg3: memref<1x1000x128xf32, #tpu.memory_space<vmem>>, %arg4: memref<1x1000x128xf32, #tpu.memory_space<vmem>>, %arg5: memref<1000x128xf32, #tpu.memory_space<vmem>>, %arg6: memref<128x128xf32, #tpu.memory_space<vmem>>, %arg7: memref<1x128xf32, #tpu.memory_space<vmem>>, %arg8: memref<128x128xf32, #tpu.memory_space<vmem>>, %arg9: memref<1000x128xf32, #tpu.memory_space<vmem>>) attributes {dimension_semantics = [#tpu.dimension_semantics<arbitrary>], iteration_bounds = array<i64: 10>, scalar_prefetch = 0 : i64, scratch_operands = 0 : i64, tpu.core_type = #tpu.core_type<tc>, window_params = [{transform_indices = @transform_0, window_bounds = array<i64: 1, 1000, 128>}, {transform_indices = @transform_1, window_bounds = array<i64: 1, 1000, 128>}, {transform_indices = @transform_2, window_bounds = array<i64: 1, 1000, 128>}, {transform_indices = @transform_3, window_bounds = array<i64: 1, 1000, 128>}, {transform_indices = @transform_4, window_bounds = array<i64: 1000, 128>}, {pipeline_mode = #tpu.pipeline_mode<synchronous>, transform_indices = @transform_5, window_bounds = array<i64: 128, 128>}, {pipeline_mode = #tpu.pipeline_mode<synchronous>, transform_indices = @transform_6, window_bounds = array<i64: 1, 128>}, {pipeline_mode = #tpu.pipeline_mode<synchronous>, transform_indices = @transform_7, window_bounds = array<i64: 128, 128>}, {transform_indices = @transform_8, window_bounds = array<i64: 1000, 128>}]} {
    %get3A = arith.constant 0 : index
    %get3A_0 = arith.constant 0 : index
    %get3A_1 = arith.constant 0 : index
    %get3A_2 = vector.load %arg1[%get3A, %get3A_0, %get3A_1] : memref<1x1000x128xf32, #tpu.memory_space<vmem>>, vector<1x1000x128xf32>
    %get3A_3 = vector.shape_cast %get3A_2 : vector<1x1000x128xf32> to vector<1000x128xf32>
    %get3A_4 = arith.constant 0 : index
    %get3A_5 = arith.constant 0 : index
    %get3A_6 = arith.constant 0 : index
    %get3A_7 = vector.load %arg2[%get3A_4, %get3A_5, %get3A_6] : memref<1x1000x128xf32, #tpu.memory_space<vmem>>, vector<1x1000x128xf32>
    %get3A_8 = vector.shape_cast %get3A_7 : vector<1x1000x128xf32> to vector<1000x128xf32>
    %get3A_9 = arith.constant 0 : index
    %get3A_10 = arith.constant 0 : index
    %get3A_11 = arith.constant 0 : index
    %get3A_12 = vector.load %arg3[%get3A_9, %get3A_10, %get3A_11] : memref<1x1000x128xf32, #tpu.memory_space<vmem>>, vector<1x1000x128xf32>
    %get3A_13 = vector.shape_cast %get3A_12 : vector<1x1000x128xf32> to vector<1000x128xf32>
    %get3A_14 = arith.constant 0 : index
    %get3A_15 = arith.constant 0 : index
    %get3A_16 = arith.constant 0 : index
    %get3A_17 = vector.load %arg4[%get3A_14, %get3A_15, %get3A_16] : memref<1x1000x128xf32, #tpu.memory_space<vmem>>, vector<1x1000x128xf32>
    %get3A_18 = vector.shape_cast %get3A_17 : vector<1x1000x128xf32> to vector<1000x128xf32>
    %get3A_19 = arith.constant 0 : index
    %get3A_20 = arith.constant 0 : index
    %get3A_21 = vector.load %arg5[%get3A_19, %get3A_20] : memref<1000x128xf32, #tpu.memory_space<vmem>>, vector<1000x128xf32>
    %get3A_22 = arith.constant 0 : index
    %get3A_23 = arith.constant 0 : index
    %get3A_24 = vector.load %arg6[%get3A_22, %get3A_23] : memref<128x128xf32, #tpu.memory_space<vmem>>, vector<128x128xf32>
    %get3A_25 = arith.constant 0 : index
    %get3A_26 = arith.constant 0 : index
    %get3A_27 = vector.load %arg7[%get3A_25, %get3A_26] : memref<1x128xf32, #tpu.memory_space<vmem>>, vector<1x128xf32>
    %get3A_28 = arith.constant 0 : index
    %get3A_29 = arith.constant 0 : index
    %get3A_30 = vector.load %arg8[%get3A_28, %get3A_29] : memref<128x128xf32, #tpu.memory_space<vmem>>, vector<128x128xf32>
    %add3A = arith.addf %get3A_3, %get3A_8 : vector<1000x128xf32>
    %add3A_31 = arith.addf %get3A_13, %get3A_18 : vector<1000x128xf32>
    %max3A = arith.constant 1.000000e+00 : f32
    %max3A_32 = vector.broadcast %max3A : f32 to vector<1000x128xf32>
    %max3A_33 = arith.maximumf %add3A_31, %max3A_32 : vector<1000x128xf32>
    %div3A = arith.divf %add3A, %max3A_33 : vector<1000x128xf32>
    %dot_general3A = arith.constant dense<0.000000e+00> : vector<1000x128xf32>
    %dot_general3A_34 = tpu.matmul %div3A, %get3A_24, %dot_general3A {dimension_numbers = #tpu.dot_dimension_numbers<[1], [0], [0], [1], [0, 0, 1, 1], [], []>, transpose_lhs_hint = false} : vector<1000x128xf32>, vector<128x128xf32>, vector<1000x128xf32> -> vector<1000x128xf32>
    %dot_general3A_35 = arith.constant dense<0.000000e+00> : vector<1000x128xf32>
    %dot_general3A_36 = tpu.matmul %get3A_21, %get3A_30, %dot_general3A_35 {dimension_numbers = #tpu.dot_dimension_numbers<[1], [0], [0], [1], [0, 0, 1, 1], [], []>, transpose_lhs_hint = false} : vector<1000x128xf32>, vector<128x128xf32>, vector<1000x128xf32> -> vector<1000x128xf32>
    %add3A_37 = arith.addf %dot_general3A_34, %dot_general3A_36 : vector<1000x128xf32>
    %add3A_38 = vector.broadcast %get3A_27 : vector<1x128xf32> to vector<1000x128xf32>
    %add3A_39 = arith.addf %add3A_37, %add3A_38 : vector<1000x128xf32>
    %max3A_40 = arith.constant 0.000000e+00 : f32
    %max3A_41 = vector.broadcast %max3A_40 : f32 to vector<1000x128xf32>
    %max3A_42 = arith.maximumf %add3A_39, %max3A_41 : vector<1000x128xf32>
    %reduce_sum3A = arith.constant dense<0.000000e+00> : vector<1000xf32>
    %reduce_sum3A_43 = vector.multi_reduction <add>, %max3A_42, %reduce_sum3A [1] : vector<1000x128xf32> to vector<1000xf32>
    %broadcast_in_dim3A = vector.shape_cast %reduce_sum3A_43 : vector<1000xf32> to vector<1000x1xf32>
    %div3A_44 = arith.constant 1.280000e+02 : f32
    %div3A_45 = vector.broadcast %div3A_44 : f32 to vector<1000x1xf32>
    %div3A_46 = arith.divf %broadcast_in_dim3A, %div3A_45 : vector<1000x1xf32>
    %sub3A = vector.broadcast %div3A_46 : vector<1000x1xf32> to vector<1000x128xf32>
    %sub3A_47 = arith.subf %max3A_42, %sub3A : vector<1000x128xf32>
    %mul3A = arith.mulf %sub3A_47, %sub3A_47 : vector<1000x128xf32>
    %reduce_sum3A_48 = arith.constant dense<0.000000e+00> : vector<1000xf32>
    %reduce_sum3A_49 = vector.multi_reduction <add>, %mul3A, %reduce_sum3A_48 [1] : vector<1000x128xf32> to vector<1000xf32>
    %broadcast_in_dim3A_50 = vector.shape_cast %reduce_sum3A_49 : vector<1000xf32> to vector<1000x1xf32>
    %div3A_51 = arith.constant 1.280000e+02 : f32
    %div3A_52 = vector.broadcast %div3A_51 : f32 to vector<1000x1xf32>
    %div3A_53 = arith.divf %broadcast_in_dim3A_50, %div3A_52 : vector<1000x1xf32>
    %add3A_54 = arith.constant 9.99999974E-6 : f32
    %add3A_55 = vector.broadcast %add3A_54 : f32 to vector<1000x1xf32>
    %add3A_56 = arith.addf %div3A_53, %add3A_55 : vector<1000x1xf32>
    %rsqrt3A = math.rsqrt %add3A_56 : vector<1000x1xf32>
    %mul3A_57 = vector.broadcast %rsqrt3A : vector<1000x1xf32> to vector<1000x128xf32>
    %mul3A_58 = arith.mulf %sub3A_47, %mul3A_57 : vector<1000x128xf32>
    %swap3A = arith.constant 0 : index
    %swap3A_59 = arith.constant 0 : index
    %swap3A_60 = vector.load %arg9[%swap3A, %swap3A_59] : memref<1000x128xf32, #tpu.memory_space<vmem>>, vector<1000x128xf32>
    tpu.vector_store %arg9[%swap3A, %swap3A_59], %mul3A_58 {strides = array<i32>} : memref<1000x128xf32, #tpu.memory_space<vmem>>, vector<1000x128xf32>,
    return
  }
  func.func @transform_0(%arg0: i32) -> (i32, i32, i32) {
    %c0_i32 = arith.constant 0 : i32
    %c0_i32_0 = arith.constant 0 : i32
    %c0_i32_1 = arith.constant 0 : i32
    return %c0_i32, %arg0, %c0_i32_0 : i32, i32, i32
  }
  func.func @transform_1(%arg0: i32) -> (i32, i32, i32) {
    %c1_i32 = arith.constant 1 : i32
    %c0_i32 = arith.constant 0 : i32
    %c0_i32_0 = arith.constant 0 : i32
    return %c1_i32, %arg0, %c0_i32 : i32, i32, i32
  }
  func.func @transform_2(%arg0: i32) -> (i32, i32, i32) {
    %c0_i32 = arith.constant 0 : i32
    %c0_i32_0 = arith.constant 0 : i32
    %c0_i32_1 = arith.constant 0 : i32
    return %c0_i32, %arg0, %c0_i32_0 : i32, i32, i32
  }
  func.func @transform_3(%arg0: i32) -> (i32, i32, i32) {
    %c1_i32 = arith.constant 1 : i32
    %c0_i32 = arith.constant 0 : i32
    %c0_i32_0 = arith.constant 0 : i32
    return %c1_i32, %arg0, %c0_i32 : i32, i32, i32
  }
  func.func @transform_4(%arg0: i32) -> (i32, i32) {
    %c0_i32 = arith.constant 0 : i32
    %c0_i32_0 = arith.constant 0 : i32
    return %arg0, %c0_i32 : i32, i32
  }
  func.func @transform_5(%arg0: i32) -> (i32, i32) {
    %c0_i32 = arith.constant 0 : i32
    %c0_i32_0 = arith.constant 0 : i32
    %c0_i32_1 = arith.constant 0 : i32
    return %c0_i32, %c0_i32_0 : i32, i32
  }
  func.func @transform_6(%arg0: i32) -> (i32, i32) {
    %c0_i32 = arith.constant 0 : i32
    %c0_i32_0 = arith.constant 0 : i32
    %c0_i32_1 = arith.constant 0 : i32
    return %c0_i32, %c0_i32_0 : i32, i32
  }
  func.func @transform_7(%arg0: i32) -> (i32, i32) {
    %c0_i32 = arith.constant 0 : i32
    %c0_i32_0 = arith.constant 0 : i32
    %c0_i32_1 = arith.constant 0 : i32
    return %c0_i32, %c0_i32_0 : i32, i32
  }
  func.func @transform_8(%arg0: i32) -> (i32, i32) {
    %c0_i32 = arith.constant 0 : i32
    %c0_i32_0 = arith.constant 0 : i32
    return %arg0, %c0_i32 : i32, i32
  }
}

module attributes {stable_mosaic.version = 14 : i64} {
  func.func @_tc_final_body(%arg0: i32, %arg1: memref<1x1000x128xf32, #tpu.memory_space<vmem>>, %arg2: memref<1x1000x128xf32, #tpu.memory_space<vmem>>, %arg3: memref<1x1000x128xf32, #tpu.memory_space<vmem>>, %arg4: memref<1x1000x128xf32, #tpu.memory_space<vmem>>, %arg5: memref<1000x128xf32, #tpu.memory_space<vmem>>, %arg6: memref<128x128xf32, #tpu.memory_space<vmem>>, %arg7: memref<1x128xf32, #tpu.memory_space<vmem>>, %arg8: memref<128x128xf32, #tpu.memory_space<vmem>>, %arg9: memref<128x64xf32, #tpu.memory_space<vmem>>, %arg10: memref<1x64xf32, #tpu.memory_space<vmem>>, %arg11: memref<64x128xf32, #tpu.memory_space<vmem>>, %arg12: memref<1x128xf32, #tpu.memory_space<vmem>>, %arg13: memref<128x128xf32, #tpu.memory_space<vmem>>, %arg14: memref<1x128xf32, #tpu.memory_space<vmem>>, %arg15: memref<128x64xf32, #tpu.memory_space<vmem>>, %arg16: memref<1x64xf32, #tpu.memory_space<vmem>>, %arg17: memref<64x1xf32, #tpu.memory_space<vmem>>, %arg18: memref<1x1xf32, #tpu.memory_space<vmem>>, %arg19: memref<1000x128xf32, #tpu.memory_space<vmem>>, %arg20: memref<1000x1xf32, #tpu.memory_space<vmem>>) attributes {dimension_semantics = [#tpu.dimension_semantics<arbitrary>], iteration_bounds = array<i64: 10>, scalar_prefetch = 0 : i64, scratch_operands = 0 : i64, tpu.core_type = #tpu.core_type<tc>, window_params = [{transform_indices = @transform_0, window_bounds = array<i64: 1, 1000, 128>}, {transform_indices = @transform_1, window_bounds = array<i64: 1, 1000, 128>}, {transform_indices = @transform_2, window_bounds = array<i64: 1, 1000, 128>}, {transform_indices = @transform_3, window_bounds = array<i64: 1, 1000, 128>}, {transform_indices = @transform_4, window_bounds = array<i64: 1000, 128>}, {pipeline_mode = #tpu.pipeline_mode<synchronous>, transform_indices = @transform_5, window_bounds = array<i64: 128, 128>}, {pipeline_mode = #tpu.pipeline_mode<synchronous>, transform_indices = @transform_6, window_bounds = array<i64: 1, 128>}, {pipeline_mode = #tpu.pipeline_mode<synchronous>, transform_indices = @transform_7, window_bounds = array<i64: 128, 128>}, {pipeline_mode = #tpu.pipeline_mode<synchronous>, transform_indices = @transform_8, window_bounds = array<i64: 128, 64>}, {pipeline_mode = #tpu.pipeline_mode<synchronous>, transform_indices = @transform_9, window_bounds = array<i64: 1, 64>}, {pipeline_mode = #tpu.pipeline_mode<synchronous>, transform_indices = @transform_10, window_bounds = array<i64: 64, 128>}, {pipeline_mode = #tpu.pipeline_mode<synchronous>, transform_indices = @transform_11, window_bounds = array<i64: 1, 128>}, {pipeline_mode = #tpu.pipeline_mode<synchronous>, transform_indices = @transform_12, window_bounds = array<i64: 128, 128>}, {pipeline_mode = #tpu.pipeline_mode<synchronous>, transform_indices = @transform_13, window_bounds = array<i64: 1, 128>}, {pipeline_mode = #tpu.pipeline_mode<synchronous>, transform_indices = @transform_14, window_bounds = array<i64: 128, 64>}, {pipeline_mode = #tpu.pipeline_mode<synchronous>, transform_indices = @transform_15, window_bounds = array<i64: 1, 64>}, {pipeline_mode = #tpu.pipeline_mode<synchronous>, transform_indices = @transform_16, window_bounds = array<i64: 64, 1>}, {pipeline_mode = #tpu.pipeline_mode<synchronous>, transform_indices = @transform_17, window_bounds = array<i64: 1, 1>}, {transform_indices = @transform_18, window_bounds = array<i64: 1000, 128>}, {transform_indices = @transform_19, window_bounds = array<i64: 1000, 1>}]} {
    %get3A = arith.constant 0 : index
    %get3A_0 = arith.constant 0 : index
    %get3A_1 = arith.constant 0 : index
    %get3A_2 = vector.load %arg1[%get3A, %get3A_0, %get3A_1] : memref<1x1000x128xf32, #tpu.memory_space<vmem>>, vector<1x1000x128xf32>
    %get3A_3 = vector.shape_cast %get3A_2 : vector<1x1000x128xf32> to vector<1000x128xf32>
    %get3A_4 = arith.constant 0 : index
    %get3A_5 = arith.constant 0 : index
    %get3A_6 = arith.constant 0 : index
    %get3A_7 = vector.load %arg2[%get3A_4, %get3A_5, %get3A_6] : memref<1x1000x128xf32, #tpu.memory_space<vmem>>, vector<1x1000x128xf32>
    %get3A_8 = vector.shape_cast %get3A_7 : vector<1x1000x128xf32> to vector<1000x128xf32>
    %get3A_9 = arith.constant 0 : index
    %get3A_10 = arith.constant 0 : index
    %get3A_11 = arith.constant 0 : index
    %get3A_12 = vector.load %arg3[%get3A_9, %get3A_10, %get3A_11] : memref<1x1000x128xf32, #tpu.memory_space<vmem>>, vector<1x1000x128xf32>
    %get3A_13 = vector.shape_cast %get3A_12 : vector<1x1000x128xf32> to vector<1000x128xf32>
    %get3A_14 = arith.constant 0 : index
    %get3A_15 = arith.constant 0 : index
    %get3A_16 = arith.constant 0 : index
    %get3A_17 = vector.load %arg4[%get3A_14, %get3A_15, %get3A_16] : memref<1x1000x128xf32, #tpu.memory_space<vmem>>, vector<1x1000x128xf32>
    %get3A_18 = vector.shape_cast %get3A_17 : vector<1x1000x128xf32> to vector<1000x128xf32>
    %get3A_19 = arith.constant 0 : index
    %get3A_20 = arith.constant 0 : index
    %get3A_21 = vector.load %arg5[%get3A_19, %get3A_20] : memref<1000x128xf32, #tpu.memory_space<vmem>>, vector<1000x128xf32>
    %get3A_22 = arith.constant 0 : index
    %get3A_23 = arith.constant 0 : index
    %get3A_24 = vector.load %arg6[%get3A_22, %get3A_23] : memref<128x128xf32, #tpu.memory_space<vmem>>, vector<128x128xf32>
    %get3A_25 = arith.constant 0 : index
    %get3A_26 = arith.constant 0 : index
    %get3A_27 = vector.load %arg7[%get3A_25, %get3A_26] : memref<1x128xf32, #tpu.memory_space<vmem>>, vector<1x128xf32>
    %get3A_28 = arith.constant 0 : index
    %get3A_29 = arith.constant 0 : index
    %get3A_30 = vector.load %arg8[%get3A_28, %get3A_29] : memref<128x128xf32, #tpu.memory_space<vmem>>, vector<128x128xf32>
    %add3A = arith.addf %get3A_3, %get3A_8 : vector<1000x128xf32>
    %add3A_31 = arith.addf %get3A_13, %get3A_18 : vector<1000x128xf32>
    %max3A = arith.constant 1.000000e+00 : f32
    %max3A_32 = vector.broadcast %max3A : f32 to vector<1000x128xf32>
    %max3A_33 = arith.maximumf %add3A_31, %max3A_32 : vector<1000x128xf32>
    %div3A = arith.divf %add3A, %max3A_33 : vector<1000x128xf32>
    %dot_general3A = arith.constant dense<0.000000e+00> : vector<1000x128xf32>
    %dot_general3A_34 = tpu.matmul %div3A, %get3A_24, %dot_general3A {dimension_numbers = #tpu.dot_dimension_numbers<[1], [0], [0], [1], [0, 0, 1, 1], [], []>, transpose_lhs_hint = false} : vector<1000x128xf32>, vector<128x128xf32>, vector<1000x128xf32> -> vector<1000x128xf32>
    %dot_general3A_35 = arith.constant dense<0.000000e+00> : vector<1000x128xf32>
    %dot_general3A_36 = tpu.matmul %get3A_21, %get3A_30, %dot_general3A_35 {dimension_numbers = #tpu.dot_dimension_numbers<[1], [0], [0], [1], [0, 0, 1, 1], [], []>, transpose_lhs_hint = false} : vector<1000x128xf32>, vector<128x128xf32>, vector<1000x128xf32> -> vector<1000x128xf32>
    %add3A_37 = arith.addf %dot_general3A_34, %dot_general3A_36 : vector<1000x128xf32>
    %add3A_38 = vector.broadcast %get3A_27 : vector<1x128xf32> to vector<1000x128xf32>
    %add3A_39 = arith.addf %add3A_37, %add3A_38 : vector<1000x128xf32>
    %max3A_40 = arith.constant 0.000000e+00 : f32
    %max3A_41 = vector.broadcast %max3A_40 : f32 to vector<1000x128xf32>
    %max3A_42 = arith.maximumf %add3A_39, %max3A_41 : vector<1000x128xf32>
    %reduce_sum3A = arith.constant dense<0.000000e+00> : vector<1000xf32>
    %reduce_sum3A_43 = vector.multi_reduction <add>, %max3A_42, %reduce_sum3A [1] : vector<1000x128xf32> to vector<1000xf32>
    %broadcast_in_dim3A = vector.shape_cast %reduce_sum3A_43 : vector<1000xf32> to vector<1000x1xf32>
    %div3A_44 = arith.constant 1.280000e+02 : f32
    %div3A_45 = vector.broadcast %div3A_44 : f32 to vector<1000x1xf32>
    %div3A_46 = arith.divf %broadcast_in_dim3A, %div3A_45 : vector<1000x1xf32>
    %sub3A = vector.broadcast %div3A_46 : vector<1000x1xf32> to vector<1000x128xf32>
    %sub3A_47 = arith.subf %max3A_42, %sub3A : vector<1000x128xf32>
    %mul3A = arith.mulf %sub3A_47, %sub3A_47 : vector<1000x128xf32>
    %reduce_sum3A_48 = arith.constant dense<0.000000e+00> : vector<1000xf32>
    %reduce_sum3A_49 = vector.multi_reduction <add>, %mul3A, %reduce_sum3A_48 [1] : vector<1000x128xf32> to vector<1000xf32>
    %broadcast_in_dim3A_50 = vector.shape_cast %reduce_sum3A_49 : vector<1000xf32> to vector<1000x1xf32>
    %div3A_51 = arith.constant 1.280000e+02 : f32
    %div3A_52 = vector.broadcast %div3A_51 : f32 to vector<1000x1xf32>
    %div3A_53 = arith.divf %broadcast_in_dim3A_50, %div3A_52 : vector<1000x1xf32>
    %add3A_54 = arith.constant 9.99999974E-6 : f32
    %add3A_55 = vector.broadcast %add3A_54 : f32 to vector<1000x1xf32>
    %add3A_56 = arith.addf %div3A_53, %add3A_55 : vector<1000x1xf32>
    %rsqrt3A = math.rsqrt %add3A_56 : vector<1000x1xf32>
    %mul3A_57 = vector.broadcast %rsqrt3A : vector<1000x1xf32> to vector<1000x128xf32>
    %mul3A_58 = arith.mulf %sub3A_47, %mul3A_57 : vector<1000x128xf32>
    %get3A_59 = arith.constant 0 : index
    %get3A_60 = arith.constant 0 : index
    %get3A_61 = vector.load %arg9[%get3A_59, %get3A_60] : memref<128x64xf32, #tpu.memory_space<vmem>>, vector<128x64xf32>
    %dot_general3A_62 = arith.constant dense<0.000000e+00> : vector<1000x64xf32>
    %dot_general3A_63 = tpu.matmul %mul3A_58, %get3A_61, %dot_general3A_62 {dimension_numbers = #tpu.dot_dimension_numbers<[1], [0], [0], [1], [0, 0, 1, 1], [], []>, transpose_lhs_hint = false} : vector<1000x128xf32>, vector<128x64xf32>, vector<1000x64xf32> -> vector<1000x64xf32>
    %get3A_64 = arith.constant 0 : index
    %get3A_65 = arith.constant 0 : index
    %get3A_66 = vector.load %arg10[%get3A_64, %get3A_65] : memref<1x64xf32, #tpu.memory_space<vmem>>, vector<1x64xf32>
    %add3A_67 = vector.broadcast %get3A_66 : vector<1x64xf32> to vector<1000x64xf32>
    %add3A_68 = arith.addf %dot_general3A_63, %add3A_67 : vector<1000x64xf32>
    %max3A_69 = arith.constant 0.000000e+00 : f32
    %max3A_70 = vector.broadcast %max3A_69 : f32 to vector<1000x64xf32>
    %max3A_71 = arith.maximumf %add3A_68, %max3A_70 : vector<1000x64xf32>
    %get3A_72 = arith.constant 0 : index
    %get3A_73 = arith.constant 0 : index
    %get3A_74 = vector.load %arg11[%get3A_72, %get3A_73] : memref<64x128xf32, #tpu.memory_space<vmem>>, vector<64x128xf32>
    %dot_general3A_75 = arith.constant dense<0.000000e+00> : vector<1000x128xf32>
    %dot_general3A_76 = tpu.matmul %max3A_71, %get3A_74, %dot_general3A_75 {dimension_numbers = #tpu.dot_dimension_numbers<[1], [0], [0], [1], [0, 0, 1, 1], [], []>, transpose_lhs_hint = false} : vector<1000x64xf32>, vector<64x128xf32>, vector<1000x128xf32> -> vector<1000x128xf32>
    %get3A_77 = arith.constant 0 : index
    %get3A_78 = arith.constant 0 : index
    %get3A_79 = vector.load %arg12[%get3A_77, %get3A_78] : memref<1x128xf32, #tpu.memory_space<vmem>>, vector<1x128xf32>
    %add3A_80 = vector.broadcast %get3A_79 : vector<1x128xf32> to vector<1000x128xf32>
    %add3A_81 = arith.addf %dot_general3A_76, %add3A_80 : vector<1000x128xf32>
    %swap3A = arith.constant 0 : index
    %swap3A_82 = arith.constant 0 : index
    %swap3A_83 = vector.load %arg19[%swap3A, %swap3A_82] : memref<1000x128xf32, #tpu.memory_space<vmem>>, vector<1000x128xf32>
    tpu.vector_store %arg19[%swap3A, %swap3A_82], %add3A_81 {strides = array<i32>} : memref<1000x128xf32, #tpu.memory_space<vmem>>, vector<1000x128xf32>,
    %get3A_84 = arith.constant 0 : index
    %get3A_85 = arith.constant 0 : index
    %get3A_86 = vector.load %arg13[%get3A_84, %get3A_85] : memref<128x128xf32, #tpu.memory_space<vmem>>, vector<128x128xf32>
    %dot_general3A_87 = arith.constant dense<0.000000e+00> : vector<1000x128xf32>
    %dot_general3A_88 = tpu.matmul %add3A_81, %get3A_86, %dot_general3A_87 {dimension_numbers = #tpu.dot_dimension_numbers<[1], [0], [0], [1], [0, 0, 1, 1], [], []>, transpose_lhs_hint = false} : vector<1000x128xf32>, vector<128x128xf32>, vector<1000x128xf32> -> vector<1000x128xf32>
    %get3A_89 = arith.constant 0 : index
    %get3A_90 = arith.constant 0 : index
    %get3A_91 = vector.load %arg14[%get3A_89, %get3A_90] : memref<1x128xf32, #tpu.memory_space<vmem>>, vector<1x128xf32>
    %add3A_92 = vector.broadcast %get3A_91 : vector<1x128xf32> to vector<1000x128xf32>
    %add3A_93 = arith.addf %dot_general3A_88, %add3A_92 : vector<1000x128xf32>
    %max3A_94 = arith.constant 0.000000e+00 : f32
    %max3A_95 = vector.broadcast %max3A_94 : f32 to vector<1000x128xf32>
    %max3A_96 = arith.maximumf %add3A_93, %max3A_95 : vector<1000x128xf32>
    %get3A_97 = arith.constant 0 : index
    %get3A_98 = arith.constant 0 : index
    %get3A_99 = vector.load %arg15[%get3A_97, %get3A_98] : memref<128x64xf32, #tpu.memory_space<vmem>>, vector<128x64xf32>
    %dot_general3A_100 = arith.constant dense<0.000000e+00> : vector<1000x64xf32>
    %dot_general3A_101 = tpu.matmul %max3A_96, %get3A_99, %dot_general3A_100 {dimension_numbers = #tpu.dot_dimension_numbers<[1], [0], [0], [1], [0, 0, 1, 1], [], []>, transpose_lhs_hint = false} : vector<1000x128xf32>, vector<128x64xf32>, vector<1000x64xf32> -> vector<1000x64xf32>
    %get3A_102 = arith.constant 0 : index
    %get3A_103 = arith.constant 0 : index
    %get3A_104 = vector.load %arg16[%get3A_102, %get3A_103] : memref<1x64xf32, #tpu.memory_space<vmem>>, vector<1x64xf32>
    %add3A_105 = vector.broadcast %get3A_104 : vector<1x64xf32> to vector<1000x64xf32>
    %add3A_106 = arith.addf %dot_general3A_101, %add3A_105 : vector<1000x64xf32>
    %max3A_107 = arith.constant 0.000000e+00 : f32
    %max3A_108 = vector.broadcast %max3A_107 : f32 to vector<1000x64xf32>
    %max3A_109 = arith.maximumf %add3A_106, %max3A_108 : vector<1000x64xf32>
    %get3A_110 = arith.constant 0 : index
    %get3A_111 = arith.constant 0 : index
    %get3A_112 = vector.load %arg17[%get3A_110, %get3A_111] : memref<64x1xf32, #tpu.memory_space<vmem>>, vector<64x1xf32>
    %dot_general3A_113 = arith.constant dense<0.000000e+00> : vector<1000x1xf32>
    %dot_general3A_114 = tpu.matmul %max3A_109, %get3A_112, %dot_general3A_113 {dimension_numbers = #tpu.dot_dimension_numbers<[1], [0], [0], [1], [0, 0, 1, 1], [], []>, transpose_lhs_hint = false} : vector<1000x64xf32>, vector<64x1xf32>, vector<1000x1xf32> -> vector<1000x1xf32>
    %get3A_115 = arith.constant 0 : index
    %get3A_116 = arith.constant 0 : index
    %get3A_117 = vector.load %arg18[%get3A_115, %get3A_116] : memref<1x1xf32, #tpu.memory_space<vmem>>, vector<1x1xf32>
    %add3A_118 = vector.broadcast %get3A_117 : vector<1x1xf32> to vector<1000x1xf32>
    %add3A_119 = arith.addf %dot_general3A_114, %add3A_118 : vector<1000x1xf32>
    %swap3A_120 = arith.constant 0 : index
    %swap3A_121 = arith.constant 0 : index
    %swap3A_122 = vector.load %arg20[%swap3A_120, %swap3A_121] : memref<1000x1xf32, #tpu.memory_space<vmem>>, vector<1000x1xf32>
    tpu.vector_store %arg20[%swap3A_120, %swap3A_121], %add3A_119 {strides = array<i32>} : memref<1000x1xf32, #tpu.memory_space<vmem>>, vector<1000x1xf32>,
    return
  }
  func.func @transform_0(%arg0: i32) -> (i32, i32, i32) {
    %c0_i32 = arith.constant 0 : i32
    %c0_i32_0 = arith.constant 0 : i32
    %c0_i32_1 = arith.constant 0 : i32
    return %c0_i32, %arg0, %c0_i32_0 : i32, i32, i32
  }
  func.func @transform_1(%arg0: i32) -> (i32, i32, i32) {
    %c1_i32 = arith.constant 1 : i32
    %c0_i32 = arith.constant 0 : i32
    %c0_i32_0 = arith.constant 0 : i32
    return %c1_i32, %arg0, %c0_i32 : i32, i32, i32
  }
  func.func @transform_2(%arg0: i32) -> (i32, i32, i32) {
    %c0_i32 = arith.constant 0 : i32
    %c0_i32_0 = arith.constant 0 : i32
    %c0_i32_1 = arith.constant 0 : i32
    return %c0_i32, %arg0, %c0_i32_0 : i32, i32, i32
  }
  func.func @transform_3(%arg0: i32) -> (i32, i32, i32) {
    %c1_i32 = arith.constant 1 : i32
    %c0_i32 = arith.constant 0 : i32
    %c0_i32_0 = arith.constant 0 : i32
    return %c1_i32, %arg0, %c0_i32 : i32, i32, i32
  }
  func.func @transform_4(%arg0: i32) -> (i32, i32) {
    %c0_i32 = arith.constant 0 : i32
    %c0_i32_0 = arith.constant 0 : i32
    return %arg0, %c0_i32 : i32, i32
  }
  func.func @transform_5(%arg0: i32) -> (i32, i32) {
    %c0_i32 = arith.constant 0 : i32
    %c0_i32_0 = arith.constant 0 : i32
    %c0_i32_1 = arith.constant 0 : i32
    return %c0_i32, %c0_i32_0 : i32, i32
  }
  func.func @transform_6(%arg0: i32) -> (i32, i32) {
    %c0_i32 = arith.constant 0 : i32
    %c0_i32_0 = arith.constant 0 : i32
    %c0_i32_1 = arith.constant 0 : i32
    return %c0_i32, %c0_i32_0 : i32, i32
  }
  func.func @transform_7(%arg0: i32) -> (i32, i32) {
    %c0_i32 = arith.constant 0 : i32
    %c0_i32_0 = arith.constant 0 : i32
    %c0_i32_1 = arith.constant 0 : i32
    return %c0_i32, %c0_i32_0 : i32, i32
  }
  func.func @transform_8(%arg0: i32) -> (i32, i32) {
    %c0_i32 = arith.constant 0 : i32
    %c0_i32_0 = arith.constant 0 : i32
    %c0_i32_1 = arith.constant 0 : i32
    return %c0_i32, %c0_i32_0 : i32, i32
  }
  func.func @transform_9(%arg0: i32) -> (i32, i32) {
    %c0_i32 = arith.constant 0 : i32
    %c0_i32_0 = arith.constant 0 : i32
    %c0_i32_1 = arith.constant 0 : i32
    return %c0_i32, %c0_i32_0 : i32, i32
  }
  func.func @transform_10(%arg0: i32) -> (i32, i32) {
    %c0_i32 = arith.constant 0 : i32
    %c0_i32_0 = arith.constant 0 : i32
    %c0_i32_1 = arith.constant 0 : i32
    return %c0_i32, %c0_i32_0 : i32, i32
  }
  func.func @transform_11(%arg0: i32) -> (i32, i32) {
    %c0_i32 = arith.constant 0 : i32
    %c0_i32_0 = arith.constant 0 : i32
    %c0_i32_1 = arith.constant 0 : i32
    return %c0_i32, %c0_i32_0 : i32, i32
  }
  func.func @transform_12(%arg0: i32) -> (i32, i32) {
    %c0_i32 = arith.constant 0 : i32
    %c0_i32_0 = arith.constant 0 : i32
    %c0_i32_1 = arith.constant 0 : i32
    return %c0_i32, %c0_i32_0 : i32, i32
  }
  func.func @transform_13(%arg0: i32) -> (i32, i32) {
    %c0_i32 = arith.constant 0 : i32
    %c0_i32_0 = arith.constant 0 : i32
    %c0_i32_1 = arith.constant 0 : i32
    return %c0_i32, %c0_i32_0 : i32, i32
  }
  func.func @transform_14(%arg0: i32) -> (i32, i32) {
    %c0_i32 = arith.constant 0 : i32
    %c0_i32_0 = arith.constant 0 : i32
    %c0_i32_1 = arith.constant 0 : i32
    return %c0_i32, %c0_i32_0 : i32, i32
  }
  func.func @transform_15(%arg0: i32) -> (i32, i32) {
    %c0_i32 = arith.constant 0 : i32
    %c0_i32_0 = arith.constant 0 : i32
    %c0_i32_1 = arith.constant 0 : i32
    return %c0_i32, %c0_i32_0 : i32, i32
  }
  func.func @transform_16(%arg0: i32) -> (i32, i32) {
    %c0_i32 = arith.constant 0 : i32
    %c0_i32_0 = arith.constant 0 : i32
    %c0_i32_1 = arith.constant 0 : i32
    return %c0_i32, %c0_i32_0 : i32, i32
  }
  func.func @transform_17(%arg0: i32) -> (i32, i32) {
    %c0_i32 = arith.constant 0 : i32
    %c0_i32_0 = arith.constant 0 : i32
    %c0_i32_1 = arith.constant 0 : i32
    return %c0_i32, %c0_i32_0 : i32, i32
  }
  func.func @transform_18(%arg0: i32) -> (i32, i32) {
    %c0_i32 = arith.constant 0 : i32
    %c0_i32_0 = arith.constant 0 : i32
    return %arg0, %c0_i32 : i32, i32
  }
  func.func @transform_19(%arg0: i32) -> (i32, i32) {
    %c0_i32 = arith.constant 0 : i32
    %c0_i32_0 = arith.constant 0 : i32
    return %arg0, %c0_i32 : i32, i32
  }
}

</mosaic_0001>

<sc_bundles>
// kernel: kernel.10.cloned.1.call-start
scs
__scs_entry_jumppad:
0x0: {  	(pc) =	sbr.rel $0x88, $3  }
0x1: {  	(tag) =	ssettag $0x0;
	lr =	simm.s32 $0x1  }
0x2: {  	[smem:$0x3F8A] =	sst lr;
	_ =	strace $0xD0000000  }
0x3: {  	_ = 	snop  }
0x4: {  	_ = 	snop  }
0x5: {  	_ = 	snop  }
0x6: {  	_ = 	snop  }
0x7: {  	_ = 	snop  }
__scs_overlays_trampoline_lowered:
0x8: {  	[smem:$0x3F99] =	sst s0  }
0x9: {  	[smem:$0x3F9A] =	sst s1  }
0xa: {  	[smem:$0x3F9B] =	sst s2  }
0xb: {  	[smem:$0x3F9C] =	sst s3  }
0xc: {  	[smem:$0x3F9D] =	sst s4  }
0xd: {  	[smem:$0x3F9E] =	sst s5  }
0xe: {  	[smem:$0x3F9F] =	sst s6  }
0xf: {  	[smem:$0x3FA0] =	sst s7  }
0x10: {  	[smem:$0x3FA1] =	sst s8  }
0x11: {  	[smem:$0x3FA2] =	sst s9;
	s0 =	simm.s32 @!p0 $0x0  }
0x12: {  	s1 =	sld [smem:$0x3F88];
	s0 =	simm.s32 @p0 $0x1  }
0x13: {  	[smem:$0x3FA3] =	sst s0;
	s0 =	simm.s32 @!p1 $0x0  }
0x14: {  	s2 =	sld [smem:$0x3F87];
	s0 =	simm.s32 @p1 $0x1  }
0x15: {  	[smem:$0x3FA4] =	sst s0;
	s0 =	simm.s32 @!p2 $0x0  }
0x16: {  	s3 =	sld [smem:$0x3FDB];
	s0 =	simm.s32 @p2 $0x1  }
0x17: {  	s4 =	simm.s32 $0x1BF5;
	[smem:$0x3FA6] =	sst s0  }
0x18: {  	s0 =	sld [smem:$0x3F89];
	_ =	swait.ge [sflag:s4], $0x0  }
0x19: {  	s7 =	sld [smem:$0x3F8A]  }
0x1a: {  	s8 =	sadd.s32 $0xFFFFE003, lr  }
0x1b: {  	s9 =	sadd.s32 $0xFFFFFEF7, lr;
	s5 =	simm.s32 $0xFFFFFFFF;
	p2 =	slt.u32 s8, $0xFFFFF086  }
0x1c: {  	p1 =	slt.u32 s9, $0xF7A;
	s5 =	simm.s32 @!p2 $0x0  }
0x1d: {  	s5 =	simm.s32 @p1 $0x1;
	p0 =	seq.s32 s7, s2  }
0x1e: {  	s7 =	smul.u32 @!p0 $0xF7A, s2;
	p2 =	seq.s32 @!p0 s5, $0x0  }
0x1f: {  	s9 =	smul.u32 $0xF7A, s1;
	s8 =	simm.s32 @!p0 $0x1BF5;
	p2 =	por !p2, p0  }
0x20: {  	[sflag:s8] =	ssyncset.s32 @!p0 $0xFFFFF086;
	s6 =	sadd.s32 @!p0 s3, s7;
	s7 =	simm.s32 @!p0 $0x108  }
0x21: {  	s3 =	sadd.s32 s3, s9;
	s6 =	sadd.s32 @!p0 $0x88, s6;
	s7 =	simm.s32 @p2 $0x1082  }
0x22: {  	[simem:s7], [sflag:s8] =	dma.local @!p0 [hbm:s6], $0xF7A  }
0x23: {  	s9 =	sor.u32 $0xD0000000, s2;
	s6 =	simm.s32 $0x108;
	_ =	swait.ge @!p0 [sflag:s8], $0x0  }
0x24: {  	s3 =	sadd.s32 $0x88, s3;
	s6 =	simm.s32 @!p1 $0x1082;
	[sflag:s4] =	ssyncset.s32 $0xFFFFF086  }
0x25: {  	[simem:s6], [sflag:s4] =	dma.local [hbm:s3], $0xF7A  }
0x26: {  	[smem:$0x3F8A] =	sst s1;
	(tag) =	ssettag s2;
	_ =	strace s9  }
0x27: {  	s1 =	sld [smem:$0x3F9A]  }
0x28: {  	s2 =	sld [smem:$0x3F9B]  }
0x29: {  	s4 =	sld [smem:$0x3F9D]  }
0x2a: {  	p0 =	seq.s32 s5, $0x0;
	s5 =	sld [smem:$0x3F9E]  }
0x2b: {  	s6 =	sld [smem:$0x3F9F]  }
0x2c: {  	s7 =	sld [smem:$0x3FA0]  }
0x2d: {  	s3 =	simm.s32 $0x108;
	s8 =	sld [smem:$0x3FA1]  }
0x2e: {  	s3 =	simm.s32 @!p0 $0x1082;
	s9 =	sld [smem:$0x3FA2]  }
0x2f: {  	lr =	sadd.s32 s0, s3;
	s0 =	sld [smem:$0x3F99]  }
0x30: {  	s3 =	sld [smem:$0x3F9C]  }
0x31: {  	[smem:$0x3FA5] =	sst s10  }
0x32: {  	s10 =	sld [smem:$0x3FA3];
	_ =	sdelay $0x3  }
0x33: {  	p0 =	seq.s32 s10, $0x1;
	s10 =	sld [smem:$0x3FA5];
	_ =	sdelay $0x3  }
0x34: {  	[smem:$0x3FA5] =	sst s10  }
0x35: {  	s10 =	sld [smem:$0x3FA4];
	_ =	sdelay $0x3  }
0x36: {  	p1 =	seq.s32 s10, $0x1;
	s10 =	sld [smem:$0x3FA5];
	_ =	sdelay $0x3  }
0x37: {  	[smem:$0x3FA5] =	sst s10  }
0x38: {  	s10 =	sld [smem:$0x3FA6]  }
0x39: {  	_ = 	snop;
	(pc) =	sbr.ind lr, $3  }
0x3a: {  	_ = 	snop  }
0x3b: {  	_ = 	snop  }
0x3c: {  	p2 =	seq.s32 s10, $0x1;
	s10 =	sld [smem:$0x3FA5]  }
0x3d: {  	_ =	shalt  }
0x3e: {  	_ =	shalt  }
0x3f: {  	_ =	shalt  }
0x40: {  	_ =	shalt  }
0x41: {  	_ =	shalt  }
0x42: {  	_ =	shalt  }
0x43: {  	_ =	shalt  }
0x44: {  	_ =	shalt  }
0x45: {  	_ =	shalt  }
0x46: {  	_ =	shalt  }
0x47: {  	_ =	shalt  }
0x48: {  	_ =	shalt  }
0x49: {  	_ =	shalt  }
0x4a: {  	_ =	shalt  }
0x4b: {  	_ =	shalt  }
0x4c: {  	_ =	shalt  }
0x4d: {  	_ =	shalt  }
0x4e: {  	_ =	shalt  }
0x4f: {  	_ =	shalt  }
0x50: {  	_ =	shalt  }
0x51: {  	_ =	shalt  }
0x52: {  	_ =	shalt  }
0x53: {  	_ =	shalt  }
0x54: {  	_ =	shalt  }
0x55: {  	_ =	shalt  }
0x56: {  	_ =	shalt  }
0x57: {  	_ =	shalt  }
0x58: {  	_ =	shalt  }
0x59: {  	_ =	shalt  }
0x5a: {  	_ =	shalt  }
0x5b: {  	_ =	shalt  }
0x5c: {  	_ =	shalt  }
0x5d: {  	_ =	shalt  }
0x5e: {  	_ =	shalt  }
0x5f: {  	_ =	shalt  }
0x60: {  	_ =	shalt  }
0x61: {  	_ =	shalt  }
0x62: {  	_ =	shalt  }
0x63: {  	_ =	shalt  }
0x64: {  	_ =	shalt  }
0x65: {  	_ =	shalt  }
0x66: {  	_ =	shalt  }
0x67: {  	_ =	shalt  }
0x68: {  	_ =	shalt  }
0x69: {  	_ =	shalt  }
0x6a: {  	_ =	shalt  }
0x6b: {  	_ =	shalt  }
0x6c: {  	_ =	shalt  }
0x6d: {  	_ =	shalt  }
0x6e: {  	_ =	shalt  }
0x6f: {  	_ =	shalt  }
0x70: {  	_ =	shalt  }
0x71: {  	_ =	shalt  }
0x72: {  	_ =	shalt  }
0x73: {  	_ =	shalt  }
0x74: {  	_ =	shalt  }
0x75: {  	_ =	shalt  }
0x76: {  	_ =	shalt  }
0x77: {  	_ =	shalt  }
0x78: {  	_ =	shalt  }
0x79: {  	_ =	shalt  }
0x7a: {  	_ =	shalt  }
0x7b: {  	_ =	shalt  }
0x7c: {  	_ =	shalt  }
0x7d: {  	_ =	shalt  }
0x7e: {  	_ =	shalt  }
0x7f: {  	_ =	shalt  }
0x80: {  	_ =	shalt  }
0x81: {  	_ =	shalt  }
0x82: {  	_ =	shalt  }
0x83: {  	_ =	shalt  }
0x84: {  	_ =	shalt  }
0x85: {  	_ =	shalt  }
0x86: {  	_ =	shalt  }
0x87: {  	_ =	shalt  }
.Lfunc_end0:
.L_simem_size_0:
called_computation_lowered:
.L_overlay_start_0:
0x88: {  	s2 =	sld [smem:$0x3FD9]  }
0x89: {  	s3 =	sld [smem:$0x3FFE];
	_ =	sdelay $0x1  }
0x8a: {  	s1 =	srdreg.scid  }
0x8b: {  	s0 =	sand.u32 $0x1, s1  }
0x8c: {  	s17 =	sshll.u32 s0, $0xA;
	s2 =	sadd.s32 s3, s2  }
0x8d: {  	s2 =	sadd.s32 s2, s17  }
0x8e: {  	[smem:$0x3FB1] =	sst s2  }
0x8f: {  	_ = 	snop  }
0x90: {  	(tm) =	ssettm $0x1  }
0x91: {  	s18 =	sld [smem:$0x3FFB];
	_ =	sdelay $0x3  }
0x92: {  	_ =	strace s18  }
0x93: {  	s2 =	sld [smem:$0x3FFC];
	_ =	sdelay $0x3  }
0x94: {  	_ =	strace s2  }
0x95: {  	s2 =	sld [smem:$0x3FFD];
	_ =	sdelay $0x3  }
0x96: {  	_ =	strace s2  }
0x97: {  	_ =	strace $0x8FFFFFFF  }
0x98: {  	s19 =	sld [smem:$0x3FDB];
	_ =	sdelay $0x1  }
0x99: {  	s20 =	simm.s32 $_scs_section_size  }
0x9a: {  	s4 =	simm.s32 $_size__tile_overlayer_lowered;
	s5 =	simm.s32 $_tile_overlayer_lowered  }
0x9b: {  	s6 =	simm.s32 $0x1BFF;
	s21 =	sshll.u32 s5, $0x1;
	s3 =	sadd.s32 s20, s19  }
0x9c: {  	s22 =	simm.s32 $0x0;
	s4 =	sshll.u32 s4, $0x1;
	s5 =	sadd.s32 s21, s3  }
0x9d: {  	[timem:s22], [sflag:s6] =	dma.local [hbm:s5], s4  }
0x9e: {  	_ =	swait.ge [sflag:s6], s4  }
0x9f: {  	s4 =	ssub.s32 $0x0, s4;
	[sflag:s6] =	ssyncset.done $0x0  }
0xa0: {  	[sflag:s6] =	ssyncadd.s32 s4;
	_ =	sdelay $0x1  }
0xa1: {  	s23 =	simm.s32 $0x1B8B  }
0xa2: {  	_ =	swait.ge [sflag:s23], $0x1  }
0xa3: {  	[sflag:s23] =	ssyncset.done $0x0  }
0xa4: {  	[sflag:s23] =	ssyncadd.s32 $0xFFFFFFFF  }
0xa5: {  	s4 =	sld [smem:$0x0]  }
0xa6: {  	s5 =	sand.u32 $0xFFFFFFFE, s1  }
0xa7: {  	p0 =	sne.s32 s1, s5  }
0xa8: {  	s5 =	sshll.u32 @p0 s5, $0xE  }
0xa9: {  	s5 =	sadd.s32 @p0 $0x11B8D, s5;
	s6 =	sshll.u32 @p0 s4, $0x11  }
0xaa: {  	s5 =	sor.u32 @p0 s6, s5  }
0xab: {  	[sflag:s5] =	ssyncadd.remote.s32 @p0 $0x1;
	_ =	sdelay $0x1  }
0xac: {  	s5 =	simm.s32 @p0 $0x1B8D  }
0xad: {  	_ =	swait.eq @p0 [sflag:s5], $0x1  }
0xae: {  	[sflag:s5] =	ssyncadd.s32 @p0 $0xFFFFFFFF  }
0xaf: {  	s6 =	sshll.u32 @!p0 s1, $0xE  }
0xb0: {  	s6 =	sor.u32 @!p0 $0x4000, s6;
	s5 =	simm.s32 @!p0 $0x1B8D  }
0xb1: {  	s4 =	sshll.u32 @!p0 s4, $0x11;
	s6 =	sadd.s32 @!p0 $0x11B8D, s6;
	_ =	swait.eq @!p0 [sflag:s5], $0x1  }
0xb2: {  	s4 =	sor.u32 @!p0 s4, s6;
	[sflag:s5] =	ssyncadd.s32 @!p0 $0xFFFFFFFF  }
0xb3: {  	s25 =	simm.s32 $0x1B8E;
	s24 =	sld [smem:$0x3FFE];
	[sflag:s4] =	ssyncadd.remote.s32 @!p0 $0x1  }
0xb4: {  	s26 =	simm.s32 $execute0_lowered;
	[smem:$0x3FD2] =	sst s25  }
0xb5: {  	s5 =	sshll.u32 s26, $0x1;
	_ =	strace $0x80000049;
	[dreg:$0x1] =	wrdreg $0xFFFFFFFF  }
0xb6: {  	s28 =	simm.s32 $_size_execute0_lowered;
	s3 =	sadd.s32 s3, s5;
	[dreg:$0x0] =	wrdreg $0x0  }
0xb7: {  	s5 =	sshll.u32 s28, $0x1;
	[dreg:$0x2] =	wrdreg s3  }
0xb8: {  	[dreg:$0x3] =	wrdreg s5  }
0xb9: {  	[dreg:$0x4] =	wrdreg $0xC0  }
0xba: {  	_ =	task [dreg:s22], $0x5FFFF  }
0xbb: {  	[dreg:$0x1] =	wrdreg $0xFFFFFFFF  }
0xbc: {  	[dreg:$0x0] =	wrdreg $0x60  }
0xbd: {  	[dreg:$0x2] =	wrdreg s24  }
0xbe: {  	[dreg:$0x3] =	wrdreg $0x68000  }
0xbf: {  	[dreg:$0x4] =	wrdreg $0x9  }
0xc0: {  	_ =	task.clear_ibuf [dreg:s22], $0x5FFFF;
	_ =	strace $0x90000049  }
0xc1: {  	s29 =	simm.s32 $0x9;
	_ =	strace $0x8000004B  }
0xc2: {  	_ =	swait.ge [sflag:s29], $0x1  }
0xc3: {  	[sflag:s29] =	ssyncadd.s32 $0xFFFFFFFF  }
0xc4: {  	_ =	strace $0x9000004B  }
0xc5: {  	_ =	sfence  }
0xc6: {  	s30 =	sld [smem:$0x0];
	_ =	sdelay $0x2  }
0xc7: {  	s31 =	sshll.u32 s1, $0xD;
	s1 =	sshrl.u32 s1, $0x2  }
0xc8: {  	s4 =	sand.u32 $0x4000, s31;
	s1 =	sadd.s32 s1, s30  }
0xc9: {  	s0 =	sor.u32 s4, s0;
	s1 =	sshll.u32 s1, $0x11  }
0xca: {  	s0 =	sor.u32 s1, s0  }
0xcb: {  	s0 =	sadd.s32 $0x8F2B, s0  }
0xcc: {  	[sflag:s0] =	ssyncadd.remote.s32 $0x1  }
0xcd: {  	_ =	sfence.sel $0xFFFF  }
0xce: {  	[dreg:$0x0] =	wrdreg $0xFFFFFFFF;
	(pc) =	sbr.abs _section_cstart, $3  }
0xcf: {  	[dreg:$0x1] =	wrdreg $0xFFFFFFFF  }
0xd0: {  	_ =	task.clear_ibuf [dreg:s22], $0x2FFFF;
	_ =	strace $0x9FFFFFFF  }
0xd1: {  	(tm) =	ssettm $0x7FFFFFFF  }
tec
execute0_lowered:
.L_overlay_start_1:
0x0: {  	(tag) =	ssettag $0x1  }
0x1: {  	s1 =	srdreg.scid  }
0x2: {  	s0 =	stileid.u32;
	s5 =	rddreg [dreg:$0x0]  }
0x3: {  	s2 =	rddreg [dreg:$0x1];
	s3 =	simm.s32 $0x0;
	s14 =	simm.s32 $0x1  }
0x4: {  	s15 =	simm.s32 $0x0;
	s4 =	sand.u32 $0x1, s1;
	s7 =	smul.u32 $0x13C00, s0  }
0x5: {  	s24 =	sshll.u32 s0, $0x1;
	[smem:$0x7FF] =	sst s3;
	s28 =	smul.u32 $0x4F000, s0  }
0x6: {  	s31 =	sshll.u32 s0, $0x6;
	s1 =	sor.u32 s4, s24;
	s8 =	smul.u32 $0x13C000, s4  }
0x7: {  	s26 =	ssub.s32 $0x2, s4;
	s4 =	sadd.s32 $0x85600, s5;
	s6 =	smul.u32 $0x500, s1  }
0x8: {  	s1 =	rddreg [dreg:$0x2];
	_ =	strace $0x8000004A;
	s9 =	sshrl.u32 s7, $0x3  }
0x9: {  	s29 =	sshrl.u32 s26, $0x1;
	s30 =	sshrl.u32 s28, $0x2;
	s25 =	sadd.s32 s9, s5  }
0xa: {  	s7 =	sadd.s32 s7, s8;
	s12 =	ssub.s32 s26, s29;
	s13 =	sadd.s32 s30, s2  }
0xb: {  	s10 =	sadd.s32 s6, s5;
	s7 =	sshrl.u32 s7, $0x3;
	s6 =	sor.u32 $0x1C02, s31  }
0xc: {  	s9 =	smax.u32 s12, $0x1;
	s12 =	simm.s32 $0x2800;
	s11 =	sadd.s32 s7, s5  }
0xd: {  	s5 =	sadd.s32 $0xEE00, s25;
	s7 =	sadd.s32 $0x4E00, s10;
	s10 =	sshrl.u32 s13, $0x3  }
0xe: {  	s13 =	simm.s32 $0x80;
	s8 =	sadd.s32 $0x85E00, s11;
	s11 =	simm.s32 $0x2  }
.LBB2_1:
0xf: {  	[spmem:s10], [sflag:s6] =	dma.local [hbm:s5], $0x2780  }
0x10: {  	_ =	swait.ge [sflag:s11], $0x2780  }
0x11: {  	[sflag:s11] =	ssyncset.done $0x0  }
0x12: {  	[sflag:s11] =	ssyncadd.s32 $0xFFFFD880  }
0x13: {  	[tilespmem:s12], [sflag:$0x2] =	stream.linear.gather [hbm4b:s4+s3], $0x4000, $0x38;
	[tilespmem:$0x1A400] =	vst v63  }
0x14: {  	_ =	swait.ge [sflag:s11], $0x4000  }
0x15: {  	[sflag:s11] =	ssyncset.done $0x0  }
0x16: {  	[sflag:s11] =	ssyncadd.s32 $0xFFFFC000  }
0x17: {  	[tilespmem:s3], [sflag:$0x2] =	stream.linear.gather [hbm4b:s7+s3], $0x2800, $0x38;
	[tilespmem:$0x1A400] =	vst v63  }
0x18: {  	_ =	swait.ge [sflag:s11], $0x2800  }
0x19: {  	[sflag:s11] =	ssyncset.done $0x0  }
0x1a: {  	[sflag:s11] =	ssyncadd.s32 $0xFFFFD800  }
0x1b: {  	s16 =	simm.s32 $0x0;
	[bflag:$0x0] =	sbarrier.arrive $0xFFFF  }
0x1c: {  	[spmem:s2] =	stream.indirect.scatter.add.f32 [tilespmem:s12], [sflag:$0x1], $0x80, s16, s13, $0xb8;
	[tilespmem:$0x1A400] =	vst v63  }
0x1d: {  	s24 =	simm.s32 $0x80  }
0x1e: {  	[spmem:s2] =	stream.indirect.scatter.add.f32 [tilespmem:s12], [sflag:$0x1], $0x80, s24, s13, $0xb8;
	[tilespmem:$0x1A400] =	vst v63  }
0x1f: {  	s25 =	simm.s32 $0x100  }
0x20: {  	[spmem:s2] =	stream.indirect.scatter.add.f32 [tilespmem:s12], [sflag:$0x1], $0x80, s25, s13, $0xb8;
	[tilespmem:$0x1A400] =	vst v63  }
0x21: {  	s26 =	simm.s32 $0x180  }
0x22: {  	[spmem:s2] =	stream.indirect.scatter.add.f32 [tilespmem:s12], [sflag:$0x1], $0x80, s26, s13, $0xb8;
	[tilespmem:$0x1A400] =	vst v63  }
0x23: {  	s28 =	simm.s32 $0x200  }
0x24: {  	[spmem:s2] =	stream.indirect.scatter.add.f32 [tilespmem:s12], [sflag:$0x1], $0x80, s28, s13, $0xb8;
	[tilespmem:$0x1A400] =	vst v63  }
0x25: {  	s29 =	simm.s32 $0x280  }
0x26: {  	[spmem:s2] =	stream.indirect.scatter.add.f32 [tilespmem:s12], [sflag:$0x1], $0x80, s29, s13, $0xb8;
	[tilespmem:$0x1A400] =	vst v63  }
0x27: {  	s30 =	simm.s32 $0x300  }
0x28: {  	[spmem:s2] =	stream.indirect.scatter.add.f32 [tilespmem:s12], [sflag:$0x1], $0x80, s30, s13, $0xb8;
	[tilespmem:$0x1A400] =	vst v63  }
0x29: {  	s31 =	simm.s32 $0x380  }
0x2a: {  	[spmem:s2] =	stream.indirect.scatter.add.f32 [tilespmem:s12], [sflag:$0x1], $0x80, s31, s13, $0xb8;
	[tilespmem:$0x1A400] =	vst v63  }
0x2b: {  	_ =	swait.ge [sflag:s14], $0x4000  }
0x2c: {  	[sflag:s14] =	ssyncset.done $0x0  }
0x2d: {  	[sflag:s14] =	ssyncadd.s32 $0xFFFFC000  }
0x2e: {  	_ =	swait.ge [sflag:s14], $0x4000  }
0x2f: {  	[sflag:s14] =	ssyncset.done $0x0  }
0x30: {  	[sflag:s14] =	ssyncadd.s32 $0xFFFFC000  }
0x31: {  	_ =	swait.ge [sflag:s14], $0x4000  }
0x32: {  	[sflag:s14] =	ssyncset.done $0x0  }
0x33: {  	[sflag:s14] =	ssyncadd.s32 $0xFFFFC000  }
0x34: {  	_ =	swait.ge [sflag:s14], $0x4000  }
0x35: {  	[sflag:s14] =	ssyncset.done $0x0  }
0x36: {  	[sflag:s14] =	ssyncadd.s32 $0xFFFFC000  }
0x37: {  	_ =	swait.ge [sflag:s14], $0x4000  }
0x38: {  	[sflag:s14] =	ssyncset.done $0x0  }
0x39: {  	[sflag:s14] =	ssyncadd.s32 $0xFFFFC000  }
0x3a: {  	_ =	swait.ge [sflag:s14], $0x4000  }
0x3b: {  	[sflag:s14] =	ssyncset.done $0x0  }
0x3c: {  	[sflag:s14] =	ssyncadd.s32 $0xFFFFC000  }
0x3d: {  	_ =	swait.ge [sflag:s14], $0x4000  }
0x3e: {  	[sflag:s14] =	ssyncset.done $0x0  }
0x3f: {  	[sflag:s14] =	ssyncadd.s32 $0xFFFFC000  }
0x40: {  	_ =	swait.ge [sflag:s14], $0x4000  }
0x41: {  	s18 =	simm.s32 $0x2000;
	s16 =	simm.s32 $0x1000;
	[sflag:s14] =	ssyncset.done $0x0  }
.LBB2_2:
0x42: {  	s19 =	sshra.s32 s16, $0x2  }
0x43: {  	[sflag:s14] =	ssyncadd.s32 $0xFFFFC000;
	s16 =	smov.u32 s18;
	s17 =	sadd.s32 $0x1000, s18  }
0x44: {  	[spmem:s2] =	stream.indirect.scatter.add.f32 [tilespmem:s12], [sflag:$0x1], $0x80, s19, s13, $0xb8;
	[tilespmem:$0x1A400] =	vst v63  }
0x45: {  	p0 =	sne.s32 s18, $0x9000;
	s18 =	sadd.s32 $0x80, s19  }
0x46: {  	[spmem:s2] =	stream.indirect.scatter.add.f32 [tilespmem:s12], [sflag:$0x1], $0x80, s18, s13, $0xb8;
	[tilespmem:$0x1A400] =	vst v63  }
0x47: {  	s18 =	sadd.s32 $0x100, s19  }
0x48: {  	[spmem:s2] =	stream.indirect.scatter.add.f32 [tilespmem:s12], [sflag:$0x1], $0x80, s18, s13, $0xb8;
	[tilespmem:$0x1A400] =	vst v63  }
0x49: {  	s18 =	sadd.s32 $0x180, s19  }
0x4a: {  	[spmem:s2] =	stream.indirect.scatter.add.f32 [tilespmem:s12], [sflag:$0x1], $0x80, s18, s13, $0xb8;
	[tilespmem:$0x1A400] =	vst v63  }
0x4b: {  	s18 =	sadd.s32 $0x200, s19  }
0x4c: {  	[spmem:s2] =	stream.indirect.scatter.add.f32 [tilespmem:s12], [sflag:$0x1], $0x80, s18, s13, $0xb8;
	[tilespmem:$0x1A400] =	vst v63  }
0x4d: {  	s18 =	sadd.s32 $0x280, s19  }
0x4e: {  	[spmem:s2] =	stream.indirect.scatter.add.f32 [tilespmem:s12], [sflag:$0x1], $0x80, s18, s13, $0xb8;
	[tilespmem:$0x1A400] =	vst v63  }
0x4f: {  	s18 =	sadd.s32 $0x300, s19  }
0x50: {  	[spmem:s2] =	stream.indirect.scatter.add.f32 [tilespmem:s12], [sflag:$0x1], $0x80, s18, s13, $0xb8;
	[tilespmem:$0x1A400] =	vst v63  }
0x51: {  	s18 =	sadd.s32 $0x380, s19  }
0x52: {  	[spmem:s2] =	stream.indirect.scatter.add.f32 [tilespmem:s12], [sflag:$0x1], $0x80, s18, s13, $0xb8;
	[tilespmem:$0x1A400] =	vst v63  }
0x53: {  	_ =	swait.ge [sflag:s14], $0x4000  }
0x54: {  	[sflag:s14] =	ssyncset.done $0x0  }
0x55: {  	[sflag:s14] =	ssyncadd.s32 $0xFFFFC000  }
0x56: {  	_ =	swait.ge [sflag:s14], $0x4000  }
0x57: {  	[sflag:s14] =	ssyncset.done $0x0  }
0x58: {  	[sflag:s14] =	ssyncadd.s32 $0xFFFFC000  }
0x59: {  	_ =	swait.ge [sflag:s14], $0x4000  }
0x5a: {  	[sflag:s14] =	ssyncset.done $0x0  }
0x5b: {  	[sflag:s14] =	ssyncadd.s32 $0xFFFFC000  }
0x5c: {  	_ =	swait.ge [sflag:s14], $0x4000  }
0x5d: {  	[sflag:s14] =	ssyncset.done $0x0  }
0x5e: {  	[sflag:s14] =	ssyncadd.s32 $0xFFFFC000  }
0x5f: {  	_ =	swait.ge [sflag:s14], $0x4000  }
0x60: {  	[sflag:s14] =	ssyncset.done $0x0  }
0x61: {  	[sflag:s14] =	ssyncadd.s32 $0xFFFFC000  }
0x62: {  	_ =	swait.ge [sflag:s14], $0x4000  }
0x63: {  	[sflag:s14] =	ssyncset.done $0x0  }
0x64: {  	[sflag:s14] =	ssyncadd.s32 $0xFFFFC000  }
.Ltmp0:
0x65: {  	_ =	swait.ge [sflag:s14], $0x4000;
	(pc) =	sbr.rel @p0 .LBB2_2-.Ltmp0, $4  }
0x66: {  	[sflag:s14] =	ssyncset.done $0x0  }
0x67: {  	[sflag:s14] =	ssyncadd.s32 $0xFFFFC000  }
0x68: {  	_ =	swait.ge [sflag:s14], $0x4000  }
0x69: {  	s18 =	smov.u32 s17;
	[sflag:s14] =	ssyncset.done $0x0  }
0x6a: {  	s16 =	sshra.s32 s16, $0x2;
	[sflag:s14] =	ssyncadd.s32 $0xFFFFC000  }
0x6b: {  	[spmem:s2] =	stream.indirect.scatter.add.f32 [tilespmem:s12], [sflag:$0x1], $0x80, s16, s13, $0xb8;
	[tilespmem:$0x1A400] =	vst v63  }
0x6c: {  	s17 =	sadd.s32 $0x80, s16  }
0x6d: {  	[spmem:s2] =	stream.indirect.scatter.add.f32 [tilespmem:s12], [sflag:$0x1], $0x80, s17, s13, $0xb8;
	[tilespmem:$0x1A400] =	vst v63  }
0x6e: {  	s26 =	sadd.s32 $0x100, s16  }
0x6f: {  	[spmem:s2] =	stream.indirect.scatter.add.f32 [tilespmem:s12], [sflag:$0x1], $0x80, s26, s13, $0xb8;
	[tilespmem:$0x1A400] =	vst v63  }
0x70: {  	s28 =	sadd.s32 $0x180, s16  }
0x71: {  	[spmem:s2] =	stream.indirect.scatter.add.f32 [tilespmem:s12], [sflag:$0x1], $0x80, s28, s13, $0xb8;
	[tilespmem:$0x1A400] =	vst v63  }
0x72: {  	s29 =	sadd.s32 $0x200, s16  }
0x73: {  	[spmem:s2] =	stream.indirect.scatter.add.f32 [tilespmem:s12], [sflag:$0x1], $0x80, s29, s13, $0xb8;
	[tilespmem:$0x1A400] =	vst v63  }
0x74: {  	s30 =	sadd.s32 $0x280, s16  }
0x75: {  	[spmem:s2] =	stream.indirect.scatter.add.f32 [tilespmem:s12], [sflag:$0x1], $0x80, s30, s13, $0xb8;
	[tilespmem:$0x1A400] =	vst v63  }
0x76: {  	s31 =	sadd.s32 $0x300, s16  }
0x77: {  	[spmem:s2] =	stream.indirect.scatter.add.f32 [tilespmem:s12], [sflag:$0x1], $0x80, s31, s13, $0xb8;
	[tilespmem:$0x1A400] =	vst v63  }
0x78: {  	s16 =	sadd.s32 $0x380, s16  }
0x79: {  	[spmem:s2] =	stream.indirect.scatter.add.f32 [tilespmem:s12], [sflag:$0x1], $0x80, s16, s13, $0xb8;
	[tilespmem:$0x1A400] =	vst v63  }
0x7a: {  	_ =	swait.ge [sflag:s14], $0x4000  }
0x7b: {  	[sflag:s14] =	ssyncset.done $0x0  }
0x7c: {  	[sflag:s14] =	ssyncadd.s32 $0xFFFFC000  }
0x7d: {  	_ =	swait.ge [sflag:s14], $0x4000  }
0x7e: {  	[sflag:s14] =	ssyncset.done $0x0  }
0x7f: {  	[sflag:s14] =	ssyncadd.s32 $0xFFFFC000  }
0x80: {  	_ =	swait.ge [sflag:s14], $0x4000  }
0x81: {  	[sflag:s14] =	ssyncset.done $0x0  }
0x82: {  	[sflag:s14] =	ssyncadd.s32 $0xFFFFC000  }
0x83: {  	_ =	swait.ge [sflag:s14], $0x4000  }
0x84: {  	[sflag:s14] =	ssyncset.done $0x0  }
0x85: {  	[sflag:s14] =	ssyncadd.s32 $0xFFFFC000  }
0x86: {  	_ =	swait.ge [sflag:s14], $0x4000  }
0x87: {  	[sflag:s14] =	ssyncset.done $0x0  }
0x88: {  	[sflag:s14] =	ssyncadd.s32 $0xFFFFC000  }
0x89: {  	_ =	swait.ge [sflag:s14], $0x4000  }
0x8a: {  	[sflag:s14] =	ssyncset.done $0x0  }
0x8b: {  	[sflag:s14] =	ssyncadd.s32 $0xFFFFC000  }
0x8c: {  	_ =	swait.ge [sflag:s14], $0x4000  }
0x8d: {  	[sflag:s14] =	ssyncset.done $0x0  }
0x8e: {  	[sflag:s14] =	ssyncadd.s32 $0xFFFFC000  }
0x8f: {  	_ =	swait.ge [sflag:s14], $0x4000  }
0x90: {  	s15 =	sadd.s32 $0x1, s15;
	[sflag:s14] =	ssyncset.done $0x0  }
0x91: {  	p0 =	sne.s32 s15, s9;
	[sflag:s14] =	ssyncadd.s32 $0xFFFFC000  }
.Ltmp1:
0x92: {  	[bflag:$0x0] =	sbarrier.arrive $0xFFFF;
	(pc) =	sbr.rel @p0 .LBB2_1-.Ltmp1, $4  }
0x93: {  	[hbm:s8], [sflag:s6] =	dma.local [spmem:s10], $0x2780  }
0x94: {  	_ =	swait.ge [sflag:s11], $0x2780  }
0x95: {  	[sflag:s11] =	ssyncset.done $0x0  }
0x96: {  	[sflag:s11] =	ssyncadd.s32 $0xFFFFD880  }
0x97: {  	_ =	sfence.sel $0x180000  }
0x98: {  	[bflag:$0x0] =	sbarrier.arrive $0xFFFF  }
0x99: {  	p0 =	sne.s32 s0, $0x0;
	_ =	strace $0x9000004A  }
0x9a: {  	s0 =	sadd.s32 @!p0 $0x100000, s1;
	[bflag:$0x2] =	sbarrier.arrive $0xFFFF  }
0x9b: {  	[sflag:s0] =	ssyncadd.tile.s32 @!p0 $0x1;
	_ =	shalt  }
.Lfunc_end2:
_tile_overlayer_lowered:
.L_overlay_start_2:
0x9c: {  	(tag) =	ssettag $0x2  }
0x9d: {  	s0 =	rddreg [dreg:$0x0];
	s2 =	stileid.u32  }
0x9e: {  	s1 =	rddreg [dreg:$0x1];
	p0 =	sne.s32 s2, $0x0  }
0x9f: {  	s3 =	rddreg [dreg:$0x2];
	[bflag:$0x3] =	sbarrier.arrive $0xFFFF;
	s2 =	simm.s32 @!p0 $0x1C02  }
0xa0: {  	[timem:s3], [sflag:s2] =	dma.local @!p0 [hbm:s0], s1  }
0xa1: {  	s0 =	simm.s32 @!p0 $0x2  }
0xa2: {  	_ =	swait.ge @!p0 [sflag:s0], s1  }
0xa3: {  	s1 =	ssub.s32 @!p0 $0x0, s1;
	[sflag:s0] =	ssyncset.done @!p0 $0x0  }
0xa4: {  	[sflag:s0] =	ssyncadd.s32 @!p0 s1  }
0xa5: {  	[bflag:$0x3] =	sbarrier.arrive $0xFFFF  }
0xa6: {  	_ =	shalt  }

// kernel: kernel.13.cloned.1.call-start
scs
__scs_entry_jumppad:
0x0: {  	(pc) =	sbr.rel $0x88, $3  }
0x1: {  	(tag) =	ssettag $0x0;
	lr =	simm.s32 $0x1  }
0x2: {  	[smem:$0x3F8A] =	sst lr;
	_ =	strace $0xD0000000  }
0x3: {  	_ = 	snop  }
0x4: {  	_ = 	snop  }
0x5: {  	_ = 	snop  }
0x6: {  	_ = 	snop  }
0x7: {  	_ = 	snop  }
__scs_overlays_trampoline_lowered:
0x8: {  	[smem:$0x3F99] =	sst s0  }
0x9: {  	[smem:$0x3F9A] =	sst s1  }
0xa: {  	[smem:$0x3F9B] =	sst s2  }
0xb: {  	[smem:$0x3F9C] =	sst s3  }
0xc: {  	[smem:$0x3F9D] =	sst s4  }
0xd: {  	[smem:$0x3F9E] =	sst s5  }
0xe: {  	[smem:$0x3F9F] =	sst s6  }
0xf: {  	[smem:$0x3FA0] =	sst s7  }
0x10: {  	[smem:$0x3FA1] =	sst s8  }
0x11: {  	[smem:$0x3FA2] =	sst s9;
	s0 =	simm.s32 @!p0 $0x0  }
0x12: {  	s1 =	sld [smem:$0x3F88];
	s0 =	simm.s32 @p0 $0x1  }
0x13: {  	[smem:$0x3FA3] =	sst s0;
	s0 =	simm.s32 @!p1 $0x0  }
0x14: {  	s2 =	sld [smem:$0x3F87];
	s0 =	simm.s32 @p1 $0x1  }
0x15: {  	[smem:$0x3FA4] =	sst s0;
	s0 =	simm.s32 @!p2 $0x0  }
0x16: {  	s3 =	sld [smem:$0x3FDB];
	s0 =	simm.s32 @p2 $0x1  }
0x17: {  	s4 =	simm.s32 $0x1BF5;
	[smem:$0x3FA6] =	sst s0  }
0x18: {  	s0 =	sld [smem:$0x3F89];
	_ =	swait.ge [sflag:s4], $0x0  }
0x19: {  	s7 =	sld [smem:$0x3F8A]  }
0x1a: {  	s8 =	sadd.s32 $0xFFFFE003, lr  }
0x1b: {  	s9 =	sadd.s32 $0xFFFFFEF7, lr;
	s5 =	simm.s32 $0xFFFFFFFF;
	p2 =	slt.u32 s8, $0xFFFFF086  }
0x1c: {  	p1 =	slt.u32 s9, $0xF7A;
	s5 =	simm.s32 @!p2 $0x0  }
0x1d: {  	s5 =	simm.s32 @p1 $0x1;
	p0 =	seq.s32 s7, s2  }
0x1e: {  	s7 =	smul.u32 @!p0 $0xF7A, s2;
	p2 =	seq.s32 @!p0 s5, $0x0  }
0x1f: {  	s9 =	smul.u32 $0xF7A, s1;
	s8 =	simm.s32 @!p0 $0x1BF5;
	p2 =	por !p2, p0  }
0x20: {  	[sflag:s8] =	ssyncset.s32 @!p0 $0xFFFFF086;
	s6 =	sadd.s32 @!p0 s3, s7;
	s7 =	simm.s32 @!p0 $0x108  }
0x21: {  	s3 =	sadd.s32 s3, s9;
	s6 =	sadd.s32 @!p0 $0x88, s6;
	s7 =	simm.s32 @p2 $0x1082  }
0x22: {  	[simem:s7], [sflag:s8] =	dma.local @!p0 [hbm:s6], $0xF7A  }
0x23: {  	s9 =	sor.u32 $0xD0000000, s2;
	s6 =	simm.s32 $0x108;
	_ =	swait.ge @!p0 [sflag:s8], $0x0  }
0x24: {  	s3 =	sadd.s32 $0x88, s3;
	s6 =	simm.s32 @!p1 $0x1082;
	[sflag:s4] =	ssyncset.s32 $0xFFFFF086  }
0x25: {  	[simem:s6], [sflag:s4] =	dma.local [hbm:s3], $0xF7A  }
0x26: {  	[smem:$0x3F8A] =	sst s1;
	(tag) =	ssettag s2;
	_ =	strace s9  }
0x27: {  	s1 =	sld [smem:$0x3F9A]  }
0x28: {  	s2 =	sld [smem:$0x3F9B]  }
0x29: {  	s4 =	sld [smem:$0x3F9D]  }
0x2a: {  	p0 =	seq.s32 s5, $0x0;
	s5 =	sld [smem:$0x3F9E]  }
0x2b: {  	s6 =	sld [smem:$0x3F9F]  }
0x2c: {  	s7 =	sld [smem:$0x3FA0]  }
0x2d: {  	s3 =	simm.s32 $0x108;
	s8 =	sld [smem:$0x3FA1]  }
0x2e: {  	s3 =	simm.s32 @!p0 $0x1082;
	s9 =	sld [smem:$0x3FA2]  }
0x2f: {  	lr =	sadd.s32 s0, s3;
	s0 =	sld [smem:$0x3F99]  }
0x30: {  	s3 =	sld [smem:$0x3F9C]  }
0x31: {  	[smem:$0x3FA5] =	sst s10  }
0x32: {  	s10 =	sld [smem:$0x3FA3];
	_ =	sdelay $0x3  }
0x33: {  	p0 =	seq.s32 s10, $0x1;
	s10 =	sld [smem:$0x3FA5];
	_ =	sdelay $0x3  }
0x34: {  	[smem:$0x3FA5] =	sst s10  }
0x35: {  	s10 =	sld [smem:$0x3FA4];
	_ =	sdelay $0x3  }
0x36: {  	p1 =	seq.s32 s10, $0x1;
	s10 =	sld [smem:$0x3FA5];
	_ =	sdelay $0x3  }
0x37: {  	[smem:$0x3FA5] =	sst s10  }
0x38: {  	s10 =	sld [smem:$0x3FA6]  }
0x39: {  	_ = 	snop;
	(pc) =	sbr.ind lr, $3  }
0x3a: {  	_ = 	snop  }
0x3b: {  	_ = 	snop  }
0x3c: {  	p2 =	seq.s32 s10, $0x1;
	s10 =	sld [smem:$0x3FA5]  }
0x3d: {  	_ =	shalt  }
0x3e: {  	_ =	shalt  }
0x3f: {  	_ =	shalt  }
0x40: {  	_ =	shalt  }
0x41: {  	_ =	shalt  }
0x42: {  	_ =	shalt  }
0x43: {  	_ =	shalt  }
0x44: {  	_ =	shalt  }
0x45: {  	_ =	shalt  }
0x46: {  	_ =	shalt  }
0x47: {  	_ =	shalt  }
0x48: {  	_ =	shalt  }
0x49: {  	_ =	shalt  }
0x4a: {  	_ =	shalt  }
0x4b: {  	_ =	shalt  }
0x4c: {  	_ =	shalt  }
0x4d: {  	_ =	shalt  }
0x4e: {  	_ =	shalt  }
0x4f: {  	_ =	shalt  }
0x50: {  	_ =	shalt  }
0x51: {  	_ =	shalt  }
0x52: {  	_ =	shalt  }
0x53: {  	_ =	shalt  }
0x54: {  	_ =	shalt  }
0x55: {  	_ =	shalt  }
0x56: {  	_ =	shalt  }
0x57: {  	_ =	shalt  }
0x58: {  	_ =	shalt  }
0x59: {  	_ =	shalt  }
0x5a: {  	_ =	shalt  }
0x5b: {  	_ =	shalt  }
0x5c: {  	_ =	shalt  }
0x5d: {  	_ =	shalt  }
0x5e: {  	_ =	shalt  }
0x5f: {  	_ =	shalt  }
0x60: {  	_ =	shalt  }
0x61: {  	_ =	shalt  }
0x62: {  	_ =	shalt  }
0x63: {  	_ =	shalt  }
0x64: {  	_ =	shalt  }
0x65: {  	_ =	shalt  }
0x66: {  	_ =	shalt  }
0x67: {  	_ =	shalt  }
0x68: {  	_ =	shalt  }
0x69: {  	_ =	shalt  }
0x6a: {  	_ =	shalt  }
0x6b: {  	_ =	shalt  }
0x6c: {  	_ =	shalt  }
0x6d: {  	_ =	shalt  }
0x6e: {  	_ =	shalt  }
0x6f: {  	_ =	shalt  }
0x70: {  	_ =	shalt  }
0x71: {  	_ =	shalt  }
0x72: {  	_ =	shalt  }
0x73: {  	_ =	shalt  }
0x74: {  	_ =	shalt  }
0x75: {  	_ =	shalt  }
0x76: {  	_ =	shalt  }
0x77: {  	_ =	shalt  }
0x78: {  	_ =	shalt  }
0x79: {  	_ =	shalt  }
0x7a: {  	_ =	shalt  }
0x7b: {  	_ =	shalt  }
0x7c: {  	_ =	shalt  }
0x7d: {  	_ =	shalt  }
0x7e: {  	_ =	shalt  }
0x7f: {  	_ =	shalt  }
0x80: {  	_ =	shalt  }
0x81: {  	_ =	shalt  }
0x82: {  	_ =	shalt  }
0x83: {  	_ =	shalt  }
0x84: {  	_ =	shalt  }
0x85: {  	_ =	shalt  }
0x86: {  	_ =	shalt  }
0x87: {  	_ =	shalt  }
.Lfunc_end0:
.L_simem_size_0:
called_computation.1_lowered:
.L_overlay_start_0:
0x88: {  	s2 =	sld [smem:$0x3FD9]  }
0x89: {  	s3 =	sld [smem:$0x3FFE];
	_ =	sdelay $0x1  }
0x8a: {  	s1 =	srdreg.scid  }
0x8b: {  	s0 =	sand.u32 $0x1, s1  }
0x8c: {  	s14 =	sshll.u32 s0, $0xA;
	s2 =	sadd.s32 s3, s2  }
0x8d: {  	s2 =	sadd.s32 s2, s14  }
0x8e: {  	[smem:$0x3FB1] =	sst s2  }
0x8f: {  	_ = 	snop  }
0x90: {  	s2 =	sld [smem:$0x3FD0];
	_ =	sdelay $0x2  }
0x91: {  	s15 =	simm.s32 $0xB;
	s4 =	simm.s32 $0x10  }
0x92: {  	[smem:s4], [sflag:s15] =	dma.local [hbm:s2], $0x1  }
0x93: {  	_ =	swait.eq [sflag:s15], $0x1  }
0x94: {  	[sflag:s15] =	ssyncset.done $0x0  }
0x95: {  	s16 =	sld [smem:$0x10];
	[sflag:s15] =	ssyncadd.s32 $0xFFFFFFFF  }
0x96: {  	s17 =	sld [smem:$0x11];
	(tm) =	ssettm $0x1  }
0x97: {  	s18 =	sld [smem:$0x3FFB];
	_ =	sdelay $0x3  }
0x98: {  	_ =	strace s18  }
0x99: {  	s4 =	sld [smem:$0x3FFC];
	_ =	sdelay $0x3  }
0x9a: {  	_ =	strace s4  }
0x9b: {  	s4 =	sld [smem:$0x3FFD];
	_ =	sdelay $0x3  }
0x9c: {  	_ =	strace s4  }
0x9d: {  	_ =	strace $0x8FFFFFFF  }
0x9e: {  	s19 =	sld [smem:$0x3FDB];
	_ =	sdelay $0x1  }
0x9f: {  	s5 =	simm.s32 $_scs_section_size  }
0xa0: {  	s6 =	simm.s32 $_size__tile_overlayer_lowered;
	s7 =	simm.s32 $_tile_overlayer_lowered  }
0xa1: {  	s22 =	simm.s32 $0x1BFF;
	s21 =	sshll.u32 s7, $0x1;
	s4 =	sadd.s32 s5, s19  }
0xa2: {  	s8 =	simm.s32 $0x0;
	s20 =	sshll.u32 s6, $0x1;
	s6 =	sadd.s32 s21, s4  }
0xa3: {  	[timem:s8], [sflag:s22] =	dma.local [hbm:s6], s20  }
0xa4: {  	_ =	swait.ge [sflag:s22], s20  }
0xa5: {  	s5 =	ssub.s32 $0x0, s20;
	[sflag:s22] =	ssyncset.done $0x0  }
0xa6: {  	[sflag:s22] =	ssyncadd.s32 s5;
	_ =	sdelay $0x1  }
0xa7: {  	s23 =	simm.s32 $0x1B8B  }
0xa8: {  	_ =	swait.ge [sflag:s23], $0x1  }
0xa9: {  	[sflag:s23] =	ssyncset.done $0x0  }
0xaa: {  	s25 =	simm.s32 $0x1B8E;
	s24 =	sld [smem:$0x3FFE];
	[sflag:s23] =	ssyncadd.s32 $0xFFFFFFFF  }
0xab: {  	s26 =	simm.s32 $execute0_lowered;
	[smem:$0x3FD2] =	sst s25  }
0xac: {  	s6 =	sshll.u32 s26, $0x1;
	_ =	strace $0x80000046;
	[dreg:$0x1] =	wrdreg $0xFFFFFFFF  }
0xad: {  	s28 =	simm.s32 $_size_execute0_lowered;
	s4 =	sadd.s32 s4, s6;
	[dreg:$0x0] =	wrdreg $0x0  }
0xae: {  	s6 =	sshll.u32 s28, $0x1;
	[dreg:$0x2] =	wrdreg s4  }
0xaf: {  	[dreg:$0x3] =	wrdreg s6  }
0xb0: {  	[dreg:$0x4] =	wrdreg $0xC0  }
0xb1: {  	_ =	task [dreg:s8], $0x5FFFF  }
0xb2: {  	[dreg:$0x1] =	wrdreg $0xFFFFFFFF  }
0xb3: {  	[dreg:$0x0] =	wrdreg $0x60  }
0xb4: {  	[dreg:$0x2] =	wrdreg s16  }
0xb5: {  	[dreg:$0x3] =	wrdreg s17  }
0xb6: {  	[dreg:$0x4] =	wrdreg s24  }
0xb7: {  	[dreg:$0x5] =	wrdreg $0xA8000  }
0xb8: {  	[dreg:$0x6] =	wrdreg $0xA  }
0xb9: {  	_ =	task.clear_ibuf [dreg:s8], $0x7FFFF;
	_ =	strace $0x90000046  }
0xba: {  	s29 =	simm.s32 $0xA;
	_ =	strace $0x80000048  }
0xbb: {  	_ =	swait.ge [sflag:s29], $0x1  }
0xbc: {  	[sflag:s29] =	ssyncadd.s32 $0xFFFFFFFF  }
0xbd: {  	_ =	strace $0x90000048  }
0xbe: {  	_ =	sfence  }
0xbf: {  	s30 =	sld [smem:$0x0];
	_ =	sdelay $0x2  }
0xc0: {  	s31 =	sshll.u32 s1, $0xD;
	s1 =	sshrl.u32 s1, $0x2  }
0xc1: {  	s3 =	sand.u32 $0x4000, s31;
	s1 =	sadd.s32 s1, s30  }
0xc2: {  	s0 =	sor.u32 s3, s0;
	s1 =	sshll.u32 s1, $0x11  }
0xc3: {  	s0 =	sor.u32 s1, s0  }
0xc4: {  	s0 =	sadd.s32 $0x8F2B, s0  }
0xc5: {  	[sflag:s0] =	ssyncadd.remote.s32 $0x1  }
0xc6: {  	_ =	sfence.sel $0xFFFF  }
0xc7: {  	[dreg:$0x0] =	wrdreg $0xFFFFFFFF;
	(pc) =	sbr.abs _section_cstart, $3  }
0xc8: {  	[dreg:$0x1] =	wrdreg $0xFFFFFFFF  }
0xc9: {  	_ =	task.clear_ibuf [dreg:s8], $0x2FFFF;
	_ =	strace $0x9FFFFFFF  }
0xca: {  	(tm) =	ssettm $0x7FFFFFFF  }
0xcb: {  	_ =	shalt  }
tec
execute0_lowered:
.L_overlay_start_1:
0x0: {  	(tag) =	ssettag $0x1  }
0x1: {  	s1 =	rddreg [dreg:$0x0]  }
0x2: {  	s9 =	rddreg [dreg:$0x1]  }
0x3: {  	s5 =	rddreg [dreg:$0x2]  }
0x4: {  	s3 =	rddreg [dreg:$0x3];
	s0 =	stileid.u32  }
0x5: {  	s7 =	srdreg.scid;
	s2 =	rddreg [dreg:$0x4]  }
0x6: {  	s4 =	simm.s32 $0x0;
	s15 =	simm.s32 $0x1400;
	s16 =	simm.s32 $0x80  }
0x7: {  	s17 =	simm.s32 $0x2800;
	s18 =	simm.s32 $0x6800;
	s19 =	simm.s32 $0x1  }
0x8: {  	s20 =	simm.s32 $0x2;
	s21 =	simm.s32 $0x3;
	s22 =	simm.s32 $0x4  }
0x9: {  	s23 =	simm.s32 $0x2700;
	s24 =	simm.s32 $0x2780;
	s6 =	smul.u32 $0x13C00, s0  }
0xa: {  	s7 =	sand.u32 $0x1, s7;
	[smem:$0x7FF] =	sst s4;
	s11 =	sadd.s32 $0x4E00, s5  }
0xb: {  	s25 =	smul.u32 $0x4F000, s0;
	s12 =	sshll.u32 s0, $0x1;
	s29 =	sshll.u32 s0, $0x6  }
0xc: {  	s10 =	smul.u32 $0x13C000, s7;
	_ =	strace $0x80000047;
	s13 =	ssub.s32 $0x2, s7  }
0xd: {  	s7 =	sor.u32 s7, s12;
	s8 =	sshrl.u32 s6, $0x3;
	s26 =	sshrl.u32 s13, $0x1  }
0xe: {  	s7 =	smul.u32 $0x2800, s7;
	s8 =	sadd.s32 s8, s5;
	s6 =	sadd.s32 s6, s10  }
0xf: {  	s10 =	sshrl.u32 s25, $0x2;
	s12 =	ssub.s32 s13, s26;
	s25 =	simm.s32 $0x0  }
0x10: {  	s6 =	sshrl.u32 s6, $0x3;
	s28 =	sadd.s32 s10, s3;
	s30 =	sshrl.u32 s7, $0x3  }
0x11: {  	s12 =	smax.u32 s12, $0x1;
	s14 =	sadd.s32 s6, s5;
	s5 =	sadd.s32 $0xEE00, s8  }
0x12: {  	s6 =	sor.u32 $0x1C05, s29;
	s7 =	sadd.s32 s9, s30;
	s31 =	sadd.s32 $0x280, s30  }
0x13: {  	s8 =	sadd.s32 s11, s30;
	s13 =	sshrl.u32 s28, $0x3;
	s9 =	sadd.s32 s9, s31  }
0x14: {  	s10 =	sadd.s32 s11, s31;
	s11 =	sadd.s32 $0x36600, s14;
	s14 =	simm.s32 $0x5  }
.LBB2_1:
0x15: {  	[spmem:s13], [sflag:s6] =	dma.local [hbm:s5], $0x2780  }
0x16: {  	_ =	swait.ge [sflag:s14], $0x2780  }
0x17: {  	[sflag:s14] =	ssyncset.done $0x0  }
0x18: {  	[sflag:s14] =	ssyncadd.s32 $0xFFFFD880  }
0x19: {  	[bflag:$0x0] =	sbarrier.arrive $0xFFFF  }
0x1a: {  	[tilespmem:s4], [sflag:$0x5] =	stream.linear.gather [hbm4b:s7+s4], $0x1400, $0x38;
	[tilespmem:$0x1E400] =	vst v63  }
0x1b: {  	_ =	swait.ge [sflag:s14], $0x1400  }
0x1c: {  	[sflag:s14] =	ssyncset.done $0x0  }
0x1d: {  	[sflag:s14] =	ssyncadd.s32 $0xFFFFEC00  }
0x1e: {  	[tilespmem:s15], [sflag:$0x5] =	stream.linear.gather [hbm4b:s8+s4], $0x1400, $0x38;
	[tilespmem:$0x1E400] =	vst v63  }
0x1f: {  	_ =	swait.ge [sflag:s14], $0x1400  }
0x20: {  	[sflag:s14] =	ssyncset.done $0x0  }
0x21: {  	[sflag:s14] =	ssyncadd.s32 $0xFFFFEC00  }
0x22: {  	[tilespmem:s17], [sflag:$0x1] =	stream.indirect.gather [hbm4b:s1+s16], $0x80, s4, s16, $0xb8;
	[tilespmem:$0x1E400] =	vst v63  }
0x23: {  	_ = 	snop  }
0x24: {  	[tilespmem:s18], [sflag:$0x2] =	stream.indirect.gather [hbm4b:s1+s16], $0x80, s16, s16, $0xb8;
	[tilespmem:$0x1E400] =	vst v63  }
0x25: {  	_ =	swait.ge [sflag:s19], $0x4000  }
0x26: {  	[sflag:s19] =	ssyncset.done $0x0  }
0x27: {  	s26 =	simm.s32 $0x1400;
	[sflag:s19] =	ssyncadd.s32 $0xFFFFC000  }
0x28: {  	[spmem:s3] =	stream.indirect.scatter.add.f32 [tilespmem:s17], [sflag:$0x3], $0x80, s26, s16, $0xb8;
	[tilespmem:$0x1E400] =	vst v63  }
0x29: {  	_ =	swait.ge [sflag:s20], $0x4000  }
0x2a: {  	[sflag:s20] =	ssyncset.done $0x0  }
0x2b: {  	s30 =	simm.s32 $0x1480;
	[sflag:s20] =	ssyncadd.s32 $0xFFFFC000  }
0x2c: {  	[spmem:s3] =	stream.indirect.scatter.add.f32 [tilespmem:s18], [sflag:$0x4], $0x80, s30, s16, $0xb8;
	[tilespmem:$0x1E400] =	vst v63  }
0x2d: {  	_ =	swait.ge [sflag:s21], $0x4000  }
0x2e: {  	[sflag:s21] =	ssyncset.done $0x0  }
0x2f: {  	s31 =	simm.s32 $0x100;
	[sflag:s21] =	ssyncadd.s32 $0xFFFFC000  }
0x30: {  	[tilespmem:s17], [sflag:$0x1] =	stream.indirect.gather [hbm4b:s1+s16], $0x80, s31, s16, $0xb8;
	[tilespmem:$0x1E400] =	vst v63  }
0x31: {  	_ =	swait.ge [sflag:s22], $0x4000  }
0x32: {  	[sflag:s22] =	ssyncset.done $0x0  }
0x33: {  	s28 =	simm.s32 $0x180;
	s26 =	simm.s32 $0x400;
	[sflag:s22] =	ssyncadd.s32 $0xFFFFC000  }
.LBB2_2:
0x34: {  	[tilespmem:s18], [sflag:$0x2] =	stream.indirect.gather [hbm4b:s1+s16], $0x80, s28, s16, $0xb8;
	[tilespmem:$0x1E400] =	vst v63  }
0x35: {  	s28 =	smov.u32 s26  }
0x36: {  	p0 =	sne.s32 s26, $0x4800;
	s26 =	sadd.s32 $0x400, s26;
	_ =	swait.ge [sflag:s19], $0x4000  }
0x37: {  	s28 =	sshra.s32 s28, $0x2;
	[sflag:s19] =	ssyncset.done $0x0  }
0x38: {  	s29 =	sadd.s32 $0x1400, s28;
	[sflag:s19] =	ssyncadd.s32 $0xFFFFC000  }
0x39: {  	[spmem:s3] =	stream.indirect.scatter.add.f32 [tilespmem:s17], [sflag:$0x3], $0x80, s29, s16, $0xb8;
	[tilespmem:$0x1E400] =	vst v63  }
0x3a: {  	_ =	swait.ge [sflag:s20], $0x4000  }
0x3b: {  	[sflag:s20] =	ssyncset.done $0x0  }
0x3c: {  	s29 =	sadd.s32 $0x1480, s28;
	[sflag:s20] =	ssyncadd.s32 $0xFFFFC000  }
0x3d: {  	[spmem:s3] =	stream.indirect.scatter.add.f32 [tilespmem:s18], [sflag:$0x4], $0x80, s29, s16, $0xb8;
	[tilespmem:$0x1E400] =	vst v63  }
0x3e: {  	_ =	swait.ge [sflag:s21], $0x4000  }
0x3f: {  	[sflag:s21] =	ssyncset.done $0x0  }
.Ltmp0:
0x40: {  	s29 =	sadd.s32 $0x100, s28;
	[sflag:s21] =	ssyncadd.s32 $0xFFFFC000;
	(pc) =	sbr.rel @p0 .LBB2_2-.Ltmp0, $4  }
0x41: {  	[tilespmem:s17], [sflag:$0x1] =	stream.indirect.gather [hbm4b:s1+s16], $0x80, s29, s16, $0xb8;
	[tilespmem:$0x1E400] =	vst v63  }
0x42: {  	_ =	swait.ge [sflag:s22], $0x4000  }
0x43: {  	[sflag:s22] =	ssyncset.done $0x0  }
0x44: {  	s28 =	sadd.s32 $0x180, s28;
	[sflag:s22] =	ssyncadd.s32 $0xFFFFC000  }
0x45: {  	[tilespmem:s18], [sflag:$0x2] =	stream.indirect.gather [hbm4b:s1+s16], $0x80, s28, s16, $0xb8;
	[tilespmem:$0x1E400] =	vst v63  }
0x46: {  	_ =	swait.ge [sflag:s19], $0x4000  }
0x47: {  	[sflag:s19] =	ssyncset.done $0x0  }
0x48: {  	[sflag:s19] =	ssyncadd.s32 $0xFFFFC000  }
0x49: {  	[spmem:s3] =	stream.indirect.scatter.add.f32 [tilespmem:s17], [sflag:$0x3], $0x80, s23, s16, $0xb8;
	[tilespmem:$0x1E400] =	vst v63  }
0x4a: {  	_ =	swait.ge [sflag:s20], $0x4000  }
0x4b: {  	[sflag:s20] =	ssyncset.done $0x0  }
0x4c: {  	[sflag:s20] =	ssyncadd.s32 $0xFFFFC000  }
0x4d: {  	[spmem:s3] =	stream.indirect.scatter.add.f32 [tilespmem:s18], [sflag:$0x4], $0x80, s24, s16, $0xb8;
	[tilespmem:$0x1E400] =	vst v63  }
0x4e: {  	_ =	swait.ge [sflag:s21], $0x4000  }
0x4f: {  	[sflag:s21] =	ssyncset.done $0x0  }
0x50: {  	[sflag:s21] =	ssyncadd.s32 $0xFFFFC000  }
0x51: {  	_ =	swait.ge [sflag:s22], $0x4000  }
0x52: {  	[sflag:s22] =	ssyncset.done $0x0  }
0x53: {  	s26 =	simm.s32 $0x0;
	[sflag:s22] =	ssyncadd.s32 $0xFFFFC000  }
0x54: {  	[tilespmem:s26], [sflag:$0x5] =	stream.linear.gather [hbm4b:s9+s26], $0x1400, $0x38;
	[tilespmem:$0x1E400] =	vst v63  }
0x55: {  	_ =	swait.ge [sflag:s14], $0x1400  }
0x56: {  	[sflag:s14] =	ssyncset.done $0x0  }
0x57: {  	[sflag:s14] =	ssyncadd.s32 $0xFFFFEC00  }
0x58: {  	[tilespmem:s15], [sflag:$0x5] =	stream.linear.gather [hbm4b:s10+s26], $0x1400, $0x38;
	[tilespmem:$0x1E400] =	vst v63  }
0x59: {  	_ =	swait.ge [sflag:s14], $0x1400  }
0x5a: {  	[sflag:s14] =	ssyncset.done $0x0  }
0x5b: {  	[sflag:s14] =	ssyncadd.s32 $0xFFFFEC00  }
0x5c: {  	[tilespmem:s17], [sflag:$0x1] =	stream.indirect.gather [hbm4b:s1+s16], $0x80, s26, s16, $0xb8;
	[tilespmem:$0x1E400] =	vst v63  }
0x5d: {  	_ = 	snop  }
0x5e: {  	[tilespmem:s18], [sflag:$0x2] =	stream.indirect.gather [hbm4b:s1+s16], $0x80, s16, s16, $0xb8;
	[tilespmem:$0x1E400] =	vst v63  }
0x5f: {  	_ =	swait.ge [sflag:s19], $0x4000  }
0x60: {  	[sflag:s19] =	ssyncset.done $0x0  }
0x61: {  	s29 =	simm.s32 $0x1400;
	[sflag:s19] =	ssyncadd.s32 $0xFFFFC000  }
0x62: {  	[spmem:s3] =	stream.indirect.scatter.add.f32 [tilespmem:s17], [sflag:$0x3], $0x80, s29, s16, $0xb8;
	[tilespmem:$0x1E400] =	vst v63  }
0x63: {  	_ =	swait.ge [sflag:s20], $0x4000  }
0x64: {  	[sflag:s20] =	ssyncset.done $0x0  }
0x65: {  	s30 =	simm.s32 $0x1480;
	[sflag:s20] =	ssyncadd.s32 $0xFFFFC000  }
0x66: {  	[spmem:s3] =	stream.indirect.scatter.add.f32 [tilespmem:s18], [sflag:$0x4], $0x80, s30, s16, $0xb8;
	[tilespmem:$0x1E400] =	vst v63  }
0x67: {  	_ =	swait.ge [sflag:s21], $0x4000  }
0x68: {  	[sflag:s21] =	ssyncset.done $0x0  }
0x69: {  	s31 =	simm.s32 $0x100;
	[sflag:s21] =	ssyncadd.s32 $0xFFFFC000  }
0x6a: {  	[tilespmem:s17], [sflag:$0x1] =	stream.indirect.gather [hbm4b:s1+s16], $0x80, s31, s16, $0xb8;
	[tilespmem:$0x1E400] =	vst v63  }
0x6b: {  	_ =	swait.ge [sflag:s22], $0x4000  }
0x6c: {  	[sflag:s22] =	ssyncset.done $0x0  }
0x6d: {  	s28 =	simm.s32 $0x180;
	s26 =	simm.s32 $0x400;
	[sflag:s22] =	ssyncadd.s32 $0xFFFFC000  }
.LBB2_4:
0x6e: {  	[tilespmem:s18], [sflag:$0x2] =	stream.indirect.gather [hbm4b:s1+s16], $0x80, s28, s16, $0xb8;
	[tilespmem:$0x1E400] =	vst v63  }
0x6f: {  	s28 =	smov.u32 s26  }
0x70: {  	p0 =	sne.s32 s26, $0x4800;
	s26 =	sadd.s32 $0x400, s26;
	_ =	swait.ge [sflag:s19], $0x4000  }
0x71: {  	s28 =	sshra.s32 s28, $0x2;
	[sflag:s19] =	ssyncset.done $0x0  }
0x72: {  	s29 =	sadd.s32 $0x1400, s28;
	[sflag:s19] =	ssyncadd.s32 $0xFFFFC000  }
0x73: {  	[spmem:s3] =	stream.indirect.scatter.add.f32 [tilespmem:s17], [sflag:$0x3], $0x80, s29, s16, $0xb8;
	[tilespmem:$0x1E400] =	vst v63  }
0x74: {  	_ =	swait.ge [sflag:s20], $0x4000  }
0x75: {  	[sflag:s20] =	ssyncset.done $0x0  }
0x76: {  	s29 =	sadd.s32 $0x1480, s28;
	[sflag:s20] =	ssyncadd.s32 $0xFFFFC000  }
0x77: {  	[spmem:s3] =	stream.indirect.scatter.add.f32 [tilespmem:s18], [sflag:$0x4], $0x80, s29, s16, $0xb8;
	[tilespmem:$0x1E400] =	vst v63  }
0x78: {  	_ =	swait.ge [sflag:s21], $0x4000  }
0x79: {  	[sflag:s21] =	ssyncset.done $0x0  }
.Ltmp1:
0x7a: {  	s29 =	sadd.s32 $0x100, s28;
	[sflag:s21] =	ssyncadd.s32 $0xFFFFC000;
	(pc) =	sbr.rel @p0 .LBB2_4-.Ltmp1, $4  }
0x7b: {  	[tilespmem:s17], [sflag:$0x1] =	stream.indirect.gather [hbm4b:s1+s16], $0x80, s29, s16, $0xb8;
	[tilespmem:$0x1E400] =	vst v63  }
0x7c: {  	_ =	swait.ge [sflag:s22], $0x4000  }
0x7d: {  	[sflag:s22] =	ssyncset.done $0x0  }
0x7e: {  	s28 =	sadd.s32 $0x180, s28;
	[sflag:s22] =	ssyncadd.s32 $0xFFFFC000  }
0x7f: {  	[tilespmem:s18], [sflag:$0x2] =	stream.indirect.gather [hbm4b:s1+s16], $0x80, s28, s16, $0xb8;
	[tilespmem:$0x1E400] =	vst v63  }
0x80: {  	_ =	swait.ge [sflag:s19], $0x4000  }
0x81: {  	[sflag:s19] =	ssyncset.done $0x0  }
0x82: {  	[sflag:s19] =	ssyncadd.s32 $0xFFFFC000  }
0x83: {  	[spmem:s3] =	stream.indirect.scatter.add.f32 [tilespmem:s17], [sflag:$0x3], $0x80, s23, s16, $0xb8;
	[tilespmem:$0x1E400] =	vst v63  }
0x84: {  	_ =	swait.ge [sflag:s20], $0x4000  }
0x85: {  	[sflag:s20] =	ssyncset.done $0x0  }
0x86: {  	[sflag:s20] =	ssyncadd.s32 $0xFFFFC000  }
0x87: {  	[spmem:s3] =	stream.indirect.scatter.add.f32 [tilespmem:s18], [sflag:$0x4], $0x80, s24, s16, $0xb8;
	[tilespmem:$0x1E400] =	vst v63  }
0x88: {  	_ =	swait.ge [sflag:s21], $0x4000  }
0x89: {  	[sflag:s21] =	ssyncset.done $0x0  }
0x8a: {  	[sflag:s21] =	ssyncadd.s32 $0xFFFFC000  }
0x8b: {  	_ =	swait.ge [sflag:s22], $0x4000  }
0x8c: {  	s25 =	sadd.s32 $0x1, s25;
	[sflag:s22] =	ssyncset.done $0x0  }
0x8d: {  	p0 =	sne.s32 s25, s12;
	[sflag:s22] =	ssyncadd.s32 $0xFFFFC000  }
.Ltmp2:
0x8e: {  	[bflag:$0x0] =	sbarrier.arrive $0xFFFF;
	(pc) =	sbr.rel @p0 .LBB2_1-.Ltmp2, $4  }
0x8f: {  	[hbm:s11], [sflag:s6] =	dma.local [spmem:s13], $0x2780  }
0x90: {  	_ =	swait.ge [sflag:s14], $0x2780  }
0x91: {  	[sflag:s14] =	ssyncset.done $0x0  }
0x92: {  	[sflag:s14] =	ssyncadd.s32 $0xFFFFD880  }
0x93: {  	_ =	sfence.sel $0x180000  }
0x94: {  	[bflag:$0x0] =	sbarrier.arrive $0xFFFF  }
0x95: {  	p0 =	sne.s32 s0, $0x0;
	_ =	strace $0x90000047  }
0x96: {  	s0 =	sadd.s32 @!p0 $0x100000, s2;
	[bflag:$0x2] =	sbarrier.arrive $0xFFFF  }
0x97: {  	[sflag:s0] =	ssyncadd.tile.s32 @!p0 $0x1;
	_ =	shalt  }
.Lfunc_end2:
_tile_overlayer_lowered:
.L_overlay_start_2:
0x98: {  	(tag) =	ssettag $0x2  }
0x99: {  	s0 =	rddreg [dreg:$0x0];
	s2 =	stileid.u32  }
0x9a: {  	s1 =	rddreg [dreg:$0x1];
	p0 =	sne.s32 s2, $0x0  }
0x9b: {  	s3 =	rddreg [dreg:$0x2];
	[bflag:$0x3] =	sbarrier.arrive $0xFFFF;
	s2 =	simm.s32 @!p0 $0x1C05  }
0x9c: {  	[timem:s3], [sflag:s2] =	dma.local @!p0 [hbm:s0], s1  }
0x9d: {  	s0 =	simm.s32 @!p0 $0x5  }
0x9e: {  	_ =	swait.ge @!p0 [sflag:s0], s1  }
0x9f: {  	s1 =	ssub.s32 @!p0 $0x0, s1;
	[sflag:s0] =	ssyncset.done @!p0 $0x0  }
0xa0: {  	[sflag:s0] =	ssyncadd.s32 @!p0 s1  }
0xa1: {  	[bflag:$0x3] =	sbarrier.arrive $0xFFFF  }
0xa2: {  	_ =	shalt  }

// kernel: kernel.16.cloned.1.call-start
scs
__scs_entry_jumppad:
0x0: {  	(pc) =	sbr.rel $0x88, $3  }
0x1: {  	(tag) =	ssettag $0x0;
	lr =	simm.s32 $0x1  }
0x2: {  	[smem:$0x3F8A] =	sst lr;
	_ =	strace $0xD0000000  }
0x3: {  	_ = 	snop  }
0x4: {  	_ = 	snop  }
0x5: {  	_ = 	snop  }
0x6: {  	_ = 	snop  }
0x7: {  	_ = 	snop  }
__scs_overlays_trampoline_lowered:
0x8: {  	[smem:$0x3F99] =	sst s0  }
0x9: {  	[smem:$0x3F9A] =	sst s1  }
0xa: {  	[smem:$0x3F9B] =	sst s2  }
0xb: {  	[smem:$0x3F9C] =	sst s3  }
0xc: {  	[smem:$0x3F9D] =	sst s4  }
0xd: {  	[smem:$0x3F9E] =	sst s5  }
0xe: {  	[smem:$0x3F9F] =	sst s6  }
0xf: {  	[smem:$0x3FA0] =	sst s7  }
0x10: {  	[smem:$0x3FA1] =	sst s8  }
0x11: {  	[smem:$0x3FA2] =	sst s9;
	s0 =	simm.s32 @!p0 $0x0  }
0x12: {  	s1 =	sld [smem:$0x3F88];
	s0 =	simm.s32 @p0 $0x1  }
0x13: {  	[smem:$0x3FA3] =	sst s0;
	s0 =	simm.s32 @!p1 $0x0  }
0x14: {  	s2 =	sld [smem:$0x3F87];
	s0 =	simm.s32 @p1 $0x1  }
0x15: {  	[smem:$0x3FA4] =	sst s0;
	s0 =	simm.s32 @!p2 $0x0  }
0x16: {  	s3 =	sld [smem:$0x3FDB];
	s0 =	simm.s32 @p2 $0x1  }
0x17: {  	s4 =	simm.s32 $0x1BF5;
	[smem:$0x3FA6] =	sst s0  }
0x18: {  	s0 =	sld [smem:$0x3F89];
	_ =	swait.ge [sflag:s4], $0x0  }
0x19: {  	s7 =	sld [smem:$0x3F8A]  }
0x1a: {  	s8 =	sadd.s32 $0xFFFFE003, lr  }
0x1b: {  	s9 =	sadd.s32 $0xFFFFFEF7, lr;
	s5 =	simm.s32 $0xFFFFFFFF;
	p2 =	slt.u32 s8, $0xFFFFF086  }
0x1c: {  	p1 =	slt.u32 s9, $0xF7A;
	s5 =	simm.s32 @!p2 $0x0  }
0x1d: {  	s5 =	simm.s32 @p1 $0x1;
	p0 =	seq.s32 s7, s2  }
0x1e: {  	s7 =	smul.u32 @!p0 $0xF7A, s2;
	p2 =	seq.s32 @!p0 s5, $0x0  }
0x1f: {  	s9 =	smul.u32 $0xF7A, s1;
	s8 =	simm.s32 @!p0 $0x1BF5;
	p2 =	por !p2, p0  }
0x20: {  	[sflag:s8] =	ssyncset.s32 @!p0 $0xFFFFF086;
	s6 =	sadd.s32 @!p0 s3, s7;
	s7 =	simm.s32 @!p0 $0x108  }
0x21: {  	s3 =	sadd.s32 s3, s9;
	s6 =	sadd.s32 @!p0 $0x88, s6;
	s7 =	simm.s32 @p2 $0x1082  }
0x22: {  	[simem:s7], [sflag:s8] =	dma.local @!p0 [hbm:s6], $0xF7A  }
0x23: {  	s9 =	sor.u32 $0xD0000000, s2;
	s6 =	simm.s32 $0x108;
	_ =	swait.ge @!p0 [sflag:s8], $0x0  }
0x24: {  	s3 =	sadd.s32 $0x88, s3;
	s6 =	simm.s32 @!p1 $0x1082;
	[sflag:s4] =	ssyncset.s32 $0xFFFFF086  }
0x25: {  	[simem:s6], [sflag:s4] =	dma.local [hbm:s3], $0xF7A  }
0x26: {  	[smem:$0x3F8A] =	sst s1;
	(tag) =	ssettag s2;
	_ =	strace s9  }
0x27: {  	s1 =	sld [smem:$0x3F9A]  }
0x28: {  	s2 =	sld [smem:$0x3F9B]  }
0x29: {  	s4 =	sld [smem:$0x3F9D]  }
0x2a: {  	p0 =	seq.s32 s5, $0x0;
	s5 =	sld [smem:$0x3F9E]  }
0x2b: {  	s6 =	sld [smem:$0x3F9F]  }
0x2c: {  	s7 =	sld [smem:$0x3FA0]  }
0x2d: {  	s3 =	simm.s32 $0x108;
	s8 =	sld [smem:$0x3FA1]  }
0x2e: {  	s3 =	simm.s32 @!p0 $0x1082;
	s9 =	sld [smem:$0x3FA2]  }
0x2f: {  	lr =	sadd.s32 s0, s3;
	s0 =	sld [smem:$0x3F99]  }
0x30: {  	s3 =	sld [smem:$0x3F9C]  }
0x31: {  	[smem:$0x3FA5] =	sst s10  }
0x32: {  	s10 =	sld [smem:$0x3FA3];
	_ =	sdelay $0x3  }
0x33: {  	p0 =	seq.s32 s10, $0x1;
	s10 =	sld [smem:$0x3FA5];
	_ =	sdelay $0x3  }
0x34: {  	[smem:$0x3FA5] =	sst s10  }
0x35: {  	s10 =	sld [smem:$0x3FA4];
	_ =	sdelay $0x3  }
0x36: {  	p1 =	seq.s32 s10, $0x1;
	s10 =	sld [smem:$0x3FA5];
	_ =	sdelay $0x3  }
0x37: {  	[smem:$0x3FA5] =	sst s10  }
0x38: {  	s10 =	sld [smem:$0x3FA6]  }
0x39: {  	_ = 	snop;
	(pc) =	sbr.ind lr, $3  }
0x3a: {  	_ = 	snop  }
0x3b: {  	_ = 	snop  }
0x3c: {  	p2 =	seq.s32 s10, $0x1;
	s10 =	sld [smem:$0x3FA5]  }
0x3d: {  	_ =	shalt  }
0x3e: {  	_ =	shalt  }
0x3f: {  	_ =	shalt  }
0x40: {  	_ =	shalt  }
0x41: {  	_ =	shalt  }
0x42: {  	_ =	shalt  }
0x43: {  	_ =	shalt  }
0x44: {  	_ =	shalt  }
0x45: {  	_ =	shalt  }
0x46: {  	_ =	shalt  }
0x47: {  	_ =	shalt  }
0x48: {  	_ =	shalt  }
0x49: {  	_ =	shalt  }
0x4a: {  	_ =	shalt  }
0x4b: {  	_ =	shalt  }
0x4c: {  	_ =	shalt  }
0x4d: {  	_ =	shalt  }
0x4e: {  	_ =	shalt  }
0x4f: {  	_ =	shalt  }
0x50: {  	_ =	shalt  }
0x51: {  	_ =	shalt  }
0x52: {  	_ =	shalt  }
0x53: {  	_ =	shalt  }
0x54: {  	_ =	shalt  }
0x55: {  	_ =	shalt  }
0x56: {  	_ =	shalt  }
0x57: {  	_ =	shalt  }
0x58: {  	_ =	shalt  }
0x59: {  	_ =	shalt  }
0x5a: {  	_ =	shalt  }
0x5b: {  	_ =	shalt  }
0x5c: {  	_ =	shalt  }
0x5d: {  	_ =	shalt  }
0x5e: {  	_ =	shalt  }
0x5f: {  	_ =	shalt  }
0x60: {  	_ =	shalt  }
0x61: {  	_ =	shalt  }
0x62: {  	_ =	shalt  }
0x63: {  	_ =	shalt  }
0x64: {  	_ =	shalt  }
0x65: {  	_ =	shalt  }
0x66: {  	_ =	shalt  }
0x67: {  	_ =	shalt  }
0x68: {  	_ =	shalt  }
0x69: {  	_ =	shalt  }
0x6a: {  	_ =	shalt  }
0x6b: {  	_ =	shalt  }
0x6c: {  	_ =	shalt  }
0x6d: {  	_ =	shalt  }
0x6e: {  	_ =	shalt  }
0x6f: {  	_ =	shalt  }
0x70: {  	_ =	shalt  }
0x71: {  	_ =	shalt  }
0x72: {  	_ =	shalt  }
0x73: {  	_ =	shalt  }
0x74: {  	_ =	shalt  }
0x75: {  	_ =	shalt  }
0x76: {  	_ =	shalt  }
0x77: {  	_ =	shalt  }
0x78: {  	_ =	shalt  }
0x79: {  	_ =	shalt  }
0x7a: {  	_ =	shalt  }
0x7b: {  	_ =	shalt  }
0x7c: {  	_ =	shalt  }
0x7d: {  	_ =	shalt  }
0x7e: {  	_ =	shalt  }
0x7f: {  	_ =	shalt  }
0x80: {  	_ =	shalt  }
0x81: {  	_ =	shalt  }
0x82: {  	_ =	shalt  }
0x83: {  	_ =	shalt  }
0x84: {  	_ =	shalt  }
0x85: {  	_ =	shalt  }
0x86: {  	_ =	shalt  }
0x87: {  	_ =	shalt  }
.Lfunc_end0:
.L_simem_size_0:
called_computation.2_lowered:
.L_overlay_start_0:
0x88: {  	s2 =	sld [smem:$0x3FD9]  }
0x89: {  	s3 =	sld [smem:$0x3FFE];
	_ =	sdelay $0x1  }
0x8a: {  	s1 =	srdreg.scid  }
0x8b: {  	s0 =	sand.u32 $0x1, s1  }
0x8c: {  	s14 =	sshll.u32 s0, $0xA;
	s2 =	sadd.s32 s3, s2  }
0x8d: {  	s2 =	sadd.s32 s2, s14  }
0x8e: {  	[smem:$0x3FB1] =	sst s2  }
0x8f: {  	_ = 	snop  }
0x90: {  	s2 =	sld [smem:$0x3FD0];
	_ =	sdelay $0x2  }
0x91: {  	s15 =	simm.s32 $0xB;
	s4 =	simm.s32 $0x10  }
0x92: {  	[smem:s4], [sflag:s15] =	dma.local [hbm:s2], $0x1  }
0x93: {  	_ =	swait.eq [sflag:s15], $0x1  }
0x94: {  	[sflag:s15] =	ssyncset.done $0x0  }
0x95: {  	s16 =	sld [smem:$0x10];
	[sflag:s15] =	ssyncadd.s32 $0xFFFFFFFF  }
0x96: {  	s17 =	sld [smem:$0x11];
	(tm) =	ssettm $0x1  }
0x97: {  	s18 =	sld [smem:$0x3FFB];
	_ =	sdelay $0x3  }
0x98: {  	_ =	strace s18  }
0x99: {  	s4 =	sld [smem:$0x3FFC];
	_ =	sdelay $0x3  }
0x9a: {  	_ =	strace s4  }
0x9b: {  	s4 =	sld [smem:$0x3FFD];
	_ =	sdelay $0x3  }
0x9c: {  	_ =	strace s4  }
0x9d: {  	_ =	strace $0x8FFFFFFF  }
0x9e: {  	s19 =	sld [smem:$0x3FDB];
	_ =	sdelay $0x1  }
0x9f: {  	s5 =	simm.s32 $_scs_section_size  }
0xa0: {  	s6 =	simm.s32 $_size__tile_overlayer_lowered;
	s7 =	simm.s32 $_tile_overlayer_lowered  }
0xa1: {  	s22 =	simm.s32 $0x1BFF;
	s21 =	sshll.u32 s7, $0x1;
	s4 =	sadd.s32 s5, s19  }
0xa2: {  	s8 =	simm.s32 $0x0;
	s20 =	sshll.u32 s6, $0x1;
	s6 =	sadd.s32 s21, s4  }
0xa3: {  	[timem:s8], [sflag:s22] =	dma.local [hbm:s6], s20  }
0xa4: {  	_ =	swait.ge [sflag:s22], s20  }
0xa5: {  	s5 =	ssub.s32 $0x0, s20;
	[sflag:s22] =	ssyncset.done $0x0  }
0xa6: {  	[sflag:s22] =	ssyncadd.s32 s5;
	_ =	sdelay $0x1  }
0xa7: {  	s23 =	simm.s32 $0x1B8B  }
0xa8: {  	_ =	swait.ge [sflag:s23], $0x1  }
0xa9: {  	[sflag:s23] =	ssyncset.done $0x0  }
0xaa: {  	s25 =	simm.s32 $0x1B8E;
	s24 =	sld [smem:$0x3FFE];
	[sflag:s23] =	ssyncadd.s32 $0xFFFFFFFF  }
0xab: {  	s26 =	simm.s32 $execute0_lowered;
	[smem:$0x3FD2] =	sst s25  }
0xac: {  	s6 =	sshll.u32 s26, $0x1;
	_ =	strace $0x8000004C;
	[dreg:$0x1] =	wrdreg $0xFFFFFFFF  }
0xad: {  	s28 =	simm.s32 $_size_execute0_lowered;
	s4 =	sadd.s32 s4, s6;
	[dreg:$0x0] =	wrdreg $0x0  }
0xae: {  	s6 =	sshll.u32 s28, $0x1;
	[dreg:$0x2] =	wrdreg s4  }
0xaf: {  	[dreg:$0x3] =	wrdreg s6  }
0xb0: {  	[dreg:$0x4] =	wrdreg $0xC0  }
0xb1: {  	_ =	task [dreg:s8], $0x5FFFF  }
0xb2: {  	[dreg:$0x1] =	wrdreg $0xFFFFFFFF  }
0xb3: {  	[dreg:$0x0] =	wrdreg $0x60  }
0xb4: {  	[dreg:$0x2] =	wrdreg s16  }
0xb5: {  	[dreg:$0x3] =	wrdreg s17  }
0xb6: {  	[dreg:$0x4] =	wrdreg s24  }
0xb7: {  	[dreg:$0x5] =	wrdreg $0xA8000  }
0xb8: {  	[dreg:$0x6] =	wrdreg $0x9  }
0xb9: {  	_ =	task.clear_ibuf [dreg:s8], $0x7FFFF;
	_ =	strace $0x9000004C  }
0xba: {  	s29 =	simm.s32 $0x9;
	_ =	strace $0x8000004E  }
0xbb: {  	_ =	swait.ge [sflag:s29], $0x1  }
0xbc: {  	[sflag:s29] =	ssyncadd.s32 $0xFFFFFFFF  }
0xbd: {  	_ =	strace $0x9000004E  }
0xbe: {  	_ =	sfence  }
0xbf: {  	s30 =	sld [smem:$0x0];
	_ =	sdelay $0x2  }
0xc0: {  	s31 =	sshll.u32 s1, $0xD;
	s1 =	sshrl.u32 s1, $0x2  }
0xc1: {  	s3 =	sand.u32 $0x4000, s31;
	s1 =	sadd.s32 s1, s30  }
0xc2: {  	s0 =	sor.u32 s3, s0;
	s1 =	sshll.u32 s1, $0x11  }
0xc3: {  	s0 =	sor.u32 s1, s0  }
0xc4: {  	s0 =	sadd.s32 $0x8F2B, s0  }
0xc5: {  	[sflag:s0] =	ssyncadd.remote.s32 $0x1  }
0xc6: {  	_ =	sfence.sel $0xFFFF  }
0xc7: {  	[dreg:$0x0] =	wrdreg $0xFFFFFFFF;
	(pc) =	sbr.abs _section_cstart, $3  }
0xc8: {  	[dreg:$0x1] =	wrdreg $0xFFFFFFFF  }
0xc9: {  	_ =	task.clear_ibuf [dreg:s8], $0x2FFFF;
	_ =	strace $0x9FFFFFFF  }
0xca: {  	(tm) =	ssettm $0x7FFFFFFF  }
0xcb: {  	_ =	shalt  }
tec
execute0_lowered:
.L_overlay_start_1:
0x0: {  	(tag) =	ssettag $0x1  }
0x1: {  	s1 =	rddreg [dreg:$0x0]  }
0x2: {  	s9 =	rddreg [dreg:$0x1]  }
0x3: {  	s5 =	rddreg [dreg:$0x2]  }
0x4: {  	s3 =	rddreg [dreg:$0x3];
	s0 =	stileid.u32  }
0x5: {  	s7 =	srdreg.scid;
	s2 =	rddreg [dreg:$0x4]  }
0x6: {  	s4 =	simm.s32 $0x0;
	s15 =	simm.s32 $0x1400;
	s16 =	simm.s32 $0x80  }
0x7: {  	s17 =	simm.s32 $0x2800;
	s18 =	simm.s32 $0x6800;
	s19 =	simm.s32 $0x1  }
0x8: {  	s20 =	simm.s32 $0x2;
	s21 =	simm.s32 $0x3;
	s22 =	simm.s32 $0x4  }
0x9: {  	s23 =	simm.s32 $0x2700;
	s24 =	simm.s32 $0x2780;
	s6 =	smul.u32 $0x13C00, s0  }
0xa: {  	s7 =	sand.u32 $0x1, s7;
	[smem:$0x7FF] =	sst s4;
	s11 =	sadd.s32 $0x4E00, s5  }
0xb: {  	s25 =	smul.u32 $0x4F000, s0;
	s12 =	sshll.u32 s0, $0x1;
	s29 =	sshll.u32 s0, $0x6  }
0xc: {  	s10 =	smul.u32 $0x13C000, s7;
	_ =	strace $0x8000004D;
	s13 =	ssub.s32 $0x2, s7  }
0xd: {  	s7 =	sor.u32 s7, s12;
	s8 =	sshrl.u32 s6, $0x3;
	s26 =	sshrl.u32 s13, $0x1  }
0xe: {  	s7 =	smul.u32 $0x2800, s7;
	s8 =	sadd.s32 s8, s5;
	s6 =	sadd.s32 s6, s10  }
0xf: {  	s10 =	sshrl.u32 s25, $0x2;
	s12 =	ssub.s32 s13, s26;
	s25 =	simm.s32 $0x0  }
0x10: {  	s6 =	sshrl.u32 s6, $0x3;
	s28 =	sadd.s32 s10, s3;
	s30 =	sshrl.u32 s7, $0x3  }
0x11: {  	s12 =	smax.u32 s12, $0x1;
	s14 =	sadd.s32 s6, s5;
	s5 =	sadd.s32 $0xEE00, s8  }
0x12: {  	s6 =	sor.u32 $0x1C05, s29;
	s7 =	sadd.s32 s9, s30;
	s31 =	sadd.s32 $0x280, s30  }
0x13: {  	s8 =	sadd.s32 s11, s30;
	s13 =	sshrl.u32 s28, $0x3;
	s9 =	sadd.s32 s9, s31  }
0x14: {  	s10 =	sadd.s32 s11, s31;
	s11 =	sadd.s32 $0x36600, s14;
	s14 =	simm.s32 $0x5  }
.LBB2_1:
0x15: {  	[spmem:s13], [sflag:s6] =	dma.local [hbm:s5], $0x2780  }
0x16: {  	_ =	swait.ge [sflag:s14], $0x2780  }
0x17: {  	[sflag:s14] =	ssyncset.done $0x0  }
0x18: {  	[sflag:s14] =	ssyncadd.s32 $0xFFFFD880  }
0x19: {  	[bflag:$0x0] =	sbarrier.arrive $0xFFFF  }
0x1a: {  	[tilespmem:s4], [sflag:$0x5] =	stream.linear.gather [hbm4b:s7+s4], $0x1400, $0x38;
	[tilespmem:$0x1E400] =	vst v63  }
0x1b: {  	_ =	swait.ge [sflag:s14], $0x1400  }
0x1c: {  	[sflag:s14] =	ssyncset.done $0x0  }
0x1d: {  	[sflag:s14] =	ssyncadd.s32 $0xFFFFEC00  }
0x1e: {  	[tilespmem:s15], [sflag:$0x5] =	stream.linear.gather [hbm4b:s8+s4], $0x1400, $0x38;
	[tilespmem:$0x1E400] =	vst v63  }
0x1f: {  	_ =	swait.ge [sflag:s14], $0x1400  }
0x20: {  	[sflag:s14] =	ssyncset.done $0x0  }
0x21: {  	[sflag:s14] =	ssyncadd.s32 $0xFFFFEC00  }
0x22: {  	[tilespmem:s17], [sflag:$0x1] =	stream.indirect.gather [hbm4b:s1+s16], $0x80, s4, s16, $0xb8;
	[tilespmem:$0x1E400] =	vst v63  }
0x23: {  	_ = 	snop  }
0x24: {  	[tilespmem:s18], [sflag:$0x2] =	stream.indirect.gather [hbm4b:s1+s16], $0x80, s16, s16, $0xb8;
	[tilespmem:$0x1E400] =	vst v63  }
0x25: {  	_ =	swait.ge [sflag:s19], $0x4000  }
0x26: {  	[sflag:s19] =	ssyncset.done $0x0  }
0x27: {  	s26 =	simm.s32 $0x1400;
	[sflag:s19] =	ssyncadd.s32 $0xFFFFC000  }
0x28: {  	[spmem:s3] =	stream.indirect.scatter.add.f32 [tilespmem:s17], [sflag:$0x3], $0x80, s26, s16, $0xb8;
	[tilespmem:$0x1E400] =	vst v63  }
0x29: {  	_ =	swait.ge [sflag:s20], $0x4000  }
0x2a: {  	[sflag:s20] =	ssyncset.done $0x0  }
0x2b: {  	s30 =	simm.s32 $0x1480;
	[sflag:s20] =	ssyncadd.s32 $0xFFFFC000  }
0x2c: {  	[spmem:s3] =	stream.indirect.scatter.add.f32 [tilespmem:s18], [sflag:$0x4], $0x80, s30, s16, $0xb8;
	[tilespmem:$0x1E400] =	vst v63  }
0x2d: {  	_ =	swait.ge [sflag:s21], $0x4000  }
0x2e: {  	[sflag:s21] =	ssyncset.done $0x0  }
0x2f: {  	s31 =	simm.s32 $0x100;
	[sflag:s21] =	ssyncadd.s32 $0xFFFFC000  }
0x30: {  	[tilespmem:s17], [sflag:$0x1] =	stream.indirect.gather [hbm4b:s1+s16], $0x80, s31, s16, $0xb8;
	[tilespmem:$0x1E400] =	vst v63  }
0x31: {  	_ =	swait.ge [sflag:s22], $0x4000  }
0x32: {  	[sflag:s22] =	ssyncset.done $0x0  }
0x33: {  	s28 =	simm.s32 $0x180;
	s26 =	simm.s32 $0x400;
	[sflag:s22] =	ssyncadd.s32 $0xFFFFC000  }
.LBB2_2:
0x34: {  	[tilespmem:s18], [sflag:$0x2] =	stream.indirect.gather [hbm4b:s1+s16], $0x80, s28, s16, $0xb8;
	[tilespmem:$0x1E400] =	vst v63  }
0x35: {  	s28 =	smov.u32 s26  }
0x36: {  	p0 =	sne.s32 s26, $0x4800;
	s26 =	sadd.s32 $0x400, s26;
	_ =	swait.ge [sflag:s19], $0x4000  }
0x37: {  	s28 =	sshra.s32 s28, $0x2;
	[sflag:s19] =	ssyncset.done $0x0  }
0x38: {  	s29 =	sadd.s32 $0x1400, s28;
	[sflag:s19] =	ssyncadd.s32 $0xFFFFC000  }
0x39: {  	[spmem:s3] =	stream.indirect.scatter.add.f32 [tilespmem:s17], [sflag:$0x3], $0x80, s29, s16, $0xb8;
	[tilespmem:$0x1E400] =	vst v63  }
0x3a: {  	_ =	swait.ge [sflag:s20], $0x4000  }
0x3b: {  	[sflag:s20] =	ssyncset.done $0x0  }
0x3c: {  	s29 =	sadd.s32 $0x1480, s28;
	[sflag:s20] =	ssyncadd.s32 $0xFFFFC000  }
0x3d: {  	[spmem:s3] =	stream.indirect.scatter.add.f32 [tilespmem:s18], [sflag:$0x4], $0x80, s29, s16, $0xb8;
	[tilespmem:$0x1E400] =	vst v63  }
0x3e: {  	_ =	swait.ge [sflag:s21], $0x4000  }
0x3f: {  	[sflag:s21] =	ssyncset.done $0x0  }
.Ltmp0:
0x40: {  	s29 =	sadd.s32 $0x100, s28;
	[sflag:s21] =	ssyncadd.s32 $0xFFFFC000;
	(pc) =	sbr.rel @p0 .LBB2_2-.Ltmp0, $4  }
0x41: {  	[tilespmem:s17], [sflag:$0x1] =	stream.indirect.gather [hbm4b:s1+s16], $0x80, s29, s16, $0xb8;
	[tilespmem:$0x1E400] =	vst v63  }
0x42: {  	_ =	swait.ge [sflag:s22], $0x4000  }
0x43: {  	[sflag:s22] =	ssyncset.done $0x0  }
0x44: {  	s28 =	sadd.s32 $0x180, s28;
	[sflag:s22] =	ssyncadd.s32 $0xFFFFC000  }
0x45: {  	[tilespmem:s18], [sflag:$0x2] =	stream.indirect.gather [hbm4b:s1+s16], $0x80, s28, s16, $0xb8;
	[tilespmem:$0x1E400] =	vst v63  }
0x46: {  	_ =	swait.ge [sflag:s19], $0x4000  }
0x47: {  	[sflag:s19] =	ssyncset.done $0x0  }
0x48: {  	[sflag:s19] =	ssyncadd.s32 $0xFFFFC000  }
0x49: {  	[spmem:s3] =	stream.indirect.scatter.add.f32 [tilespmem:s17], [sflag:$0x3], $0x80, s23, s16, $0xb8;
	[tilespmem:$0x1E400] =	vst v63  }
0x4a: {  	_ =	swait.ge [sflag:s20], $0x4000  }
0x4b: {  	[sflag:s20] =	ssyncset.done $0x0  }
0x4c: {  	[sflag:s20] =	ssyncadd.s32 $0xFFFFC000  }
0x4d: {  	[spmem:s3] =	stream.indirect.scatter.add.f32 [tilespmem:s18], [sflag:$0x4], $0x80, s24, s16, $0xb8;
	[tilespmem:$0x1E400] =	vst v63  }
0x4e: {  	_ =	swait.ge [sflag:s21], $0x4000  }
0x4f: {  	[sflag:s21] =	ssyncset.done $0x0  }
0x50: {  	[sflag:s21] =	ssyncadd.s32 $0xFFFFC000  }
0x51: {  	_ =	swait.ge [sflag:s22], $0x4000  }
0x52: {  	[sflag:s22] =	ssyncset.done $0x0  }
0x53: {  	s26 =	simm.s32 $0x0;
	[sflag:s22] =	ssyncadd.s32 $0xFFFFC000  }
0x54: {  	[tilespmem:s26], [sflag:$0x5] =	stream.linear.gather [hbm4b:s9+s26], $0x1400, $0x38;
	[tilespmem:$0x1E400] =	vst v63  }
0x55: {  	_ =	swait.ge [sflag:s14], $0x1400  }
0x56: {  	[sflag:s14] =	ssyncset.done $0x0  }
0x57: {  	[sflag:s14] =	ssyncadd.s32 $0xFFFFEC00  }
0x58: {  	[tilespmem:s15], [sflag:$0x5] =	stream.linear.gather [hbm4b:s10+s26], $0x1400, $0x38;
	[tilespmem:$0x1E400] =	vst v63  }
0x59: {  	_ =	swait.ge [sflag:s14], $0x1400  }
0x5a: {  	[sflag:s14] =	ssyncset.done $0x0  }
0x5b: {  	[sflag:s14] =	ssyncadd.s32 $0xFFFFEC00  }
0x5c: {  	[tilespmem:s17], [sflag:$0x1] =	stream.indirect.gather [hbm4b:s1+s16], $0x80, s26, s16, $0xb8;
	[tilespmem:$0x1E400] =	vst v63  }
0x5d: {  	_ = 	snop  }
0x5e: {  	[tilespmem:s18], [sflag:$0x2] =	stream.indirect.gather [hbm4b:s1+s16], $0x80, s16, s16, $0xb8;
	[tilespmem:$0x1E400] =	vst v63  }
0x5f: {  	_ =	swait.ge [sflag:s19], $0x4000  }
0x60: {  	[sflag:s19] =	ssyncset.done $0x0  }
0x61: {  	s29 =	simm.s32 $0x1400;
	[sflag:s19] =	ssyncadd.s32 $0xFFFFC000  }
0x62: {  	[spmem:s3] =	stream.indirect.scatter.add.f32 [tilespmem:s17], [sflag:$0x3], $0x80, s29, s16, $0xb8;
	[tilespmem:$0x1E400] =	vst v63  }
0x63: {  	_ =	swait.ge [sflag:s20], $0x4000  }
0x64: {  	[sflag:s20] =	ssyncset.done $0x0  }
0x65: {  	s30 =	simm.s32 $0x1480;
	[sflag:s20] =	ssyncadd.s32 $0xFFFFC000  }
0x66: {  	[spmem:s3] =	stream.indirect.scatter.add.f32 [tilespmem:s18], [sflag:$0x4], $0x80, s30, s16, $0xb8;
	[tilespmem:$0x1E400] =	vst v63  }
0x67: {  	_ =	swait.ge [sflag:s21], $0x4000  }
0x68: {  	[sflag:s21] =	ssyncset.done $0x0  }
0x69: {  	s31 =	simm.s32 $0x100;
	[sflag:s21] =	ssyncadd.s32 $0xFFFFC000  }
0x6a: {  	[tilespmem:s17], [sflag:$0x1] =	stream.indirect.gather [hbm4b:s1+s16], $0x80, s31, s16, $0xb8;
	[tilespmem:$0x1E400] =	vst v63  }
0x6b: {  	_ =	swait.ge [sflag:s22], $0x4000  }
0x6c: {  	[sflag:s22] =	ssyncset.done $0x0  }
0x6d: {  	s28 =	simm.s32 $0x180;
	s26 =	simm.s32 $0x400;
	[sflag:s22] =	ssyncadd.s32 $0xFFFFC000  }
.LBB2_4:
0x6e: {  	[tilespmem:s18], [sflag:$0x2] =	stream.indirect.gather [hbm4b:s1+s16], $0x80, s28, s16, $0xb8;
	[tilespmem:$0x1E400] =	vst v63  }
0x6f: {  	s28 =	smov.u32 s26  }
0x70: {  	p0 =	sne.s32 s26, $0x4800;
	s26 =	sadd.s32 $0x400, s26;
	_ =	swait.ge [sflag:s19], $0x4000  }
0x71: {  	s28 =	sshra.s32 s28, $0x2;
	[sflag:s19] =	ssyncset.done $0x0  }
0x72: {  	s29 =	sadd.s32 $0x1400, s28;
	[sflag:s19] =	ssyncadd.s32 $0xFFFFC000  }
0x73: {  	[spmem:s3] =	stream.indirect.scatter.add.f32 [tilespmem:s17], [sflag:$0x3], $0x80, s29, s16, $0xb8;
	[tilespmem:$0x1E400] =	vst v63  }
0x74: {  	_ =	swait.ge [sflag:s20], $0x4000  }
0x75: {  	[sflag:s20] =	ssyncset.done $0x0  }
0x76: {  	s29 =	sadd.s32 $0x1480, s28;
	[sflag:s20] =	ssyncadd.s32 $0xFFFFC000  }
0x77: {  	[spmem:s3] =	stream.indirect.scatter.add.f32 [tilespmem:s18], [sflag:$0x4], $0x80, s29, s16, $0xb8;
	[tilespmem:$0x1E400] =	vst v63  }
0x78: {  	_ =	swait.ge [sflag:s21], $0x4000  }
0x79: {  	[sflag:s21] =	ssyncset.done $0x0  }
.Ltmp1:
0x7a: {  	s29 =	sadd.s32 $0x100, s28;
	[sflag:s21] =	ssyncadd.s32 $0xFFFFC000;
	(pc) =	sbr.rel @p0 .LBB2_4-.Ltmp1, $4  }
0x7b: {  	[tilespmem:s17], [sflag:$0x1] =	stream.indirect.gather [hbm4b:s1+s16], $0x80, s29, s16, $0xb8;
	[tilespmem:$0x1E400] =	vst v63  }
0x7c: {  	_ =	swait.ge [sflag:s22], $0x4000  }
0x7d: {  	[sflag:s22] =	ssyncset.done $0x0  }
0x7e: {  	s28 =	sadd.s32 $0x180, s28;
	[sflag:s22] =	ssyncadd.s32 $0xFFFFC000  }
0x7f: {  	[tilespmem:s18], [sflag:$0x2] =	stream.indirect.gather [hbm4b:s1+s16], $0x80, s28, s16, $0xb8;
	[tilespmem:$0x1E400] =	vst v63  }
0x80: {  	_ =	swait.ge [sflag:s19], $0x4000  }
0x81: {  	[sflag:s19] =	ssyncset.done $0x0  }
0x82: {  	[sflag:s19] =	ssyncadd.s32 $0xFFFFC000  }
0x83: {  	[spmem:s3] =	stream.indirect.scatter.add.f32 [tilespmem:s17], [sflag:$0x3], $0x80, s23, s16, $0xb8;
	[tilespmem:$0x1E400] =	vst v63  }
0x84: {  	_ =	swait.ge [sflag:s20], $0x4000  }
0x85: {  	[sflag:s20] =	ssyncset.done $0x0  }
0x86: {  	[sflag:s20] =	ssyncadd.s32 $0xFFFFC000  }
0x87: {  	[spmem:s3] =	stream.indirect.scatter.add.f32 [tilespmem:s18], [sflag:$0x4], $0x80, s24, s16, $0xb8;
	[tilespmem:$0x1E400] =	vst v63  }
0x88: {  	_ =	swait.ge [sflag:s21], $0x4000  }
0x89: {  	[sflag:s21] =	ssyncset.done $0x0  }
0x8a: {  	[sflag:s21] =	ssyncadd.s32 $0xFFFFC000  }
0x8b: {  	_ =	swait.ge [sflag:s22], $0x4000  }
0x8c: {  	s25 =	sadd.s32 $0x1, s25;
	[sflag:s22] =	ssyncset.done $0x0  }
0x8d: {  	p0 =	sne.s32 s25, s12;
	[sflag:s22] =	ssyncadd.s32 $0xFFFFC000  }
.Ltmp2:
0x8e: {  	[bflag:$0x0] =	sbarrier.arrive $0xFFFF;
	(pc) =	sbr.rel @p0 .LBB2_1-.Ltmp2, $4  }
0x8f: {  	[hbm:s11], [sflag:s6] =	dma.local [spmem:s13], $0x2780  }
0x90: {  	_ =	swait.ge [sflag:s14], $0x2780  }
0x91: {  	[sflag:s14] =	ssyncset.done $0x0  }
0x92: {  	[sflag:s14] =	ssyncadd.s32 $0xFFFFD880  }
0x93: {  	_ =	sfence.sel $0x180000  }
0x94: {  	[bflag:$0x0] =	sbarrier.arrive $0xFFFF  }
0x95: {  	p0 =	sne.s32 s0, $0x0;
	_ =	strace $0x9000004D  }
0x96: {  	s0 =	sadd.s32 @!p0 $0x100000, s2;
	[bflag:$0x2] =	sbarrier.arrive $0xFFFF  }
0x97: {  	[sflag:s0] =	ssyncadd.tile.s32 @!p0 $0x1;
	_ =	shalt  }
.Lfunc_end2:
_tile_overlayer_lowered:
.L_overlay_start_2:
0x98: {  	(tag) =	ssettag $0x2  }
0x99: {  	s0 =	rddreg [dreg:$0x0];
	s2 =	stileid.u32  }
0x9a: {  	s1 =	rddreg [dreg:$0x1];
	p0 =	sne.s32 s2, $0x0  }
0x9b: {  	s3 =	rddreg [dreg:$0x2];
	[bflag:$0x3] =	sbarrier.arrive $0xFFFF;
	s2 =	simm.s32 @!p0 $0x1C05  }
0x9c: {  	[timem:s3], [sflag:s2] =	dma.local @!p0 [hbm:s0], s1  }
0x9d: {  	s0 =	simm.s32 @!p0 $0x5  }
0x9e: {  	_ =	swait.ge @!p0 [sflag:s0], s1  }
0x9f: {  	s1 =	ssub.s32 @!p0 $0x0, s1;
	[sflag:s0] =	ssyncset.done @!p0 $0x0  }
0xa0: {  	[sflag:s0] =	ssyncadd.s32 @!p0 s1  }
0xa1: {  	[bflag:$0x3] =	sbarrier.arrive $0xFFFF  }
0xa2: {  	_ =	shalt  }

// kernel: kernel.19.cloned.1.call-start
scs
__scs_entry_jumppad:
0x0: {  	(pc) =	sbr.rel $0x88, $3  }
0x1: {  	(tag) =	ssettag $0x0;
	lr =	simm.s32 $0x1  }
0x2: {  	[smem:$0x3F8A] =	sst lr;
	_ =	strace $0xD0000000  }
0x3: {  	_ = 	snop  }
0x4: {  	_ = 	snop  }
0x5: {  	_ = 	snop  }
0x6: {  	_ = 	snop  }
0x7: {  	_ = 	snop  }
__scs_overlays_trampoline_lowered:
0x8: {  	[smem:$0x3F99] =	sst s0  }
0x9: {  	[smem:$0x3F9A] =	sst s1  }
0xa: {  	[smem:$0x3F9B] =	sst s2  }
0xb: {  	[smem:$0x3F9C] =	sst s3  }
0xc: {  	[smem:$0x3F9D] =	sst s4  }
0xd: {  	[smem:$0x3F9E] =	sst s5  }
0xe: {  	[smem:$0x3F9F] =	sst s6  }
0xf: {  	[smem:$0x3FA0] =	sst s7  }
0x10: {  	[smem:$0x3FA1] =	sst s8  }
0x11: {  	[smem:$0x3FA2] =	sst s9;
	s0 =	simm.s32 @!p0 $0x0  }
0x12: {  	s1 =	sld [smem:$0x3F88];
	s0 =	simm.s32 @p0 $0x1  }
0x13: {  	[smem:$0x3FA3] =	sst s0;
	s0 =	simm.s32 @!p1 $0x0  }
0x14: {  	s2 =	sld [smem:$0x3F87];
	s0 =	simm.s32 @p1 $0x1  }
0x15: {  	[smem:$0x3FA4] =	sst s0;
	s0 =	simm.s32 @!p2 $0x0  }
0x16: {  	s3 =	sld [smem:$0x3FDB];
	s0 =	simm.s32 @p2 $0x1  }
0x17: {  	s4 =	simm.s32 $0x1BF5;
	[smem:$0x3FA6] =	sst s0  }
0x18: {  	s0 =	sld [smem:$0x3F89];
	_ =	swait.ge [sflag:s4], $0x0  }
0x19: {  	s7 =	sld [smem:$0x3F8A]  }
0x1a: {  	s8 =	sadd.s32 $0xFFFFE003, lr  }
0x1b: {  	s9 =	sadd.s32 $0xFFFFFEF7, lr;
	s5 =	simm.s32 $0xFFFFFFFF;
	p2 =	slt.u32 s8, $0xFFFFF086  }
0x1c: {  	p1 =	slt.u32 s9, $0xF7A;
	s5 =	simm.s32 @!p2 $0x0  }
0x1d: {  	s5 =	simm.s32 @p1 $0x1;
	p0 =	seq.s32 s7, s2  }
0x1e: {  	s7 =	smul.u32 @!p0 $0xF7A, s2;
	p2 =	seq.s32 @!p0 s5, $0x0  }
0x1f: {  	s9 =	smul.u32 $0xF7A, s1;
	s8 =	simm.s32 @!p0 $0x1BF5;
	p2 =	por !p2, p0  }
0x20: {  	[sflag:s8] =	ssyncset.s32 @!p0 $0xFFFFF086;
	s6 =	sadd.s32 @!p0 s3, s7;
	s7 =	simm.s32 @!p0 $0x108  }
0x21: {  	s3 =	sadd.s32 s3, s9;
	s6 =	sadd.s32 @!p0 $0x88, s6;
	s7 =	simm.s32 @p2 $0x1082  }
0x22: {  	[simem:s7], [sflag:s8] =	dma.local @!p0 [hbm:s6], $0xF7A  }
0x23: {  	s9 =	sor.u32 $0xD0000000, s2;
	s6 =	simm.s32 $0x108;
	_ =	swait.ge @!p0 [sflag:s8], $0x0  }
0x24: {  	s3 =	sadd.s32 $0x88, s3;
	s6 =	simm.s32 @!p1 $0x1082;
	[sflag:s4] =	ssyncset.s32 $0xFFFFF086  }
0x25: {  	[simem:s6], [sflag:s4] =	dma.local [hbm:s3], $0xF7A  }
0x26: {  	[smem:$0x3F8A] =	sst s1;
	(tag) =	ssettag s2;
	_ =	strace s9  }
0x27: {  	s1 =	sld [smem:$0x3F9A]  }
0x28: {  	s2 =	sld [smem:$0x3F9B]  }
0x29: {  	s4 =	sld [smem:$0x3F9D]  }
0x2a: {  	p0 =	seq.s32 s5, $0x0;
	s5 =	sld [smem:$0x3F9E]  }
0x2b: {  	s6 =	sld [smem:$0x3F9F]  }
0x2c: {  	s7 =	sld [smem:$0x3FA0]  }
0x2d: {  	s3 =	simm.s32 $0x108;
	s8 =	sld [smem:$0x3FA1]  }
0x2e: {  	s3 =	simm.s32 @!p0 $0x1082;
	s9 =	sld [smem:$0x3FA2]  }
0x2f: {  	lr =	sadd.s32 s0, s3;
	s0 =	sld [smem:$0x3F99]  }
0x30: {  	s3 =	sld [smem:$0x3F9C]  }
0x31: {  	[smem:$0x3FA5] =	sst s10  }
0x32: {  	s10 =	sld [smem:$0x3FA3];
	_ =	sdelay $0x3  }
0x33: {  	p0 =	seq.s32 s10, $0x1;
	s10 =	sld [smem:$0x3FA5];
	_ =	sdelay $0x3  }
0x34: {  	[smem:$0x3FA5] =	sst s10  }
0x35: {  	s10 =	sld [smem:$0x3FA4];
	_ =	sdelay $0x3  }
0x36: {  	p1 =	seq.s32 s10, $0x1;
	s10 =	sld [smem:$0x3FA5];
	_ =	sdelay $0x3  }
0x37: {  	[smem:$0x3FA5] =	sst s10  }
0x38: {  	s10 =	sld [smem:$0x3FA6]  }
0x39: {  	_ = 	snop;
	(pc) =	sbr.ind lr, $3  }
0x3a: {  	_ = 	snop  }
0x3b: {  	_ = 	snop  }
0x3c: {  	p2 =	seq.s32 s10, $0x1;
	s10 =	sld [smem:$0x3FA5]  }
0x3d: {  	_ =	shalt  }
0x3e: {  	_ =	shalt  }
0x3f: {  	_ =	shalt  }
0x40: {  	_ =	shalt  }
0x41: {  	_ =	shalt  }
0x42: {  	_ =	shalt  }
0x43: {  	_ =	shalt  }
0x44: {  	_ =	shalt  }
0x45: {  	_ =	shalt  }
0x46: {  	_ =	shalt  }
0x47: {  	_ =	shalt  }
0x48: {  	_ =	shalt  }
0x49: {  	_ =	shalt  }
0x4a: {  	_ =	shalt  }
0x4b: {  	_ =	shalt  }
0x4c: {  	_ =	shalt  }
0x4d: {  	_ =	shalt  }
0x4e: {  	_ =	shalt  }
0x4f: {  	_ =	shalt  }
0x50: {  	_ =	shalt  }
0x51: {  	_ =	shalt  }
0x52: {  	_ =	shalt  }
0x53: {  	_ =	shalt  }
0x54: {  	_ =	shalt  }
0x55: {  	_ =	shalt  }
0x56: {  	_ =	shalt  }
0x57: {  	_ =	shalt  }
0x58: {  	_ =	shalt  }
0x59: {  	_ =	shalt  }
0x5a: {  	_ =	shalt  }
0x5b: {  	_ =	shalt  }
0x5c: {  	_ =	shalt  }
0x5d: {  	_ =	shalt  }
0x5e: {  	_ =	shalt  }
0x5f: {  	_ =	shalt  }
0x60: {  	_ =	shalt  }
0x61: {  	_ =	shalt  }
0x62: {  	_ =	shalt  }
0x63: {  	_ =	shalt  }
0x64: {  	_ =	shalt  }
0x65: {  	_ =	shalt  }
0x66: {  	_ =	shalt  }
0x67: {  	_ =	shalt  }
0x68: {  	_ =	shalt  }
0x69: {  	_ =	shalt  }
0x6a: {  	_ =	shalt  }
0x6b: {  	_ =	shalt  }
0x6c: {  	_ =	shalt  }
0x6d: {  	_ =	shalt  }
0x6e: {  	_ =	shalt  }
0x6f: {  	_ =	shalt  }
0x70: {  	_ =	shalt  }
0x71: {  	_ =	shalt  }
0x72: {  	_ =	shalt  }
0x73: {  	_ =	shalt  }
0x74: {  	_ =	shalt  }
0x75: {  	_ =	shalt  }
0x76: {  	_ =	shalt  }
0x77: {  	_ =	shalt  }
0x78: {  	_ =	shalt  }
0x79: {  	_ =	shalt  }
0x7a: {  	_ =	shalt  }
0x7b: {  	_ =	shalt  }
0x7c: {  	_ =	shalt  }
0x7d: {  	_ =	shalt  }
0x7e: {  	_ =	shalt  }
0x7f: {  	_ =	shalt  }
0x80: {  	_ =	shalt  }
0x81: {  	_ =	shalt  }
0x82: {  	_ =	shalt  }
0x83: {  	_ =	shalt  }
0x84: {  	_ =	shalt  }
0x85: {  	_ =	shalt  }
0x86: {  	_ =	shalt  }
0x87: {  	_ =	shalt  }
.Lfunc_end0:
.L_simem_size_0:
called_computation.3_lowered:
.L_overlay_start_0:
0x88: {  	s2 =	sld [smem:$0x3FD9]  }
0x89: {  	s3 =	sld [smem:$0x3FFE];
	_ =	sdelay $0x1  }
0x8a: {  	s1 =	srdreg.scid  }
0x8b: {  	s0 =	sand.u32 $0x1, s1  }
0x8c: {  	s14 =	sshll.u32 s0, $0xA;
	s2 =	sadd.s32 s3, s2  }
0x8d: {  	s2 =	sadd.s32 s2, s14  }
0x8e: {  	[smem:$0x3FB1] =	sst s2  }
0x8f: {  	_ = 	snop  }
0x90: {  	s2 =	sld [smem:$0x3FD0];
	_ =	sdelay $0x2  }
0x91: {  	s15 =	simm.s32 $0xB;
	s4 =	simm.s32 $0x10  }
0x92: {  	[smem:s4], [sflag:s15] =	dma.local [hbm:s2], $0x1  }
0x93: {  	_ =	swait.eq [sflag:s15], $0x1  }
0x94: {  	[sflag:s15] =	ssyncset.done $0x0  }
0x95: {  	s16 =	sld [smem:$0x10];
	[sflag:s15] =	ssyncadd.s32 $0xFFFFFFFF  }
0x96: {  	s17 =	sld [smem:$0x11];
	(tm) =	ssettm $0x1  }
0x97: {  	s18 =	sld [smem:$0x3FFB];
	_ =	sdelay $0x3  }
0x98: {  	_ =	strace s18  }
0x99: {  	s4 =	sld [smem:$0x3FFC];
	_ =	sdelay $0x3  }
0x9a: {  	_ =	strace s4  }
0x9b: {  	s4 =	sld [smem:$0x3FFD];
	_ =	sdelay $0x3  }
0x9c: {  	_ =	strace s4  }
0x9d: {  	_ =	strace $0x8FFFFFFF  }
0x9e: {  	s19 =	sld [smem:$0x3FDB];
	_ =	sdelay $0x1  }
0x9f: {  	s5 =	simm.s32 $_scs_section_size  }
0xa0: {  	s6 =	simm.s32 $_size__tile_overlayer_lowered;
	s7 =	simm.s32 $_tile_overlayer_lowered  }
0xa1: {  	s22 =	simm.s32 $0x1BFF;
	s21 =	sshll.u32 s7, $0x1;
	s4 =	sadd.s32 s5, s19  }
0xa2: {  	s8 =	simm.s32 $0x0;
	s20 =	sshll.u32 s6, $0x1;
	s6 =	sadd.s32 s21, s4  }
0xa3: {  	[timem:s8], [sflag:s22] =	dma.local [hbm:s6], s20  }
0xa4: {  	_ =	swait.ge [sflag:s22], s20  }
0xa5: {  	s5 =	ssub.s32 $0x0, s20;
	[sflag:s22] =	ssyncset.done $0x0  }
0xa6: {  	[sflag:s22] =	ssyncadd.s32 s5;
	_ =	sdelay $0x1  }
0xa7: {  	s23 =	simm.s32 $0x1B8B  }
0xa8: {  	_ =	swait.ge [sflag:s23], $0x1  }
0xa9: {  	[sflag:s23] =	ssyncset.done $0x0  }
0xaa: {  	s25 =	simm.s32 $0x1B8E;
	s24 =	sld [smem:$0x3FFE];
	[sflag:s23] =	ssyncadd.s32 $0xFFFFFFFF  }
0xab: {  	s26 =	simm.s32 $execute0_lowered;
	[smem:$0x3FD2] =	sst s25  }
0xac: {  	s6 =	sshll.u32 s26, $0x1;
	_ =	strace $0x8000004F;
	[dreg:$0x1] =	wrdreg $0xFFFFFFFF  }
0xad: {  	s28 =	simm.s32 $_size_execute0_lowered;
	s4 =	sadd.s32 s4, s6;
	[dreg:$0x0] =	wrdreg $0x0  }
0xae: {  	s6 =	sshll.u32 s28, $0x1;
	[dreg:$0x2] =	wrdreg s4  }
0xaf: {  	[dreg:$0x3] =	wrdreg s6  }
0xb0: {  	[dreg:$0x4] =	wrdreg $0xC0  }
0xb1: {  	_ =	task [dreg:s8], $0x5FFFF  }
0xb2: {  	[dreg:$0x1] =	wrdreg $0xFFFFFFFF  }
0xb3: {  	[dreg:$0x0] =	wrdreg $0x60  }
0xb4: {  	[dreg:$0x2] =	wrdreg s16  }
0xb5: {  	[dreg:$0x3] =	wrdreg s17  }
0xb6: {  	[dreg:$0x4] =	wrdreg s24  }
0xb7: {  	[dreg:$0x5] =	wrdreg $0xA8000  }
0xb8: {  	[dreg:$0x6] =	wrdreg $0x9  }
0xb9: {  	_ =	task.clear_ibuf [dreg:s8], $0x7FFFF;
	_ =	strace $0x9000004F  }
0xba: {  	s29 =	simm.s32 $0x9;
	_ =	strace $0x80000051  }
0xbb: {  	_ =	swait.ge [sflag:s29], $0x1  }
0xbc: {  	[sflag:s29] =	ssyncadd.s32 $0xFFFFFFFF  }
0xbd: {  	_ =	strace $0x90000051  }
0xbe: {  	_ =	sfence  }
0xbf: {  	s30 =	sld [smem:$0x0];
	_ =	sdelay $0x2  }
0xc0: {  	s31 =	sshll.u32 s1, $0xD;
	s1 =	sshrl.u32 s1, $0x2  }
0xc1: {  	s3 =	sand.u32 $0x4000, s31;
	s1 =	sadd.s32 s1, s30  }
0xc2: {  	s0 =	sor.u32 s3, s0;
	s1 =	sshll.u32 s1, $0x11  }
0xc3: {  	s0 =	sor.u32 s1, s0  }
0xc4: {  	s0 =	sadd.s32 $0x8F2B, s0  }
0xc5: {  	[sflag:s0] =	ssyncadd.remote.s32 $0x1  }
0xc6: {  	_ =	sfence.sel $0xFFFF  }
0xc7: {  	[dreg:$0x0] =	wrdreg $0xFFFFFFFF;
	(pc) =	sbr.abs _section_cstart, $3  }
0xc8: {  	[dreg:$0x1] =	wrdreg $0xFFFFFFFF  }
0xc9: {  	_ =	task.clear_ibuf [dreg:s8], $0x2FFFF;
	_ =	strace $0x9FFFFFFF  }
0xca: {  	(tm) =	ssettm $0x7FFFFFFF  }
0xcb: {  	_ =	shalt  }
tec
execute0_lowered:
.L_overlay_start_1:
0x0: {  	(tag) =	ssettag $0x1  }
0x1: {  	s1 =	rddreg [dreg:$0x0]  }
0x2: {  	s9 =	rddreg [dreg:$0x1]  }
0x3: {  	s5 =	rddreg [dreg:$0x2]  }
0x4: {  	s3 =	rddreg [dreg:$0x3];
	s0 =	stileid.u32  }
0x5: {  	s7 =	srdreg.scid;
	s2 =	rddreg [dreg:$0x4]  }
0x6: {  	s4 =	simm.s32 $0x0;
	s15 =	simm.s32 $0x1400;
	s16 =	simm.s32 $0x80  }
0x7: {  	s17 =	simm.s32 $0x2800;
	s18 =	simm.s32 $0x6800;
	s19 =	simm.s32 $0x1  }
0x8: {  	s20 =	simm.s32 $0x2;
	s21 =	simm.s32 $0x3;
	s22 =	simm.s32 $0x4  }
0x9: {  	s23 =	simm.s32 $0x2700;
	s24 =	simm.s32 $0x2780;
	s6 =	smul.u32 $0x13C00, s0  }
0xa: {  	s7 =	sand.u32 $0x1, s7;
	[smem:$0x7FF] =	sst s4;
	s11 =	sadd.s32 $0x4E00, s5  }
0xb: {  	s25 =	smul.u32 $0x4F000, s0;
	s12 =	sshll.u32 s0, $0x1;
	s29 =	sshll.u32 s0, $0x6  }
0xc: {  	s10 =	smul.u32 $0x13C000, s7;
	_ =	strace $0x80000050;
	s13 =	ssub.s32 $0x2, s7  }
0xd: {  	s7 =	sor.u32 s7, s12;
	s8 =	sshrl.u32 s6, $0x3;
	s26 =	sshrl.u32 s13, $0x1  }
0xe: {  	s7 =	smul.u32 $0x2800, s7;
	s8 =	sadd.s32 s8, s5;
	s6 =	sadd.s32 s6, s10  }
0xf: {  	s10 =	sshrl.u32 s25, $0x2;
	s12 =	ssub.s32 s13, s26;
	s25 =	simm.s32 $0x0  }
0x10: {  	s6 =	sshrl.u32 s6, $0x3;
	s28 =	sadd.s32 s10, s3;
	s30 =	sshrl.u32 s7, $0x3  }
0x11: {  	s12 =	smax.u32 s12, $0x1;
	s14 =	sadd.s32 s6, s5;
	s5 =	sadd.s32 $0xEE00, s8  }
0x12: {  	s6 =	sor.u32 $0x1C05, s29;
	s7 =	sadd.s32 s9, s30;
	s31 =	sadd.s32 $0x280, s30  }
0x13: {  	s8 =	sadd.s32 s11, s30;
	s13 =	sshrl.u32 s28, $0x3;
	s9 =	sadd.s32 s9, s31  }
0x14: {  	s10 =	sadd.s32 s11, s31;
	s11 =	sadd.s32 $0x36600, s14;
	s14 =	simm.s32 $0x5  }
.LBB2_1:
0x15: {  	[spmem:s13], [sflag:s6] =	dma.local [hbm:s5], $0x2780  }
0x16: {  	_ =	swait.ge [sflag:s14], $0x2780  }
0x17: {  	[sflag:s14] =	ssyncset.done $0x0  }
0x18: {  	[sflag:s14] =	ssyncadd.s32 $0xFFFFD880  }
0x19: {  	[bflag:$0x0] =	sbarrier.arrive $0xFFFF  }
0x1a: {  	[tilespmem:s4], [sflag:$0x5] =	stream.linear.gather [hbm4b:s7+s4], $0x1400, $0x38;
	[tilespmem:$0x1E400] =	vst v63  }
0x1b: {  	_ =	swait.ge [sflag:s14], $0x1400  }
0x1c: {  	[sflag:s14] =	ssyncset.done $0x0  }
0x1d: {  	[sflag:s14] =	ssyncadd.s32 $0xFFFFEC00  }
0x1e: {  	[tilespmem:s15], [sflag:$0x5] =	stream.linear.gather [hbm4b:s8+s4], $0x1400, $0x38;
	[tilespmem:$0x1E400] =	vst v63  }
0x1f: {  	_ =	swait.ge [sflag:s14], $0x1400  }
0x20: {  	[sflag:s14] =	ssyncset.done $0x0  }
0x21: {  	[sflag:s14] =	ssyncadd.s32 $0xFFFFEC00  }
0x22: {  	[tilespmem:s17], [sflag:$0x1] =	stream.indirect.gather [hbm4b:s1+s16], $0x80, s4, s16, $0xb8;
	[tilespmem:$0x1E400] =	vst v63  }
0x23: {  	_ = 	snop  }
0x24: {  	[tilespmem:s18], [sflag:$0x2] =	stream.indirect.gather [hbm4b:s1+s16], $0x80, s16, s16, $0xb8;
	[tilespmem:$0x1E400] =	vst v63  }
0x25: {  	_ =	swait.ge [sflag:s19], $0x4000  }
0x26: {  	[sflag:s19] =	ssyncset.done $0x0  }
0x27: {  	s26 =	simm.s32 $0x1400;
	[sflag:s19] =	ssyncadd.s32 $0xFFFFC000  }
0x28: {  	[spmem:s3] =	stream.indirect.scatter.add.f32 [tilespmem:s17], [sflag:$0x3], $0x80, s26, s16, $0xb8;
	[tilespmem:$0x1E400] =	vst v63  }
0x29: {  	_ =	swait.ge [sflag:s20], $0x4000  }
0x2a: {  	[sflag:s20] =	ssyncset.done $0x0  }
0x2b: {  	s30 =	simm.s32 $0x1480;
	[sflag:s20] =	ssyncadd.s32 $0xFFFFC000  }
0x2c: {  	[spmem:s3] =	stream.indirect.scatter.add.f32 [tilespmem:s18], [sflag:$0x4], $0x80, s30, s16, $0xb8;
	[tilespmem:$0x1E400] =	vst v63  }
0x2d: {  	_ =	swait.ge [sflag:s21], $0x4000  }
0x2e: {  	[sflag:s21] =	ssyncset.done $0x0  }
0x2f: {  	s31 =	simm.s32 $0x100;
	[sflag:s21] =	ssyncadd.s32 $0xFFFFC000  }
0x30: {  	[tilespmem:s17], [sflag:$0x1] =	stream.indirect.gather [hbm4b:s1+s16], $0x80, s31, s16, $0xb8;
	[tilespmem:$0x1E400] =	vst v63  }
0x31: {  	_ =	swait.ge [sflag:s22], $0x4000  }
0x32: {  	[sflag:s22] =	ssyncset.done $0x0  }
0x33: {  	s28 =	simm.s32 $0x180;
	s26 =	simm.s32 $0x400;
	[sflag:s22] =	ssyncadd.s32 $0xFFFFC000  }
.LBB2_2:
0x34: {  	[tilespmem:s18], [sflag:$0x2] =	stream.indirect.gather [hbm4b:s1+s16], $0x80, s28, s16, $0xb8;
	[tilespmem:$0x1E400] =	vst v63  }
0x35: {  	s28 =	smov.u32 s26  }
0x36: {  	p0 =	sne.s32 s26, $0x4800;
	s26 =	sadd.s32 $0x400, s26;
	_ =	swait.ge [sflag:s19], $0x4000  }
0x37: {  	s28 =	sshra.s32 s28, $0x2;
	[sflag:s19] =	ssyncset.done $0x0  }
0x38: {  	s29 =	sadd.s32 $0x1400, s28;
	[sflag:s19] =	ssyncadd.s32 $0xFFFFC000  }
0x39: {  	[spmem:s3] =	stream.indirect.scatter.add.f32 [tilespmem:s17], [sflag:$0x3], $0x80, s29, s16, $0xb8;
	[tilespmem:$0x1E400] =	vst v63  }
0x3a: {  	_ =	swait.ge [sflag:s20], $0x4000  }
0x3b: {  	[sflag:s20] =	ssyncset.done $0x0  }
0x3c: {  	s29 =	sadd.s32 $0x1480, s28;
	[sflag:s20] =	ssyncadd.s32 $0xFFFFC000  }
0x3d: {  	[spmem:s3] =	stream.indirect.scatter.add.f32 [tilespmem:s18], [sflag:$0x4], $0x80, s29, s16, $0xb8;
	[tilespmem:$0x1E400] =	vst v63  }
0x3e: {  	_ =	swait.ge [sflag:s21], $0x4000  }
0x3f: {  	[sflag:s21] =	ssyncset.done $0x0  }
.Ltmp0:
0x40: {  	s29 =	sadd.s32 $0x100, s28;
	[sflag:s21] =	ssyncadd.s32 $0xFFFFC000;
	(pc) =	sbr.rel @p0 .LBB2_2-.Ltmp0, $4  }
0x41: {  	[tilespmem:s17], [sflag:$0x1] =	stream.indirect.gather [hbm4b:s1+s16], $0x80, s29, s16, $0xb8;
	[tilespmem:$0x1E400] =	vst v63  }
0x42: {  	_ =	swait.ge [sflag:s22], $0x4000  }
0x43: {  	[sflag:s22] =	ssyncset.done $0x0  }
0x44: {  	s28 =	sadd.s32 $0x180, s28;
	[sflag:s22] =	ssyncadd.s32 $0xFFFFC000  }
0x45: {  	[tilespmem:s18], [sflag:$0x2] =	stream.indirect.gather [hbm4b:s1+s16], $0x80, s28, s16, $0xb8;
	[tilespmem:$0x1E400] =	vst v63  }
0x46: {  	_ =	swait.ge [sflag:s19], $0x4000  }
0x47: {  	[sflag:s19] =	ssyncset.done $0x0  }
0x48: {  	[sflag:s19] =	ssyncadd.s32 $0xFFFFC000  }
0x49: {  	[spmem:s3] =	stream.indirect.scatter.add.f32 [tilespmem:s17], [sflag:$0x3], $0x80, s23, s16, $0xb8;
	[tilespmem:$0x1E400] =	vst v63  }
0x4a: {  	_ =	swait.ge [sflag:s20], $0x4000  }
0x4b: {  	[sflag:s20] =	ssyncset.done $0x0  }
0x4c: {  	[sflag:s20] =	ssyncadd.s32 $0xFFFFC000  }
0x4d: {  	[spmem:s3] =	stream.indirect.scatter.add.f32 [tilespmem:s18], [sflag:$0x4], $0x80, s24, s16, $0xb8;
	[tilespmem:$0x1E400] =	vst v63  }
0x4e: {  	_ =	swait.ge [sflag:s21], $0x4000  }
0x4f: {  	[sflag:s21] =	ssyncset.done $0x0  }
0x50: {  	[sflag:s21] =	ssyncadd.s32 $0xFFFFC000  }
0x51: {  	_ =	swait.ge [sflag:s22], $0x4000  }
0x52: {  	[sflag:s22] =	ssyncset.done $0x0  }
0x53: {  	s26 =	simm.s32 $0x0;
	[sflag:s22] =	ssyncadd.s32 $0xFFFFC000  }
0x54: {  	[tilespmem:s26], [sflag:$0x5] =	stream.linear.gather [hbm4b:s9+s26], $0x1400, $0x38;
	[tilespmem:$0x1E400] =	vst v63  }
0x55: {  	_ =	swait.ge [sflag:s14], $0x1400  }
0x56: {  	[sflag:s14] =	ssyncset.done $0x0  }
0x57: {  	[sflag:s14] =	ssyncadd.s32 $0xFFFFEC00  }
0x58: {  	[tilespmem:s15], [sflag:$0x5] =	stream.linear.gather [hbm4b:s10+s26], $0x1400, $0x38;
	[tilespmem:$0x1E400] =	vst v63  }
0x59: {  	_ =	swait.ge [sflag:s14], $0x1400  }
0x5a: {  	[sflag:s14] =	ssyncset.done $0x0  }
0x5b: {  	[sflag:s14] =	ssyncadd.s32 $0xFFFFEC00  }
0x5c: {  	[tilespmem:s17], [sflag:$0x1] =	stream.indirect.gather [hbm4b:s1+s16], $0x80, s26, s16, $0xb8;
	[tilespmem:$0x1E400] =	vst v63  }
0x5d: {  	_ = 	snop  }
0x5e: {  	[tilespmem:s18], [sflag:$0x2] =	stream.indirect.gather [hbm4b:s1+s16], $0x80, s16, s16, $0xb8;
	[tilespmem:$0x1E400] =	vst v63  }
0x5f: {  	_ =	swait.ge [sflag:s19], $0x4000  }
0x60: {  	[sflag:s19] =	ssyncset.done $0x0  }
0x61: {  	s29 =	simm.s32 $0x1400;
	[sflag:s19] =	ssyncadd.s32 $0xFFFFC000  }
0x62: {  	[spmem:s3] =	stream.indirect.scatter.add.f32 [tilespmem:s17], [sflag:$0x3], $0x80, s29, s16, $0xb8;
	[tilespmem:$0x1E400] =	vst v63  }
0x63: {  	_ =	swait.ge [sflag:s20], $0x4000  }
0x64: {  	[sflag:s20] =	ssyncset.done $0x0  }
0x65: {  	s30 =	simm.s32 $0x1480;
	[sflag:s20] =	ssyncadd.s32 $0xFFFFC000  }
0x66: {  	[spmem:s3] =	stream.indirect.scatter.add.f32 [tilespmem:s18], [sflag:$0x4], $0x80, s30, s16, $0xb8;
	[tilespmem:$0x1E400] =	vst v63  }
0x67: {  	_ =	swait.ge [sflag:s21], $0x4000  }
0x68: {  	[sflag:s21] =	ssyncset.done $0x0  }
0x69: {  	s31 =	simm.s32 $0x100;
	[sflag:s21] =	ssyncadd.s32 $0xFFFFC000  }
0x6a: {  	[tilespmem:s17], [sflag:$0x1] =	stream.indirect.gather [hbm4b:s1+s16], $0x80, s31, s16, $0xb8;
	[tilespmem:$0x1E400] =	vst v63  }
0x6b: {  	_ =	swait.ge [sflag:s22], $0x4000  }
0x6c: {  	[sflag:s22] =	ssyncset.done $0x0  }
0x6d: {  	s28 =	simm.s32 $0x180;
	s26 =	simm.s32 $0x400;
	[sflag:s22] =	ssyncadd.s32 $0xFFFFC000  }
.LBB2_4:
0x6e: {  	[tilespmem:s18], [sflag:$0x2] =	stream.indirect.gather [hbm4b:s1+s16], $0x80, s28, s16, $0xb8;
	[tilespmem:$0x1E400] =	vst v63  }
0x6f: {  	s28 =	smov.u32 s26  }
0x70: {  	p0 =	sne.s32 s26, $0x4800;
	s26 =	sadd.s32 $0x400, s26;
	_ =	swait.ge [sflag:s19], $0x4000  }
0x71: {  	s28 =	sshra.s32 s28, $0x2;
	[sflag:s19] =	ssyncset.done $0x0  }
0x72: {  	s29 =	sadd.s32 $0x1400, s28;
	[sflag:s19] =	ssyncadd.s32 $0xFFFFC000  }
0x73: {  	[spmem:s3] =	stream.indirect.scatter.add.f32 [tilespmem:s17], [sflag:$0x3], $0x80, s29, s16, $0xb8;
	[tilespmem:$0x1E400] =	vst v63  }
0x74: {  	_ =	swait.ge [sflag:s20], $0x4000  }
0x75: {  	[sflag:s20] =	ssyncset.done $0x0  }
0x76: {  	s29 =	sadd.s32 $0x1480, s28;
	[sflag:s20] =	ssyncadd.s32 $0xFFFFC000  }
0x77: {  	[spmem:s3] =	stream.indirect.scatter.add.f32 [tilespmem:s18], [sflag:$0x4], $0x80, s29, s16, $0xb8;
	[tilespmem:$0x1E400] =	vst v63  }
0x78: {  	_ =	swait.ge [sflag:s21], $0x4000  }
0x79: {  	[sflag:s21] =	ssyncset.done $0x0  }
.Ltmp1:
0x7a: {  	s29 =	sadd.s32 $0x100, s28;
	[sflag:s21] =	ssyncadd.s32 $0xFFFFC000;
	(pc) =	sbr.rel @p0 .LBB2_4-.Ltmp1, $4  }
0x7b: {  	[tilespmem:s17], [sflag:$0x1] =	stream.indirect.gather [hbm4b:s1+s16], $0x80, s29, s16, $0xb8;
	[tilespmem:$0x1E400] =	vst v63  }
0x7c: {  	_ =	swait.ge [sflag:s22], $0x4000  }
0x7d: {  	[sflag:s22] =	ssyncset.done $0x0  }
0x7e: {  	s28 =	sadd.s32 $0x180, s28;
	[sflag:s22] =	ssyncadd.s32 $0xFFFFC000  }
0x7f: {  	[tilespmem:s18], [sflag:$0x2] =	stream.indirect.gather [hbm4b:s1+s16], $0x80, s28, s16, $0xb8;
	[tilespmem:$0x1E400] =	vst v63  }
0x80: {  	_ =	swait.ge [sflag:s19], $0x4000  }
0x81: {  	[sflag:s19] =	ssyncset.done $0x0  }
0x82: {  	[sflag:s19] =	ssyncadd.s32 $0xFFFFC000  }
0x83: {  	[spmem:s3] =	stream.indirect.scatter.add.f32 [tilespmem:s17], [sflag:$0x3], $0x80, s23, s16, $0xb8;
	[tilespmem:$0x1E400] =	vst v63  }
0x84: {  	_ =	swait.ge [sflag:s20], $0x4000  }
0x85: {  	[sflag:s20] =	ssyncset.done $0x0  }
0x86: {  	[sflag:s20] =	ssyncadd.s32 $0xFFFFC000  }
0x87: {  	[spmem:s3] =	stream.indirect.scatter.add.f32 [tilespmem:s18], [sflag:$0x4], $0x80, s24, s16, $0xb8;
	[tilespmem:$0x1E400] =	vst v63  }
0x88: {  	_ =	swait.ge [sflag:s21], $0x4000  }
0x89: {  	[sflag:s21] =	ssyncset.done $0x0  }
0x8a: {  	[sflag:s21] =	ssyncadd.s32 $0xFFFFC000  }
0x8b: {  	_ =	swait.ge [sflag:s22], $0x4000  }
0x8c: {  	s25 =	sadd.s32 $0x1, s25;
	[sflag:s22] =	ssyncset.done $0x0  }
0x8d: {  	p0 =	sne.s32 s25, s12;
	[sflag:s22] =	ssyncadd.s32 $0xFFFFC000  }
.Ltmp2:
0x8e: {  	[bflag:$0x0] =	sbarrier.arrive $0xFFFF;
	(pc) =	sbr.rel @p0 .LBB2_1-.Ltmp2, $4  }
0x8f: {  	[hbm:s11], [sflag:s6] =	dma.local [spmem:s13], $0x2780  }
0x90: {  	_ =	swait.ge [sflag:s14], $0x2780  }
0x91: {  	[sflag:s14] =	ssyncset.done $0x0  }
0x92: {  	[sflag:s14] =	ssyncadd.s32 $0xFFFFD880  }
0x93: {  	_ =	sfence.sel $0x180000  }
0x94: {  	[bflag:$0x0] =	sbarrier.arrive $0xFFFF  }
0x95: {  	p0 =	sne.s32 s0, $0x0;
	_ =	strace $0x90000050  }
0x96: {  	s0 =	sadd.s32 @!p0 $0x100000, s2;
	[bflag:$0x2] =	sbarrier.arrive $0xFFFF  }
0x97: {  	[sflag:s0] =	ssyncadd.tile.s32 @!p0 $0x1;
	_ =	shalt  }
.Lfunc_end2:
_tile_overlayer_lowered:
.L_overlay_start_2:
0x98: {  	(tag) =	ssettag $0x2  }
0x99: {  	s0 =	rddreg [dreg:$0x0];
	s2 =	stileid.u32  }
0x9a: {  	s1 =	rddreg [dreg:$0x1];
	p0 =	sne.s32 s2, $0x0  }
0x9b: {  	s3 =	rddreg [dreg:$0x2];
	[bflag:$0x3] =	sbarrier.arrive $0xFFFF;
	s2 =	simm.s32 @!p0 $0x1C05  }
0x9c: {  	[timem:s3], [sflag:s2] =	dma.local @!p0 [hbm:s0], s1  }
0x9d: {  	s0 =	simm.s32 @!p0 $0x5  }
0x9e: {  	_ =	swait.ge @!p0 [sflag:s0], s1  }
0x9f: {  	s1 =	ssub.s32 @!p0 $0x0, s1;
	[sflag:s0] =	ssyncset.done @!p0 $0x0  }
0xa0: {  	[sflag:s0] =	ssyncadd.s32 @!p0 s1  }
0xa1: {  	[bflag:$0x3] =	sbarrier.arrive $0xFFFF  }
0xa2: {  	_ =	shalt  }

</sc_bundles>
